<compile_context>
chip_gen: v7x
topology: tpu7x:2x2x1
jax: 0.10.2.dev20260603
libtpu: 0.0.44.dev20260713+nightly
codegen_flags: <defaults>
</compile_context>

<pallas_src>
import functools

import jax
import jax.numpy as jnp
from jax import lax
from jax.experimental import pallas as pl
from jax.experimental.pallas import tpu as pltpu
from jax.experimental.pallas import tpu_sc as plsc

N = 10000
E = 320000
D = 128
DCTX = 16
NC = 2
NS = 16
NW = NC * NS
BATCH = 128
EROWS = E // BATCH
NB = 80
CH = 40
TAIL = EROWS - (NW - 1) * NB
NACC = 10240
RPT = NACC // NS
NPAD = NACC - N
DEG_DT = jnp.float32
EPS = 1e-5

_mesh = plsc.VectorSubcoreMesh(
    core_axis_name="c", subcore_axis_name="s", num_cores=NC, num_subcores=NS
)


@functools.partial(
    pl.kernel,
    out_type=jax.ShapeDtypeStruct((NC, NACC, D), DEG_DT),
    mesh=_mesh,
    scratch_types=[
        pltpu.VMEM((NB, BATCH), jnp.int32),
        pltpu.VMEM((BATCH, D), DEG_DT),
        pltpu.VMEM_SHARED((NACC, D), DEG_DT),
        pltpu.SemaphoreType.DMA,
    ],
)
def _deg_kernel(e_hbm, zeros_hbm, ones_hbm, out_hbm, idx_v, ones_v, acc_sh, zsem):
    c = lax.axis_index("c")
    s = lax.axis_index("s")
    wid = s * NC + c
    last = wid == NW - 1
    pltpu.async_copy(zeros_hbm.at[pl.ds(s * RPT, RPT)], acc_sh.at[pl.ds(s * RPT, RPT)], zsem)
    pltpu.sync_copy(ones_hbm, ones_v)

    @pl.when(jnp.logical_not(last))
    def _load_main():
        pltpu.sync_copy(e_hbm.at[1, pl.ds(wid * NB, NB)], idx_v)

    @pl.when(last)
    def _load_tail():
        pltpu.sync_copy(e_hbm.at[1, pl.ds((NW - 1) * NB, TAIL)], idx_v.at[pl.ds(0, TAIL)])

    pltpu.make_async_copy(
        zeros_hbm.at[pl.ds(s * RPT, RPT)], acc_sh.at[pl.ds(s * RPT, RPT)], zsem
    ).wait()
    plsc.subcore_barrier()
    nb = jnp.where(last, TAIL, NB)

    def body(j, carry):
        pltpu.sync_copy(ones_v, acc_sh.at[idx_v.at[j]], add=True)
        return carry

    lax.fori_loop(0, nb, body, 0)
    plsc.subcore_barrier()
    pltpu.sync_copy(acc_sh.at[pl.ds(s * RPT, RPT)], out_hbm.at[c, pl.ds(s * RPT, RPT)])


@functools.partial(
    pl.kernel,
    out_type=jax.ShapeDtypeStruct((NC, NACC, D), jnp.float32),
    mesh=_mesh,
    scratch_types=[
        pltpu.VMEM((CH, BATCH), jnp.int32),
        pltpu.VMEM((CH, BATCH), jnp.int32),
        pltpu.VMEM((2, BATCH, D), jnp.float32),
        pltpu.VMEM_SHARED((NACC, D), jnp.float32),
        pltpu.SemaphoreType.DMA,
        pltpu.SemaphoreType.DMA,
    ],
)
def _scatter_kernel(h_hbm, e_hbm, zeros_hbm, out_hbm,
                    src_v, dst_v, rows_v, acc_sh, gsem, ssem):
    c = lax.axis_index("c")
    s = lax.axis_index("s")
    wid = s * NC + c
    last = wid == NW - 1

    @pl.when(c == 0)
    def _seed_h():
        pltpu.async_copy(h_hbm.at[pl.ds(s * RPT, RPT)], acc_sh.at[pl.ds(s * RPT, RPT)], ssem)

    @pl.when(c != 0)
    def _seed_zero():
        pltpu.async_copy(zeros_hbm.at[pl.ds(s * RPT, RPT)], acc_sh.at[pl.ds(s * RPT, RPT)], ssem)

    @pl.when(jnp.logical_not(last))
    def _pref_main():
        pltpu.sync_copy(e_hbm.at[0, pl.ds(wid * NB, CH)], src_v)
        pltpu.sync_copy(e_hbm.at[1, pl.ds(wid * NB, CH)], dst_v)

    @pl.when(last)
    def _pref_tail():
        pltpu.sync_copy(e_hbm.at[0, pl.ds((NW - 1) * NB, TAIL)], src_v.at[pl.ds(0, TAIL)])
        pltpu.sync_copy(e_hbm.at[1, pl.ds((NW - 1) * NB, TAIL)], dst_v.at[pl.ds(0, TAIL)])

    pltpu.async_copy(h_hbm.at[src_v.at[0]], rows_v.at[0], gsem)
    pltpu.make_async_copy(
        zeros_hbm.at[pl.ds(s * RPT, RPT)], acc_sh.at[pl.ds(s * RPT, RPT)], ssem
    ).wait()
    plsc.subcore_barrier()

    def _pipeline(base, ch, prefetched=False):
        if not prefetched:
            pltpu.sync_copy(e_hbm.at[0, pl.ds(base, ch)], src_v.at[pl.ds(0, ch)])
            pltpu.sync_copy(e_hbm.at[1, pl.ds(base, ch)], dst_v.at[pl.ds(0, ch)])
            pltpu.async_copy(h_hbm.at[src_v.at[0]], rows_v.at[0], gsem)

        def body(j, carry):
            @pl.when(j >= 1)
            def _wait_prev_scatter():
                pltpu.make_async_copy(
                    rows_v.at[(j - 1) % 2], acc_sh.at[dst_v.at[j - 1]], ssem
                ).wait()

            @pl.when(j + 1 < ch)
            def _start_next():
                pltpu.async_copy(h_hbm.at[src_v.at[j + 1]], rows_v.at[(j + 1) % 2], gsem)

            pltpu.make_async_copy(h_hbm.at[src_v.at[j]], rows_v.at[j % 2], gsem).wait()
            pltpu.async_copy(rows_v.at[j % 2], acc_sh.at[dst_v.at[j]], ssem, add=True)
            return carry

        lax.fori_loop(0, ch, body, 0)
        pltpu.make_async_copy(
            rows_v.at[(ch - 1) % 2], acc_sh.at[dst_v.at[ch - 1]], ssem
        ).wait()

    @pl.when(jnp.logical_not(last))
    def _main():
        for ci in range(NB // CH):
            _pipeline(wid * NB + ci * CH, CH, prefetched=(ci == 0))

    @pl.when(last)
    def _tail():
        _pipeline((NW - 1) * NB, TAIL, prefetched=True)

    plsc.subcore_barrier()
    pltpu.sync_copy(acc_sh.at[pl.ds(s * RPT, RPT)], out_hbm.at[c, pl.ds(s * RPT, RPT)])


def _tc1_body(x_ref, ctx_ref, w1a_ref, w1b_ref, dg_ref, hp_ref, dinv_ref):
    deg = dg_ref[0, :N, 0:1] + dg_ref[1, :N, 0:1] + 1.0
    dinv = lax.rsqrt(deg)
    cvec = jnp.dot(ctx_ref[...], w1b_ref[...], preferred_element_type=jnp.float32)
    h = jnp.dot(x_ref[...], w1a_ref[...], preferred_element_type=jnp.float32) + cvec
    hp_ref[pl.ds(0, N), :] = h * dinv
    hp_ref[pl.ds(N, NPAD), :] = jnp.zeros((NPAD, D), jnp.float32)
    dinv_ref[...] = dinv


_tc1 = pl.pallas_call(
    _tc1_body,
    out_shape=(
        jax.ShapeDtypeStruct((NACC, D), jnp.float32),
        jax.ShapeDtypeStruct((N, 1), jnp.float32),
    ),
)


def _tc_mid_body(a_ref, dinv_ref, b_ref, g_ref, be_ref, w2_ref, o_ref):
    dinv = dinv_ref[...]
    m = (a_ref[0, :N, :] + a_ref[1, :N, :]) * dinv + b_ref[...]
    r = jnp.maximum(m, 0.0)
    mu = jnp.mean(r, axis=0, keepdims=True)
    var = jnp.mean((r - mu) ** 2, axis=0, keepdims=True)
    y = (r - mu) * lax.rsqrt(var + EPS) * g_ref[...] + be_ref[...]
    y = jnp.maximum(y, 0.0)
    o_ref[pl.ds(0, N), :] = jnp.dot(y, w2_ref[...], preferred_element_type=jnp.float32) * dinv
    o_ref[pl.ds(N, NPAD), :] = jnp.zeros((NPAD, D), jnp.float32)


_tc_mid = pl.pallas_call(
    _tc_mid_body,
    out_shape=jax.ShapeDtypeStruct((NACC, D), jnp.float32),
)


def _tc_out_body(a_ref, dinv_ref, b_ref, g_ref, be_ref, wo_ref, bo_ref, o_ref):
    dinv = dinv_ref[...]
    m = (a_ref[0, :N, :] + a_ref[1, :N, :]) * dinv + b_ref[...]
    r = jnp.maximum(m, 0.0)
    mu = jnp.mean(r, axis=0, keepdims=True)
    var = jnp.mean((r - mu) ** 2, axis=0, keepdims=True)
    y = (r - mu) * lax.rsqrt(var + EPS) * g_ref[...] + be_ref[...]
    y = jnp.maximum(y, 0.0)
    o_ref[...] = jnp.dot(y, wo_ref[...], preferred_element_type=jnp.float32) + bo_ref[...]


def kernel(x, edge_index, scene_context, W1, b1, g1, be1, W2, b2, g2, be2, Wo, bo):
    edge3 = edge_index.astype(jnp.int32).reshape(2, EROWS, BATCH)
    zeros_d = jnp.zeros((NACC, D), jnp.float32)
    ones_d = jnp.ones((BATCH, D), DEG_DT)

    degp = _deg_kernel(edge3, zeros_d, ones_d)

    h1p, dinv = _tc1(x, scene_context.reshape(1, DCTX), W1[:D], W1[D:], degp)

    acc = _scatter_kernel(h1p, edge3, zeros_d)
    h2p = _tc_mid(acc, dinv, b1.reshape(1, D), g1.reshape(1, D), be1.reshape(1, D), W2)

    acc2 = _scatter_kernel(h2p, edge3, zeros_d)
    nclass = Wo.shape[1]
    tc_out = pl.pallas_call(
        _tc_out_body,
        out_shape=jax.ShapeDtypeStruct((N, nclass), jnp.float32),
    )
    return tc_out(acc2, dinv,
                  b2.reshape(1, D), g2.reshape(1, D), be2.reshape(1, D),
                  Wo, bo.reshape(1, nclass))

# --- scband reference (transcript-rebuilt; emitter-appended) ---
"""Pipeline reference for scband-gnnpoint-segmenter-48335561949572 (READ-ONLY COPY).

The authoritative reference and input builder live on the scoring server;
editing this copy changes nothing except your own understanding.
"""

import jax, jax.numpy as jnp
import numpy as np

N_NODES = 10000
N_EDGES = 320000
D_FEAT = 128
D_CTX = 16
HID = 128
N_CLASSES = 20
EPS = 1e-5


def setup_inputs(seed: int = 0) -> dict:
    key = jax.random.key(seed)
    ks = jax.random.split(key, 16)
    x = jax.random.normal(ks[0], (N_NODES, D_FEAT), dtype=jnp.float32)
    edge_index = jax.random.randint(ks[1], (2, N_EDGES), 0, N_NODES, dtype=jnp.int64 if jax.config.jax_enable_x64 else jnp.int32).astype(jnp.int32)
    scene_context = jax.random.normal(ks[2], (D_CTX,), dtype=jnp.float32)
    d_in = D_FEAT + D_CTX
    # GCNConv layer 1 (glorot-style init)
    W1 = jax.random.normal(ks[3], (d_in, HID), dtype=jnp.float32) * (1.0 / np.sqrt(d_in))
    b1 = jnp.zeros((HID,), dtype=jnp.float32)
    g1 = jnp.ones((HID,), dtype=jnp.float32)
    be1 = jnp.zeros((HID,), dtype=jnp.float32)
    # GCNConv layer 2
    W2 = jax.random.normal(ks[4], (HID, HID), dtype=jnp.float32) * (1.0 / np.sqrt(HID))
    b2 = jnp.zeros((HID,), dtype=jnp.float32)
    g2 = jnp.ones((HID,), dtype=jnp.float32)
    be2 = jnp.zeros((HID,), dtype=jnp.float32)
    # Output linear
    Wo = jax.random.normal(ks[5], (HID, N_CLASSES), dtype=jnp.float32) * (1.0 / np.sqrt(HID))
    bo = jnp.zeros((N_CLASSES,), dtype=jnp.float32)
    return {"x": x, "edge_index": edge_index, "scene_context": scene_context,
            "W1": W1, "b1": b1, "g1": g1, "be1": be1,
            "W2": W2, "b2": b2, "g2": g2, "be2": be2,
            "Wo": Wo, "bo": bo}


def _gcn_conv(x, src, dst, W, b, n):
    # PyG GCNConv: add self-loops, symmetric normalization D^-1/2 (A+I) D^-1/2 X W + b
    h = x @ W
    loops = jnp.arange(n, dtype=src.dtype)
    src2 = jnp.concatenate([src, loops])
    dst2 = jnp.concatenate([dst, loops])
    deg = jnp.zeros((n,), dtype=h.dtype).at[dst2].add(1.0)
    dinv = jnp.where(deg > 0, jax.lax.rsqrt(deg), 0.0)
    norm = dinv[src2] * dinv[dst2]
    msg = h[src2] * norm[:, None]
    out = jnp.zeros((n, W.shape[1]), dtype=h.dtype).at[dst2].add(msg)
    return out + b


def _batchnorm1d(x, gamma, beta):
    # training-mode BatchNorm1d: batch statistics, biased variance
    mean = jnp.mean(x, axis=0)
    var = jnp.mean((x - mean) ** 2, axis=0)
    return (x - mean) * jax.lax.rsqrt(var + EPS) * gamma + beta


def reference(x, edge_index, scene_context, W1, b1, g1, be1, W2, b2, g2, be2, Wo, bo):
    n = x.shape[0]
    src = edge_index[0]
    dst = edge_index[1]
    # batch is None -> broadcast scene_context to every node
    ctx = jnp.broadcast_to(scene_context[None, :], (n, scene_context.shape[0]))
    h = jnp.concatenate([x, ctx], axis=-1)
    # conv1 -> relu (dropout p=0.0 is identity)
    h = jax.nn.relu(_gcn_conv(h, src, dst, W1, b1, n))
    # bn1 -> relu
    h = jax.nn.relu(_batchnorm1d(h, g1, be1))
    # conv2 -> relu
    h = jax.nn.relu(_gcn_conv(h, src, dst, W2, b2, n))
    # bn2 (last layer in list) -> relu
    h = jax.nn.relu(_batchnorm1d(h, g2, be2))
    return h @ Wo + bo

if __name__ == "__main__":
    import jax
    _d = setup_inputs()
    print(jax.jit(kernel)(*tuple(_d.values())))

</pallas_src>

<mosaic_0001>
#map = affine_map<(d0, d1) -> (0, 0)>
#map1 = affine_map<(d0, d1) -> (0, 0, 0)>
module attributes {stable_mosaic.version = 14 : i64} {
  func.func @_scatter_kernel(%arg0: i32, %arg1: i32, %arg2: memref<10240x128xf32, #tpu.memory_space<hbm>>, %arg3: memref<2x2500x128xi32, #tpu.memory_space<hbm>>, %arg4: memref<10240x128xf32, #tpu.memory_space<hbm>>, %arg5: memref<2x10240x128xf32, #tpu.memory_space<hbm>>, %arg6: memref<40x128xi32, #tpu.memory_space<vmem>>, %arg7: memref<40x128xi32, #tpu.memory_space<vmem>>, %arg8: memref<2x128x128xf32, #tpu.memory_space<vmem>>, %arg9: memref<10240x128xf32, #tpu.memory_space<vmem_shared>>, %arg10: memref<!tpu.dma_semaphore, #tpu.memory_space<semaphore_mem>>, %arg11: memref<!tpu.dma_semaphore, #tpu.memory_space<semaphore_mem>>) attributes {dimension_semantics = [#tpu.dimension_semantics<core_parallel>, #tpu.dimension_semantics<subcore_parallel>], iteration_bounds = array<i64: 2, 16>, scalar_prefetch = 0 : i64, scratch_operands = 6 : i64, tpu.core_type = #tpu.core_type<sc_vector_subcore>, window_params = [{transform_indices = #map}, {transform_indices = #map1}, {transform_indices = #map}, {transform_indices = #map1}]} {
    %mul3A = arith.constant 2 : i32
    %mul3A_0 = arith.muli %arg1, %mul3A : i32
    %add3A = arith.addi %mul3A_0, %arg0 : i32
    %eq3A = arith.constant 31 : i32
    %eq3A_1 = arith.cmpi eq, %add3A, %eq3A : i32
    %eq3A_2 = arith.constant 0 : i32
    %eq3A_3 = arith.cmpi eq, %arg0, %eq3A_2 : i32
    %convert_element_type3A = arith.extui %eq3A_3 : i1 to i32
    %cond3A = arith.constant 0 : i32
    %cond3A_4 = arith.cmpi ne, %convert_element_type3A, %cond3A : i32
    scf.if %cond3A_4 {
      %mul3A_47 = arith.constant 640 : i32
      %mul3A_48 = arith.muli %arg1, %mul3A_47 : i32
      %mul3A_49 = arith.constant 640 : i32
      %mul3A_50 = arith.muli %arg1, %mul3A_49 : i32
      %dma_start3A_51 = arith.constant 0 : i32
      %dma_start3A_52 = tpu.memref_slice %arg9[%mul3A_50, %dma_start3A_51] : memref<10240x128xf32, #tpu.memory_space<vmem_shared>> -> memref<640x128xf32, #tpu.memory_space<vmem_shared>>
      %dma_start3A_53 = arith.constant 0 : i32
      %dma_start3A_54 = tpu.memref_slice %arg2[%mul3A_48, %dma_start3A_53] : memref<10240x128xf32, #tpu.memory_space<hbm>> -> memref<640x128xf32, #tpu.memory_space<hbm>>
      tpu.enqueue_dma source(%dma_start3A_54 : memref<640x128xf32, #tpu.memory_space<hbm>>) target(%dma_start3A_52 : memref<640x128xf32, #tpu.memory_space<vmem_shared>>) target_semaphore(%arg11 : memref<!tpu.dma_semaphore, #tpu.memory_space<semaphore_mem>>)
    } else {
    }
    %ne3A = arith.constant 0 : i32
    %ne3A_5 = arith.cmpi ne, %arg0, %ne3A : i32
    %convert_element_type3A_6 = arith.extui %ne3A_5 : i1 to i32
    %cond3A_7 = arith.constant 0 : i32
    %cond3A_8 = arith.cmpi ne, %convert_element_type3A_6, %cond3A_7 : i32
    scf.if %cond3A_8 {
      %mul3A_47 = arith.constant 640 : i32
      %mul3A_48 = arith.muli %arg1, %mul3A_47 : i32
      %mul3A_49 = arith.constant 640 : i32
      %mul3A_50 = arith.muli %arg1, %mul3A_49 : i32
      %dma_start3A_51 = arith.constant 0 : i32
      %dma_start3A_52 = tpu.memref_slice %arg9[%mul3A_50, %dma_start3A_51] : memref<10240x128xf32, #tpu.memory_space<vmem_shared>> -> memref<640x128xf32, #tpu.memory_space<vmem_shared>>
      %dma_start3A_53 = arith.constant 0 : i32
      %dma_start3A_54 = tpu.memref_slice %arg4[%mul3A_48, %dma_start3A_53] : memref<10240x128xf32, #tpu.memory_space<hbm>> -> memref<640x128xf32, #tpu.memory_space<hbm>>
      tpu.enqueue_dma source(%dma_start3A_54 : memref<640x128xf32, #tpu.memory_space<hbm>>) target(%dma_start3A_52 : memref<640x128xf32, #tpu.memory_space<vmem_shared>>) target_semaphore(%arg11 : memref<!tpu.dma_semaphore, #tpu.memory_space<semaphore_mem>>)
    } else {
    }
    %not3A = arith.constant true
    %not3A_9 = arith.xori %eq3A_1, %not3A : i1
    %convert_element_type3A_10 = arith.extui %not3A_9 : i1 to i32
    %cond3A_11 = arith.constant 0 : i32
    %cond3A_12 = arith.cmpi ne, %convert_element_type3A_10, %cond3A_11 : i32
    scf.if %cond3A_12 {
      %mul3A_47 = arith.constant 80 : i32
      %mul3A_48 = arith.muli %add3A, %mul3A_47 : i32
      %run_scoped3A = arith.constant 0 : i32
      "tpu.region"() ({
        %run_scoped3A_52 = tpu.sem_alloc : memref<!tpu.dma_semaphore, #tpu.memory_space<semaphore_mem>>
        %dma_start3A_53 = arith.constant 0 : i32
        %dma_start3A_54 = tpu.memref_slice %arg3[%run_scoped3A, %mul3A_48, %dma_start3A_53] : memref<2x2500x128xi32, #tpu.memory_space<hbm>> -> memref<1x40x128xi32, #tpu.memory_space<hbm>>
        %dma_start3A_55 = tpu.memref_squeeze %dma_start3A_54 : memref<1x40x128xi32, #tpu.memory_space<hbm>> -> memref<40x128xi32, #tpu.memory_space<hbm>>
        %dma_start3A_56 = arith.constant 0 : i32
        %dma_start3A_57 = tpu.memref_slice %arg3[%run_scoped3A, %mul3A_48, %dma_start3A_56] : memref<2x2500x128xi32, #tpu.memory_space<hbm>> -> memref<1x40x128xi32, #tpu.memory_space<hbm>>
        %dma_start3A_58 = tpu.memref_squeeze %dma_start3A_57 : memref<1x40x128xi32, #tpu.memory_space<hbm>> -> memref<40x128xi32, #tpu.memory_space<hbm>>
        tpu.enqueue_dma source(%dma_start3A_58 : memref<40x128xi32, #tpu.memory_space<hbm>>) target(%arg6 : memref<40x128xi32, #tpu.memory_space<vmem>>) target_semaphore(%run_scoped3A_52 : memref<!tpu.dma_semaphore, #tpu.memory_space<semaphore_mem>>)
        %dma_wait3A_59 = arith.constant 0 : i32
        %dma_wait3A_60 = tpu.memref_slice %arg3[%run_scoped3A, %mul3A_48, %dma_wait3A_59] : memref<2x2500x128xi32, #tpu.memory_space<hbm>> -> memref<1x40x128xi32, #tpu.memory_space<hbm>>
        %dma_wait3A_61 = tpu.memref_squeeze %dma_wait3A_60 : memref<1x40x128xi32, #tpu.memory_space<hbm>> -> memref<40x128xi32, #tpu.memory_space<hbm>>
        %dma_wait3A_62 = arith.constant 0 : i32
        %dma_wait3A_63 = tpu.memref_slice %arg3[%run_scoped3A, %mul3A_48, %dma_wait3A_62] : memref<2x2500x128xi32, #tpu.memory_space<hbm>> -> memref<1x40x128xi32, #tpu.memory_space<hbm>>
        %dma_wait3A_64 = tpu.memref_squeeze %dma_wait3A_63 : memref<1x40x128xi32, #tpu.memory_space<hbm>> -> memref<40x128xi32, #tpu.memory_space<hbm>>
        tpu.wait_dma2 semaphore(%run_scoped3A_52 : memref<!tpu.dma_semaphore, #tpu.memory_space<semaphore_mem>>) src(%dma_wait3A_64 : memref<40x128xi32, #tpu.memory_space<hbm>>) dst(%arg6 : memref<40x128xi32, #tpu.memory_space<vmem>>)
        tpu.yield
      }) : () -> ()
      %mul3A_49 = arith.constant 80 : i32
      %mul3A_50 = arith.muli %add3A, %mul3A_49 : i32
      %run_scoped3A_51 = arith.constant 1 : i32
      "tpu.region"() ({
        %run_scoped3A_52 = tpu.sem_alloc : memref<!tpu.dma_semaphore, #tpu.memory_space<semaphore_mem>>
        %dma_start3A_53 = arith.constant 0 : i32
        %dma_start3A_54 = tpu.memref_slice %arg3[%run_scoped3A_51, %mul3A_50, %dma_start3A_53] : memref<2x2500x128xi32, #tpu.memory_space<hbm>> -> memref<1x40x128xi32, #tpu.memory_space<hbm>>
        %dma_start3A_55 = tpu.memref_squeeze %dma_start3A_54 : memref<1x40x128xi32, #tpu.memory_space<hbm>> -> memref<40x128xi32, #tpu.memory_space<hbm>>
        %dma_start3A_56 = arith.constant 0 : i32
        %dma_start3A_57 = tpu.memref_slice %arg3[%run_scoped3A_51, %mul3A_50, %dma_start3A_56] : memref<2x2500x128xi32, #tpu.memory_space<hbm>> -> memref<1x40x128xi32, #tpu.memory_space<hbm>>
        %dma_start3A_58 = tpu.memref_squeeze %dma_start3A_57 : memref<1x40x128xi32, #tpu.memory_space<hbm>> -> memref<40x128xi32, #tpu.memory_space<hbm>>
        tpu.enqueue_dma source(%dma_start3A_58 : memref<40x128xi32, #tpu.memory_space<hbm>>) target(%arg7 : memref<40x128xi32, #tpu.memory_space<vmem>>) target_semaphore(%run_scoped3A_52 : memref<!tpu.dma_semaphore, #tpu.memory_space<semaphore_mem>>)
        %dma_wait3A_59 = arith.constant 0 : i32
        %dma_wait3A_60 = tpu.memref_slice %arg3[%run_scoped3A_51, %mul3A_50, %dma_wait3A_59] : memref<2x2500x128xi32, #tpu.memory_space<hbm>> -> memref<1x40x128xi32, #tpu.memory_space<hbm>>
        %dma_wait3A_61 = tpu.memref_squeeze %dma_wait3A_60 : memref<1x40x128xi32, #tpu.memory_space<hbm>> -> memref<40x128xi32, #tpu.memory_space<hbm>>
        %dma_wait3A_62 = arith.constant 0 : i32
        %dma_wait3A_63 = tpu.memref_slice %arg3[%run_scoped3A_51, %mul3A_50, %dma_wait3A_62] : memref<2x2500x128xi32, #tpu.memory_space<hbm>> -> memref<1x40x128xi32, #tpu.memory_space<hbm>>
        %dma_wait3A_64 = tpu.memref_squeeze %dma_wait3A_63 : memref<1x40x128xi32, #tpu.memory_space<hbm>> -> memref<40x128xi32, #tpu.memory_space<hbm>>
        tpu.wait_dma2 semaphore(%run_scoped3A_52 : memref<!tpu.dma_semaphore, #tpu.memory_space<semaphore_mem>>) src(%dma_wait3A_64 : memref<40x128xi32, #tpu.memory_space<hbm>>) dst(%arg7 : memref<40x128xi32, #tpu.memory_space<vmem>>)
        tpu.yield
      }) : () -> ()
    } else {
    }
    %convert_element_type3A_13 = arith.extui %eq3A_1 : i1 to i32
    %cond3A_14 = arith.constant 0 : i32
    %cond3A_15 = arith.cmpi ne, %convert_element_type3A_13, %cond3A_14 : i32
    scf.if %cond3A_15 {
      %run_scoped3A = arith.constant 0 : i32
      "tpu.region"() ({
        %run_scoped3A_48 = tpu.sem_alloc : memref<!tpu.dma_semaphore, #tpu.memory_space<semaphore_mem>>
        %dma_start3A_49 = arith.constant 0 : i32
        %dma_start3A_50 = arith.constant 0 : i32
        %dma_start3A_51 = tpu.memref_slice %arg6[%dma_start3A_49, %dma_start3A_50] : memref<40x128xi32, #tpu.memory_space<vmem>> -> memref<20x128xi32, #tpu.memory_space<vmem>>
        %dma_start3A_52 = arith.constant 2480 : i32
        %dma_start3A_53 = arith.constant 0 : i32
        %dma_start3A_54 = tpu.memref_slice %arg3[%run_scoped3A, %dma_start3A_52, %dma_start3A_53] : memref<2x2500x128xi32, #tpu.memory_space<hbm>> -> memref<1x20x128xi32, #tpu.memory_space<hbm>>
        %dma_start3A_55 = tpu.memref_squeeze %dma_start3A_54 : memref<1x20x128xi32, #tpu.memory_space<hbm>> -> memref<20x128xi32, #tpu.memory_space<hbm>>
        %dma_start3A_56 = arith.constant 0 : i32
        %dma_start3A_57 = arith.constant 0 : i32
        %dma_start3A_58 = tpu.memref_slice %arg6[%dma_start3A_56, %dma_start3A_57] : memref<40x128xi32, #tpu.memory_space<vmem>> -> memref<20x128xi32, #tpu.memory_space<vmem>>
        %dma_start3A_59 = arith.constant 2480 : i32
        %dma_start3A_60 = arith.constant 0 : i32
        %dma_start3A_61 = tpu.memref_slice %arg3[%run_scoped3A, %dma_start3A_59, %dma_start3A_60] : memref<2x2500x128xi32, #tpu.memory_space<hbm>> -> memref<1x20x128xi32, #tpu.memory_space<hbm>>
        %dma_start3A_62 = tpu.memref_squeeze %dma_start3A_61 : memref<1x20x128xi32, #tpu.memory_space<hbm>> -> memref<20x128xi32, #tpu.memory_space<hbm>>
        tpu.enqueue_dma source(%dma_start3A_62 : memref<20x128xi32, #tpu.memory_space<hbm>>) target(%dma_start3A_58 : memref<20x128xi32, #tpu.memory_space<vmem>>) target_semaphore(%run_scoped3A_48 : memref<!tpu.dma_semaphore, #tpu.memory_space<semaphore_mem>>)
        %dma_wait3A_63 = arith.constant 0 : i32
        %dma_wait3A_64 = arith.constant 0 : i32
        %dma_wait3A_65 = tpu.memref_slice %arg6[%dma_wait3A_63, %dma_wait3A_64] : memref<40x128xi32, #tpu.memory_space<vmem>> -> memref<20x128xi32, #tpu.memory_space<vmem>>
        %dma_wait3A_66 = arith.constant 2480 : i32
        %dma_wait3A_67 = arith.constant 0 : i32
        %dma_wait3A_68 = tpu.memref_slice %arg3[%run_scoped3A, %dma_wait3A_66, %dma_wait3A_67] : memref<2x2500x128xi32, #tpu.memory_space<hbm>> -> memref<1x20x128xi32, #tpu.memory_space<hbm>>
        %dma_wait3A_69 = tpu.memref_squeeze %dma_wait3A_68 : memref<1x20x128xi32, #tpu.memory_space<hbm>> -> memref<20x128xi32, #tpu.memory_space<hbm>>
        %dma_wait3A_70 = arith.constant 0 : i32
        %dma_wait3A_71 = arith.constant 0 : i32
        %dma_wait3A_72 = tpu.memref_slice %arg6[%dma_wait3A_70, %dma_wait3A_71] : memref<40x128xi32, #tpu.memory_space<vmem>> -> memref<20x128xi32, #tpu.memory_space<vmem>>
        %dma_wait3A_73 = arith.constant 2480 : i32
        %dma_wait3A_74 = arith.constant 0 : i32
        %dma_wait3A_75 = tpu.memref_slice %arg3[%run_scoped3A, %dma_wait3A_73, %dma_wait3A_74] : memref<2x2500x128xi32, #tpu.memory_space<hbm>> -> memref<1x20x128xi32, #tpu.memory_space<hbm>>
        %dma_wait3A_76 = tpu.memref_squeeze %dma_wait3A_75 : memref<1x20x128xi32, #tpu.memory_space<hbm>> -> memref<20x128xi32, #tpu.memory_space<hbm>>
        tpu.wait_dma2 semaphore(%run_scoped3A_48 : memref<!tpu.dma_semaphore, #tpu.memory_space<semaphore_mem>>) src(%dma_wait3A_76 : memref<20x128xi32, #tpu.memory_space<hbm>>) dst(%dma_wait3A_72 : memref<20x128xi32, #tpu.memory_space<vmem>>)
        tpu.yield
      }) : () -> ()
      %run_scoped3A_47 = arith.constant 1 : i32
      "tpu.region"() ({
        %run_scoped3A_48 = tpu.sem_alloc : memref<!tpu.dma_semaphore, #tpu.memory_space<semaphore_mem>>
        %dma_start3A_49 = arith.constant 0 : i32
        %dma_start3A_50 = arith.constant 0 : i32
        %dma_start3A_51 = tpu.memref_slice %arg7[%dma_start3A_49, %dma_start3A_50] : memref<40x128xi32, #tpu.memory_space<vmem>> -> memref<20x128xi32, #tpu.memory_space<vmem>>
        %dma_start3A_52 = arith.constant 2480 : i32
        %dma_start3A_53 = arith.constant 0 : i32
        %dma_start3A_54 = tpu.memref_slice %arg3[%run_scoped3A_47, %dma_start3A_52, %dma_start3A_53] : memref<2x2500x128xi32, #tpu.memory_space<hbm>> -> memref<1x20x128xi32, #tpu.memory_space<hbm>>
        %dma_start3A_55 = tpu.memref_squeeze %dma_start3A_54 : memref<1x20x128xi32, #tpu.memory_space<hbm>> -> memref<20x128xi32, #tpu.memory_space<hbm>>
        %dma_start3A_56 = arith.constant 0 : i32
        %dma_start3A_57 = arith.constant 0 : i32
        %dma_start3A_58 = tpu.memref_slice %arg7[%dma_start3A_56, %dma_start3A_57] : memref<40x128xi32, #tpu.memory_space<vmem>> -> memref<20x128xi32, #tpu.memory_space<vmem>>
        %dma_start3A_59 = arith.constant 2480 : i32
        %dma_start3A_60 = arith.constant 0 : i32
        %dma_start3A_61 = tpu.memref_slice %arg3[%run_scoped3A_47, %dma_start3A_59, %dma_start3A_60] : memref<2x2500x128xi32, #tpu.memory_space<hbm>> -> memref<1x20x128xi32, #tpu.memory_space<hbm>>
        %dma_start3A_62 = tpu.memref_squeeze %dma_start3A_61 : memref<1x20x128xi32, #tpu.memory_space<hbm>> -> memref<20x128xi32, #tpu.memory_space<hbm>>
        tpu.enqueue_dma source(%dma_start3A_62 : memref<20x128xi32, #tpu.memory_space<hbm>>) target(%dma_start3A_58 : memref<20x128xi32, #tpu.memory_space<vmem>>) target_semaphore(%run_scoped3A_48 : memref<!tpu.dma_semaphore, #tpu.memory_space<semaphore_mem>>)
        %dma_wait3A_63 = arith.constant 0 : i32
        %dma_wait3A_64 = arith.constant 0 : i32
        %dma_wait3A_65 = tpu.memref_slice %arg7[%dma_wait3A_63, %dma_wait3A_64] : memref<40x128xi32, #tpu.memory_space<vmem>> -> memref<20x128xi32, #tpu.memory_space<vmem>>
        %dma_wait3A_66 = arith.constant 2480 : i32
        %dma_wait3A_67 = arith.constant 0 : i32
        %dma_wait3A_68 = tpu.memref_slice %arg3[%run_scoped3A_47, %dma_wait3A_66, %dma_wait3A_67] : memref<2x2500x128xi32, #tpu.memory_space<hbm>> -> memref<1x20x128xi32, #tpu.memory_space<hbm>>
        %dma_wait3A_69 = tpu.memref_squeeze %dma_wait3A_68 : memref<1x20x128xi32, #tpu.memory_space<hbm>> -> memref<20x128xi32, #tpu.memory_space<hbm>>
        %dma_wait3A_70 = arith.constant 0 : i32
        %dma_wait3A_71 = arith.constant 0 : i32
        %dma_wait3A_72 = tpu.memref_slice %arg7[%dma_wait3A_70, %dma_wait3A_71] : memref<40x128xi32, #tpu.memory_space<vmem>> -> memref<20x128xi32, #tpu.memory_space<vmem>>
        %dma_wait3A_73 = arith.constant 2480 : i32
        %dma_wait3A_74 = arith.constant 0 : i32
        %dma_wait3A_75 = tpu.memref_slice %arg3[%run_scoped3A_47, %dma_wait3A_73, %dma_wait3A_74] : memref<2x2500x128xi32, #tpu.memory_space<hbm>> -> memref<1x20x128xi32, #tpu.memory_space<hbm>>
        %dma_wait3A_76 = tpu.memref_squeeze %dma_wait3A_75 : memref<1x20x128xi32, #tpu.memory_space<hbm>> -> memref<20x128xi32, #tpu.memory_space<hbm>>
        tpu.wait_dma2 semaphore(%run_scoped3A_48 : memref<!tpu.dma_semaphore, #tpu.memory_space<semaphore_mem>>) src(%dma_wait3A_76 : memref<20x128xi32, #tpu.memory_space<hbm>>) dst(%dma_wait3A_72 : memref<20x128xi32, #tpu.memory_space<vmem>>)
        tpu.yield
      }) : () -> ()
    } else {
    }
    %dma_start3A = arith.constant 0 : i32
    %dma_start3A_16 = arith.constant 0 : i32
    %dma_start3A_17 = arith.constant 0 : i32
    %dma_start3A_18 = arith.constant 0 : i32
    %dma_start3A_19 = tpu.memref_slice %arg8[%dma_start3A_16, %dma_start3A_17, %dma_start3A_18] : memref<2x128x128xf32, #tpu.memory_space<vmem>> -> memref<1x128x128xf32, #tpu.memory_space<vmem>>
    %dma_start3A_20 = tpu.memref_squeeze %dma_start3A_19 : memref<1x128x128xf32, #tpu.memory_space<vmem>> -> memref<128x128xf32, #tpu.memory_space<vmem>>
    %dma_start3A_21 = arith.constant 0 : i32
    %dma_start3A_22 = tpu.memref_slice %arg6[%dma_start3A, %dma_start3A_21] : memref<40x128xi32, #tpu.memory_space<vmem>> -> memref<1x128xi32, #tpu.memory_space<vmem>>
    %dma_start3A_23 = tpu.memref_squeeze %dma_start3A_22 : memref<1x128xi32, #tpu.memory_space<vmem>> -> memref<128xi32, #tpu.memory_space<vmem>>
    %dma_start3A_24 = arith.constant 0 : i32
    %dma_start3A_25 = arith.constant 0 : i32
    %dma_start3A_26 = tpu.memref_slice %arg2[%dma_start3A_24, %dma_start3A_25] : memref<10240x128xf32, #tpu.memory_space<hbm>> -> memref<10240x128xf32, #tpu.memory_space<hbm>>
    tpu.enqueue_indirect_dma source(%dma_start3A_26 : memref<10240x128xf32, #tpu.memory_space<hbm>>) target(%dma_start3A_20 : memref<128x128xf32, #tpu.memory_space<vmem>>) offsets(%dma_start3A_23 : memref<128xi32, #tpu.memory_space<vmem>>) semaphore(%arg10 : memref<!tpu.dma_semaphore, #tpu.memory_space<semaphore_mem>>)
    %mul3A_27 = arith.constant 640 : i32
    %mul3A_28 = arith.muli %arg1, %mul3A_27 : i32
    %mul3A_29 = arith.constant 640 : i32
    %mul3A_30 = arith.muli %arg1, %mul3A_29 : i32
    %dma_wait3A = arith.constant 0 : i32
    %dma_wait3A_31 = tpu.memref_slice %arg9[%mul3A_30, %dma_wait3A] : memref<10240x128xf32, #tpu.memory_space<vmem_shared>> -> memref<640x128xf32, #tpu.memory_space<vmem_shared>>
    %dma_wait3A_32 = arith.constant 0 : i32
    %dma_wait3A_33 = tpu.memref_slice %arg4[%mul3A_28, %dma_wait3A_32] : memref<10240x128xf32, #tpu.memory_space<hbm>> -> memref<640x128xf32, #tpu.memory_space<hbm>>
    tpu.wait_dma2 semaphore(%arg11 : memref<!tpu.dma_semaphore, #tpu.memory_space<semaphore_mem>>) src(%dma_wait3A_33 : memref<640x128xf32, #tpu.memory_space<hbm>>) dst(%dma_wait3A_31 : memref<640x128xf32, #tpu.memory_space<vmem_shared>>)
    %barrier3A = arith.constant 0 : index
    tpu.barrier barrier_id(%barrier3A)
    %not3A_34 = arith.constant true
    %not3A_35 = arith.xori %eq3A_1, %not3A_34 : i1
    %convert_element_type3A_36 = arith.extui %not3A_35 : i1 to i32
    %cond3A_37 = arith.constant 0 : i32
    %cond3A_38 = arith.cmpi ne, %convert_element_type3A_36, %cond3A_37 : i32
    scf.if %cond3A_38 {
      %mul3A_47 = arith.constant 80 : i32
      %mul3A_48 = arith.muli %add3A, %mul3A_47 : i32
      %add3A_49 = arith.constant 0 : i32
      %add3A_50 = arith.addi %mul3A_48, %add3A_49 : i32
      %scan3A = arith.constant 0 : i32
      %scan3A_51 = arith.constant 0 : i32
      %scan3A_52 = arith.constant 40 : i32
      %scan3A_53 = arith.addi %scan3A_51, %scan3A_52 : i32
      %scan3A_54 = arith.constant 1 : i32
      scf.for %scan3A_103 = %scan3A_51 to %scan3A_53 step %scan3A_54  : i32 {
        %ge3A = arith.constant 1 : i32
        %ge3A_104 = arith.cmpi sge, %scan3A_103, %ge3A : i32
        %convert_element_type3A_105 = arith.extui %ge3A_104 : i1 to i32
        %cond3A_106 = arith.constant 0 : i32
        %cond3A_107 = arith.cmpi ne, %convert_element_type3A_105, %cond3A_106 : i32
        scf.if %cond3A_107 {
          %sub3A = arith.constant 1 : i32
          %sub3A_162 = arith.subi %scan3A_103, %sub3A : i32
          %jit3A_163 = arith.constant 2 : i32
          %eq3A_164 = arith.constant 0 : i32
          %eq3A_165 = arith.cmpi eq, %jit3A_163, %eq3A_164 : i32
          %jit3A_166 = arith.constant 1 : i32
          %select_n3A_167 = arith.select %eq3A_165, %jit3A_166, %jit3A_163 : i32
          %rem3A_168 = arith.remsi %sub3A_162, %select_n3A_167 : i32
          %ne3A_169 = arith.constant 0 : i32
          %ne3A_170 = arith.cmpi ne, %rem3A_168, %ne3A_169 : i32
          %lt3A_171 = arith.constant 0 : i32
          %lt3A_172 = arith.cmpi slt, %rem3A_168, %lt3A_171 : i32
          %lt3A_173 = arith.constant 0 : i32
          %lt3A_174 = arith.cmpi slt, %select_n3A_167, %lt3A_173 : i32
          %ne3A_175 = arith.xori %lt3A_172, %lt3A_174 : i1
          %and3A_176 = arith.andi %ne3A_175, %ne3A_170 : i1
          %add3A_177 = arith.addi %rem3A_168, %select_n3A_167 : i32
          %select_n3A_178 = arith.select %and3A_176, %add3A_177, %rem3A_168 : i32
          %sub3A_179 = arith.constant 1 : i32
          %sub3A_180 = arith.subi %scan3A_103, %sub3A_179 : i32
          %dma_wait3A_181 = arith.constant 0 : i32
          %dma_wait3A_182 = arith.constant 0 : i32
          %dma_wait3A_183 = tpu.memref_slice %arg8[%select_n3A_178, %dma_wait3A_181, %dma_wait3A_182] : memref<2x128x128xf32, #tpu.memory_space<vmem>> -> memref<1x128x128xf32, #tpu.memory_space<vmem>>
          %dma_wait3A_184 = tpu.memref_squeeze %dma_wait3A_183 : memref<1x128x128xf32, #tpu.memory_space<vmem>> -> memref<128x128xf32, #tpu.memory_space<vmem>>
          %dma_wait3A_185 = arith.constant 0 : i32
          %dma_wait3A_186 = tpu.memref_slice %arg7[%sub3A_180, %dma_wait3A_185] : memref<40x128xi32, #tpu.memory_space<vmem>> -> memref<1x128xi32, #tpu.memory_space<vmem>>
          %dma_wait3A_187 = tpu.memref_squeeze %dma_wait3A_186 : memref<1x128xi32, #tpu.memory_space<vmem>> -> memref<128xi32, #tpu.memory_space<vmem>>
          %dma_wait3A_188 = arith.constant 0 : i32
          %dma_wait3A_189 = arith.constant 0 : i32
          %dma_wait3A_190 = tpu.memref_slice %arg9[%dma_wait3A_188, %dma_wait3A_189] : memref<10240x128xf32, #tpu.memory_space<vmem_shared>> -> memref<10240x128xf32, #tpu.memory_space<vmem_shared>>
          tpu.wait_indirect_dma semaphore(%arg11 : memref<!tpu.dma_semaphore, #tpu.memory_space<semaphore_mem>>) src(%dma_wait3A_184 : memref<128x128xf32, #tpu.memory_space<vmem>>) dst(%dma_wait3A_190 : memref<10240x128xf32, #tpu.memory_space<vmem_shared>>)
        } else {
        }
        %add3A_108 = arith.constant 1 : i32
        %add3A_109 = arith.addi %scan3A_103, %add3A_108 : i32
        %lt3A = arith.constant 40 : i32
        %lt3A_110 = arith.cmpi slt, %add3A_109, %lt3A : i32
        %convert_element_type3A_111 = arith.extui %lt3A_110 : i1 to i32
        %cond3A_112 = arith.constant 0 : i32
        %cond3A_113 = arith.cmpi ne, %convert_element_type3A_111, %cond3A_112 : i32
        scf.if %cond3A_113 {
          %add3A_162 = arith.constant 1 : i32
          %add3A_163 = arith.addi %scan3A_103, %add3A_162 : i32
          %add3A_164 = arith.constant 1 : i32
          %add3A_165 = arith.addi %scan3A_103, %add3A_164 : i32
          %jit3A_166 = arith.constant 2 : i32
          %eq3A_167 = arith.constant 0 : i32
          %eq3A_168 = arith.cmpi eq, %jit3A_166, %eq3A_167 : i32
          %jit3A_169 = arith.constant 1 : i32
          %select_n3A_170 = arith.select %eq3A_168, %jit3A_169, %jit3A_166 : i32
          %rem3A_171 = arith.remsi %add3A_165, %select_n3A_170 : i32
          %ne3A_172 = arith.constant 0 : i32
          %ne3A_173 = arith.cmpi ne, %rem3A_171, %ne3A_172 : i32
          %lt3A_174 = arith.constant 0 : i32
          %lt3A_175 = arith.cmpi slt, %rem3A_171, %lt3A_174 : i32
          %lt3A_176 = arith.constant 0 : i32
          %lt3A_177 = arith.cmpi slt, %select_n3A_170, %lt3A_176 : i32
          %ne3A_178 = arith.xori %lt3A_175, %lt3A_177 : i1
          %and3A_179 = arith.andi %ne3A_178, %ne3A_173 : i1
          %add3A_180 = arith.addi %rem3A_171, %select_n3A_170 : i32
          %select_n3A_181 = arith.select %and3A_179, %add3A_180, %rem3A_171 : i32
          %dma_start3A_182 = arith.constant 0 : i32
          %dma_start3A_183 = arith.constant 0 : i32
          %dma_start3A_184 = tpu.memref_slice %arg8[%select_n3A_181, %dma_start3A_182, %dma_start3A_183] : memref<2x128x128xf32, #tpu.memory_space<vmem>> -> memref<1x128x128xf32, #tpu.memory_space<vmem>>
          %dma_start3A_185 = tpu.memref_squeeze %dma_start3A_184 : memref<1x128x128xf32, #tpu.memory_space<vmem>> -> memref<128x128xf32, #tpu.memory_space<vmem>>
          %dma_start3A_186 = arith.constant 0 : i32
          %dma_start3A_187 = tpu.memref_slice %arg6[%add3A_163, %dma_start3A_186] : memref<40x128xi32, #tpu.memory_space<vmem>> -> memref<1x128xi32, #tpu.memory_space<vmem>>
          %dma_start3A_188 = tpu.memref_squeeze %dma_start3A_187 : memref<1x128xi32, #tpu.memory_space<vmem>> -> memref<128xi32, #tpu.memory_space<vmem>>
          %dma_start3A_189 = arith.constant 0 : i32
          %dma_start3A_190 = arith.constant 0 : i32
          %dma_start3A_191 = tpu.memref_slice %arg2[%dma_start3A_189, %dma_start3A_190] : memref<10240x128xf32, #tpu.memory_space<hbm>> -> memref<10240x128xf32, #tpu.memory_space<hbm>>
          tpu.enqueue_indirect_dma source(%dma_start3A_191 : memref<10240x128xf32, #tpu.memory_space<hbm>>) target(%dma_start3A_185 : memref<128x128xf32, #tpu.memory_space<vmem>>) offsets(%dma_start3A_188 : memref<128xi32, #tpu.memory_space<vmem>>) semaphore(%arg10 : memref<!tpu.dma_semaphore, #tpu.memory_space<semaphore_mem>>)
        } else {
        }
        %jit3A = arith.constant 2 : i32
        %eq3A_114 = arith.constant 0 : i32
        %eq3A_115 = arith.cmpi eq, %jit3A, %eq3A_114 : i32
        %jit3A_116 = arith.constant 1 : i32
        %select_n3A = arith.select %eq3A_115, %jit3A_116, %jit3A : i32
        %rem3A = arith.remsi %scan3A_103, %select_n3A : i32
        %ne3A_117 = arith.constant 0 : i32
        %ne3A_118 = arith.cmpi ne, %rem3A, %ne3A_117 : i32
        %lt3A_119 = arith.constant 0 : i32
        %lt3A_120 = arith.cmpi slt, %rem3A, %lt3A_119 : i32
        %lt3A_121 = arith.constant 0 : i32
        %lt3A_122 = arith.cmpi slt, %select_n3A, %lt3A_121 : i32
        %ne3A_123 = arith.xori %lt3A_120, %lt3A_122 : i1
        %and3A = arith.andi %ne3A_123, %ne3A_118 : i1
        %add3A_124 = arith.addi %rem3A, %select_n3A : i32
        %select_n3A_125 = arith.select %and3A, %add3A_124, %rem3A : i32
        %dma_wait3A_126 = arith.constant 0 : i32
        %dma_wait3A_127 = arith.constant 0 : i32
        %dma_wait3A_128 = tpu.memref_slice %arg8[%select_n3A_125, %dma_wait3A_126, %dma_wait3A_127] : memref<2x128x128xf32, #tpu.memory_space<vmem>> -> memref<1x128x128xf32, #tpu.memory_space<vmem>>
        %dma_wait3A_129 = tpu.memref_squeeze %dma_wait3A_128 : memref<1x128x128xf32, #tpu.memory_space<vmem>> -> memref<128x128xf32, #tpu.memory_space<vmem>>
        %dma_wait3A_130 = arith.constant 0 : i32
        %dma_wait3A_131 = tpu.memref_slice %arg6[%scan3A_103, %dma_wait3A_130] : memref<40x128xi32, #tpu.memory_space<vmem>> -> memref<1x128xi32, #tpu.memory_space<vmem>>
        %dma_wait3A_132 = tpu.memref_squeeze %dma_wait3A_131 : memref<1x128xi32, #tpu.memory_space<vmem>> -> memref<128xi32, #tpu.memory_space<vmem>>
        %dma_wait3A_133 = arith.constant 0 : i32
        %dma_wait3A_134 = arith.constant 0 : i32
        %dma_wait3A_135 = tpu.memref_slice %arg2[%dma_wait3A_133, %dma_wait3A_134] : memref<10240x128xf32, #tpu.memory_space<hbm>> -> memref<10240x128xf32, #tpu.memory_space<hbm>>
        tpu.wait_indirect_dma semaphore(%arg10 : memref<!tpu.dma_semaphore, #tpu.memory_space<semaphore_mem>>) src(%dma_wait3A_135 : memref<10240x128xf32, #tpu.memory_space<hbm>>) dst(%dma_wait3A_129 : memref<128x128xf32, #tpu.memory_space<vmem>>)
        %jit3A_136 = arith.constant 2 : i32
        %eq3A_137 = arith.constant 0 : i32
        %eq3A_138 = arith.cmpi eq, %jit3A_136, %eq3A_137 : i32
        %jit3A_139 = arith.constant 1 : i32
        %select_n3A_140 = arith.select %eq3A_138, %jit3A_139, %jit3A_136 : i32
        %rem3A_141 = arith.remsi %scan3A_103, %select_n3A_140 : i32
        %ne3A_142 = arith.constant 0 : i32
        %ne3A_143 = arith.cmpi ne, %rem3A_141, %ne3A_142 : i32
        %lt3A_144 = arith.constant 0 : i32
        %lt3A_145 = arith.cmpi slt, %rem3A_141, %lt3A_144 : i32
        %lt3A_146 = arith.constant 0 : i32
        %lt3A_147 = arith.cmpi slt, %select_n3A_140, %lt3A_146 : i32
        %ne3A_148 = arith.xori %lt3A_145, %lt3A_147 : i1
        %and3A_149 = arith.andi %ne3A_148, %ne3A_143 : i1
        %add3A_150 = arith.addi %rem3A_141, %select_n3A_140 : i32
        %select_n3A_151 = arith.select %and3A_149, %add3A_150, %rem3A_141 : i32
        %dma_start3A_152 = arith.constant 0 : i32
        %dma_start3A_153 = arith.constant 0 : i32
        %dma_start3A_154 = tpu.memref_slice %arg8[%select_n3A_151, %dma_start3A_152, %dma_start3A_153] : memref<2x128x128xf32, #tpu.memory_space<vmem>> -> memref<1x128x128xf32, #tpu.memory_space<vmem>>
        %dma_start3A_155 = tpu.memref_squeeze %dma_start3A_154 : memref<1x128x128xf32, #tpu.memory_space<vmem>> -> memref<128x128xf32, #tpu.memory_space<vmem>>
        %dma_start3A_156 = arith.constant 0 : i32
        %dma_start3A_157 = tpu.memref_slice %arg7[%scan3A_103, %dma_start3A_156] : memref<40x128xi32, #tpu.memory_space<vmem>> -> memref<1x128xi32, #tpu.memory_space<vmem>>
        %dma_start3A_158 = tpu.memref_squeeze %dma_start3A_157 : memref<1x128xi32, #tpu.memory_space<vmem>> -> memref<128xi32, #tpu.memory_space<vmem>>
        %dma_start3A_159 = arith.constant 0 : i32
        %dma_start3A_160 = arith.constant 0 : i32
        %dma_start3A_161 = tpu.memref_slice %arg9[%dma_start3A_159, %dma_start3A_160] : memref<10240x128xf32, #tpu.memory_space<vmem_shared>> -> memref<10240x128xf32, #tpu.memory_space<vmem_shared>>
        tpu.enqueue_indirect_dma source(%dma_start3A_155 : memref<128x128xf32, #tpu.memory_space<vmem>>) target(%dma_start3A_161 : memref<10240x128xf32, #tpu.memory_space<vmem_shared>>) offsets(%dma_start3A_158 : memref<128xi32, #tpu.memory_space<vmem>>) semaphore(%arg11 : memref<!tpu.dma_semaphore, #tpu.memory_space<semaphore_mem>>) {add = true}
      }
      %scan3A_55 = arith.constant 40 : i32
      %dma_wait3A_56 = arith.constant 1 : i32
      %dma_wait3A_57 = arith.constant 39 : i32
      %dma_wait3A_58 = arith.constant 0 : i32
      %dma_wait3A_59 = arith.constant 0 : i32
      %dma_wait3A_60 = tpu.memref_slice %arg8[%dma_wait3A_56, %dma_wait3A_58, %dma_wait3A_59] : memref<2x128x128xf32, #tpu.memory_space<vmem>> -> memref<1x128x128xf32, #tpu.memory_space<vmem>>
      %dma_wait3A_61 = tpu.memref_squeeze %dma_wait3A_60 : memref<1x128x128xf32, #tpu.memory_space<vmem>> -> memref<128x128xf32, #tpu.memory_space<vmem>>
      %dma_wait3A_62 = arith.constant 0 : i32
      %dma_wait3A_63 = tpu.memref_slice %arg7[%dma_wait3A_57, %dma_wait3A_62] : memref<40x128xi32, #tpu.memory_space<vmem>> -> memref<1x128xi32, #tpu.memory_space<vmem>>
      %dma_wait3A_64 = tpu.memref_squeeze %dma_wait3A_63 : memref<1x128xi32, #tpu.memory_space<vmem>> -> memref<128xi32, #tpu.memory_space<vmem>>
      %dma_wait3A_65 = arith.constant 0 : i32
      %dma_wait3A_66 = arith.constant 0 : i32
      %dma_wait3A_67 = tpu.memref_slice %arg9[%dma_wait3A_65, %dma_wait3A_66] : memref<10240x128xf32, #tpu.memory_space<vmem_shared>> -> memref<10240x128xf32, #tpu.memory_space<vmem_shared>>
      tpu.wait_indirect_dma semaphore(%arg11 : memref<!tpu.dma_semaphore, #tpu.memory_space<semaphore_mem>>) src(%dma_wait3A_61 : memref<128x128xf32, #tpu.memory_space<vmem>>) dst(%dma_wait3A_67 : memref<10240x128xf32, #tpu.memory_space<vmem_shared>>)
      %mul3A_68 = arith.constant 80 : i32
      %mul3A_69 = arith.muli %add3A, %mul3A_68 : i32
      %add3A_70 = arith.constant 40 : i32
      %add3A_71 = arith.addi %mul3A_69, %add3A_70 : i32
      %run_scoped3A = arith.constant 0 : i32
      "tpu.region"() ({
        %run_scoped3A_103 = tpu.sem_alloc : memref<!tpu.dma_semaphore, #tpu.memory_space<semaphore_mem>>
        %dma_start3A_104 = arith.constant 0 : i32
        %dma_start3A_105 = arith.constant 0 : i32
        %dma_start3A_106 = tpu.memref_slice %arg6[%dma_start3A_104, %dma_start3A_105] : memref<40x128xi32, #tpu.memory_space<vmem>> -> memref<40x128xi32, #tpu.memory_space<vmem>>
        %dma_start3A_107 = arith.constant 0 : i32
        %dma_start3A_108 = tpu.memref_slice %arg3[%run_scoped3A, %add3A_71, %dma_start3A_107] : memref<2x2500x128xi32, #tpu.memory_space<hbm>> -> memref<1x40x128xi32, #tpu.memory_space<hbm>>
        %dma_start3A_109 = tpu.memref_squeeze %dma_start3A_108 : memref<1x40x128xi32, #tpu.memory_space<hbm>> -> memref<40x128xi32, #tpu.memory_space<hbm>>
        %dma_start3A_110 = arith.constant 0 : i32
        %dma_start3A_111 = arith.constant 0 : i32
        %dma_start3A_112 = tpu.memref_slice %arg6[%dma_start3A_110, %dma_start3A_111] : memref<40x128xi32, #tpu.memory_space<vmem>> -> memref<40x128xi32, #tpu.memory_space<vmem>>
        %dma_start3A_113 = arith.constant 0 : i32
        %dma_start3A_114 = tpu.memref_slice %arg3[%run_scoped3A, %add3A_71, %dma_start3A_113] : memref<2x2500x128xi32, #tpu.memory_space<hbm>> -> memref<1x40x128xi32, #tpu.memory_space<hbm>>
        %dma_start3A_115 = tpu.memref_squeeze %dma_start3A_114 : memref<1x40x128xi32, #tpu.memory_space<hbm>> -> memref<40x128xi32, #tpu.memory_space<hbm>>
        tpu.enqueue_dma source(%dma_start3A_115 : memref<40x128xi32, #tpu.memory_space<hbm>>) target(%dma_start3A_112 : memref<40x128xi32, #tpu.memory_space<vmem>>) target_semaphore(%run_scoped3A_103 : memref<!tpu.dma_semaphore, #tpu.memory_space<semaphore_mem>>)
        %dma_wait3A_116 = arith.constant 0 : i32
        %dma_wait3A_117 = arith.constant 0 : i32
        %dma_wait3A_118 = tpu.memref_slice %arg6[%dma_wait3A_116, %dma_wait3A_117] : memref<40x128xi32, #tpu.memory_space<vmem>> -> memref<40x128xi32, #tpu.memory_space<vmem>>
        %dma_wait3A_119 = arith.constant 0 : i32
        %dma_wait3A_120 = tpu.memref_slice %arg3[%run_scoped3A, %add3A_71, %dma_wait3A_119] : memref<2x2500x128xi32, #tpu.memory_space<hbm>> -> memref<1x40x128xi32, #tpu.memory_space<hbm>>
        %dma_wait3A_121 = tpu.memref_squeeze %dma_wait3A_120 : memref<1x40x128xi32, #tpu.memory_space<hbm>> -> memref<40x128xi32, #tpu.memory_space<hbm>>
        %dma_wait3A_122 = arith.constant 0 : i32
        %dma_wait3A_123 = arith.constant 0 : i32
        %dma_wait3A_124 = tpu.memref_slice %arg6[%dma_wait3A_122, %dma_wait3A_123] : memref<40x128xi32, #tpu.memory_space<vmem>> -> memref<40x128xi32, #tpu.memory_space<vmem>>
        %dma_wait3A_125 = arith.constant 0 : i32
        %dma_wait3A_126 = tpu.memref_slice %arg3[%run_scoped3A, %add3A_71, %dma_wait3A_125] : memref<2x2500x128xi32, #tpu.memory_space<hbm>> -> memref<1x40x128xi32, #tpu.memory_space<hbm>>
        %dma_wait3A_127 = tpu.memref_squeeze %dma_wait3A_126 : memref<1x40x128xi32, #tpu.memory_space<hbm>> -> memref<40x128xi32, #tpu.memory_space<hbm>>
        tpu.wait_dma2 semaphore(%run_scoped3A_103 : memref<!tpu.dma_semaphore, #tpu.memory_space<semaphore_mem>>) src(%dma_wait3A_127 : memref<40x128xi32, #tpu.memory_space<hbm>>) dst(%dma_wait3A_124 : memref<40x128xi32, #tpu.memory_space<vmem>>)
        tpu.yield
      }) : () -> ()
      %run_scoped3A_72 = arith.constant 1 : i32
      "tpu.region"() ({
        %run_scoped3A_103 = tpu.sem_alloc : memref<!tpu.dma_semaphore, #tpu.memory_space<semaphore_mem>>
        %dma_start3A_104 = arith.constant 0 : i32
        %dma_start3A_105 = arith.constant 0 : i32
        %dma_start3A_106 = tpu.memref_slice %arg7[%dma_start3A_104, %dma_start3A_105] : memref<40x128xi32, #tpu.memory_space<vmem>> -> memref<40x128xi32, #tpu.memory_space<vmem>>
        %dma_start3A_107 = arith.constant 0 : i32
        %dma_start3A_108 = tpu.memref_slice %arg3[%run_scoped3A_72, %add3A_71, %dma_start3A_107] : memref<2x2500x128xi32, #tpu.memory_space<hbm>> -> memref<1x40x128xi32, #tpu.memory_space<hbm>>
        %dma_start3A_109 = tpu.memref_squeeze %dma_start3A_108 : memref<1x40x128xi32, #tpu.memory_space<hbm>> -> memref<40x128xi32, #tpu.memory_space<hbm>>
        %dma_start3A_110 = arith.constant 0 : i32
        %dma_start3A_111 = arith.constant 0 : i32
        %dma_start3A_112 = tpu.memref_slice %arg7[%dma_start3A_110, %dma_start3A_111] : memref<40x128xi32, #tpu.memory_space<vmem>> -> memref<40x128xi32, #tpu.memory_space<vmem>>
        %dma_start3A_113 = arith.constant 0 : i32
        %dma_start3A_114 = tpu.memref_slice %arg3[%run_scoped3A_72, %add3A_71, %dma_start3A_113] : memref<2x2500x128xi32, #tpu.memory_space<hbm>> -> memref<1x40x128xi32, #tpu.memory_space<hbm>>
        %dma_start3A_115 = tpu.memref_squeeze %dma_start3A_114 : memref<1x40x128xi32, #tpu.memory_space<hbm>> -> memref<40x128xi32, #tpu.memory_space<hbm>>
        tpu.enqueue_dma source(%dma_start3A_115 : memref<40x128xi32, #tpu.memory_space<hbm>>) target(%dma_start3A_112 : memref<40x128xi32, #tpu.memory_space<vmem>>) target_semaphore(%run_scoped3A_103 : memref<!tpu.dma_semaphore, #tpu.memory_space<semaphore_mem>>)
        %dma_wait3A_116 = arith.constant 0 : i32
        %dma_wait3A_117 = arith.constant 0 : i32
        %dma_wait3A_118 = tpu.memref_slice %arg7[%dma_wait3A_116, %dma_wait3A_117] : memref<40x128xi32, #tpu.memory_space<vmem>> -> memref<40x128xi32, #tpu.memory_space<vmem>>
        %dma_wait3A_119 = arith.constant 0 : i32
        %dma_wait3A_120 = tpu.memref_slice %arg3[%run_scoped3A_72, %add3A_71, %dma_wait3A_119] : memref<2x2500x128xi32, #tpu.memory_space<hbm>> -> memref<1x40x128xi32, #tpu.memory_space<hbm>>
        %dma_wait3A_121 = tpu.memref_squeeze %dma_wait3A_120 : memref<1x40x128xi32, #tpu.memory_space<hbm>> -> memref<40x128xi32, #tpu.memory_space<hbm>>
        %dma_wait3A_122 = arith.constant 0 : i32
        %dma_wait3A_123 = arith.constant 0 : i32
        %dma_wait3A_124 = tpu.memref_slice %arg7[%dma_wait3A_122, %dma_wait3A_123] : memref<40x128xi32, #tpu.memory_space<vmem>> -> memref<40x128xi32, #tpu.memory_space<vmem>>
        %dma_wait3A_125 = arith.constant 0 : i32
        %dma_wait3A_126 = tpu.memref_slice %arg3[%run_scoped3A_72, %add3A_71, %dma_wait3A_125] : memref<2x2500x128xi32, #tpu.memory_space<hbm>> -> memref<1x40x128xi32, #tpu.memory_space<hbm>>
        %dma_wait3A_127 = tpu.memref_squeeze %dma_wait3A_126 : memref<1x40x128xi32, #tpu.memory_space<hbm>> -> memref<40x128xi32, #tpu.memory_space<hbm>>
        tpu.wait_dma2 semaphore(%run_scoped3A_103 : memref<!tpu.dma_semaphore, #tpu.memory_space<semaphore_mem>>) src(%dma_wait3A_127 : memref<40x128xi32, #tpu.memory_space<hbm>>) dst(%dma_wait3A_124 : memref<40x128xi32, #tpu.memory_space<vmem>>)
        tpu.yield
      }) : () -> ()
      %dma_start3A_73 = arith.constant 0 : i32
      %dma_start3A_74 = arith.constant 0 : i32
      %dma_start3A_75 = arith.constant 0 : i32
      %dma_start3A_76 = arith.constant 0 : i32
      %dma_start3A_77 = tpu.memref_slice %arg8[%dma_start3A_74, %dma_start3A_75, %dma_start3A_76] : memref<2x128x128xf32, #tpu.memory_space<vmem>> -> memref<1x128x128xf32, #tpu.memory_space<vmem>>
      %dma_start3A_78 = tpu.memref_squeeze %dma_start3A_77 : memref<1x128x128xf32, #tpu.memory_space<vmem>> -> memref<128x128xf32, #tpu.memory_space<vmem>>
      %dma_start3A_79 = arith.constant 0 : i32
      %dma_start3A_80 = tpu.memref_slice %arg6[%dma_start3A_73, %dma_start3A_79] : memref<40x128xi32, #tpu.memory_space<vmem>> -> memref<1x128xi32, #tpu.memory_space<vmem>>
      %dma_start3A_81 = tpu.memref_squeeze %dma_start3A_80 : memref<1x128xi32, #tpu.memory_space<vmem>> -> memref<128xi32, #tpu.memory_space<vmem>>
      %dma_start3A_82 = arith.constant 0 : i32
      %dma_start3A_83 = arith.constant 0 : i32
      %dma_start3A_84 = tpu.memref_slice %arg2[%dma_start3A_82, %dma_start3A_83] : memref<10240x128xf32, #tpu.memory_space<hbm>> -> memref<10240x128xf32, #tpu.memory_space<hbm>>
      tpu.enqueue_indirect_dma source(%dma_start3A_84 : memref<10240x128xf32, #tpu.memory_space<hbm>>) target(%dma_start3A_78 : memref<128x128xf32, #tpu.memory_space<vmem>>) offsets(%dma_start3A_81 : memref<128xi32, #tpu.memory_space<vmem>>) semaphore(%arg10 : memref<!tpu.dma_semaphore, #tpu.memory_space<semaphore_mem>>)
      %scan3A_85 = arith.constant 0 : i32
      %scan3A_86 = arith.constant 0 : i32
      %scan3A_87 = arith.constant 40 : i32
      %scan3A_88 = arith.addi %scan3A_86, %scan3A_87 : i32
      %scan3A_89 = arith.constant 1 : i32
      scf.for %scan3A_103 = %scan3A_86 to %scan3A_88 step %scan3A_89  : i32 {
        %ge3A = arith.constant 1 : i32
        %ge3A_104 = arith.cmpi sge, %scan3A_103, %ge3A : i32
        %convert_element_type3A_105 = arith.extui %ge3A_104 : i1 to i32
        %cond3A_106 = arith.constant 0 : i32
        %cond3A_107 = arith.cmpi ne, %convert_element_type3A_105, %cond3A_106 : i32
        scf.if %cond3A_107 {
          %sub3A = arith.constant 1 : i32
          %sub3A_162 = arith.subi %scan3A_103, %sub3A : i32
          %jit3A_163 = arith.constant 2 : i32
          %eq3A_164 = arith.constant 0 : i32
          %eq3A_165 = arith.cmpi eq, %jit3A_163, %eq3A_164 : i32
          %jit3A_166 = arith.constant 1 : i32
          %select_n3A_167 = arith.select %eq3A_165, %jit3A_166, %jit3A_163 : i32
          %rem3A_168 = arith.remsi %sub3A_162, %select_n3A_167 : i32
          %ne3A_169 = arith.constant 0 : i32
          %ne3A_170 = arith.cmpi ne, %rem3A_168, %ne3A_169 : i32
          %lt3A_171 = arith.constant 0 : i32
          %lt3A_172 = arith.cmpi slt, %rem3A_168, %lt3A_171 : i32
          %lt3A_173 = arith.constant 0 : i32
          %lt3A_174 = arith.cmpi slt, %select_n3A_167, %lt3A_173 : i32
          %ne3A_175 = arith.xori %lt3A_172, %lt3A_174 : i1
          %and3A_176 = arith.andi %ne3A_175, %ne3A_170 : i1
          %add3A_177 = arith.addi %rem3A_168, %select_n3A_167 : i32
          %select_n3A_178 = arith.select %and3A_176, %add3A_177, %rem3A_168 : i32
          %sub3A_179 = arith.constant 1 : i32
          %sub3A_180 = arith.subi %scan3A_103, %sub3A_179 : i32
          %dma_wait3A_181 = arith.constant 0 : i32
          %dma_wait3A_182 = arith.constant 0 : i32
          %dma_wait3A_183 = tpu.memref_slice %arg8[%select_n3A_178, %dma_wait3A_181, %dma_wait3A_182] : memref<2x128x128xf32, #tpu.memory_space<vmem>> -> memref<1x128x128xf32, #tpu.memory_space<vmem>>
          %dma_wait3A_184 = tpu.memref_squeeze %dma_wait3A_183 : memref<1x128x128xf32, #tpu.memory_space<vmem>> -> memref<128x128xf32, #tpu.memory_space<vmem>>
          %dma_wait3A_185 = arith.constant 0 : i32
          %dma_wait3A_186 = tpu.memref_slice %arg7[%sub3A_180, %dma_wait3A_185] : memref<40x128xi32, #tpu.memory_space<vmem>> -> memref<1x128xi32, #tpu.memory_space<vmem>>
          %dma_wait3A_187 = tpu.memref_squeeze %dma_wait3A_186 : memref<1x128xi32, #tpu.memory_space<vmem>> -> memref<128xi32, #tpu.memory_space<vmem>>
          %dma_wait3A_188 = arith.constant 0 : i32
          %dma_wait3A_189 = arith.constant 0 : i32
          %dma_wait3A_190 = tpu.memref_slice %arg9[%dma_wait3A_188, %dma_wait3A_189] : memref<10240x128xf32, #tpu.memory_space<vmem_shared>> -> memref<10240x128xf32, #tpu.memory_space<vmem_shared>>
          tpu.wait_indirect_dma semaphore(%arg11 : memref<!tpu.dma_semaphore, #tpu.memory_space<semaphore_mem>>) src(%dma_wait3A_184 : memref<128x128xf32, #tpu.memory_space<vmem>>) dst(%dma_wait3A_190 : memref<10240x128xf32, #tpu.memory_space<vmem_shared>>)
        } else {
        }
        %add3A_108 = arith.constant 1 : i32
        %add3A_109 = arith.addi %scan3A_103, %add3A_108 : i32
        %lt3A = arith.constant 40 : i32
        %lt3A_110 = arith.cmpi slt, %add3A_109, %lt3A : i32
        %convert_element_type3A_111 = arith.extui %lt3A_110 : i1 to i32
        %cond3A_112 = arith.constant 0 : i32
        %cond3A_113 = arith.cmpi ne, %convert_element_type3A_111, %cond3A_112 : i32
        scf.if %cond3A_113 {
          %add3A_162 = arith.constant 1 : i32
          %add3A_163 = arith.addi %scan3A_103, %add3A_162 : i32
          %add3A_164 = arith.constant 1 : i32
          %add3A_165 = arith.addi %scan3A_103, %add3A_164 : i32
          %jit3A_166 = arith.constant 2 : i32
          %eq3A_167 = arith.constant 0 : i32
          %eq3A_168 = arith.cmpi eq, %jit3A_166, %eq3A_167 : i32
          %jit3A_169 = arith.constant 1 : i32
          %select_n3A_170 = arith.select %eq3A_168, %jit3A_169, %jit3A_166 : i32
          %rem3A_171 = arith.remsi %add3A_165, %select_n3A_170 : i32
          %ne3A_172 = arith.constant 0 : i32
          %ne3A_173 = arith.cmpi ne, %rem3A_171, %ne3A_172 : i32
          %lt3A_174 = arith.constant 0 : i32
          %lt3A_175 = arith.cmpi slt, %rem3A_171, %lt3A_174 : i32
          %lt3A_176 = arith.constant 0 : i32
          %lt3A_177 = arith.cmpi slt, %select_n3A_170, %lt3A_176 : i32
          %ne3A_178 = arith.xori %lt3A_175, %lt3A_177 : i1
          %and3A_179 = arith.andi %ne3A_178, %ne3A_173 : i1
          %add3A_180 = arith.addi %rem3A_171, %select_n3A_170 : i32
          %select_n3A_181 = arith.select %and3A_179, %add3A_180, %rem3A_171 : i32
          %dma_start3A_182 = arith.constant 0 : i32
          %dma_start3A_183 = arith.constant 0 : i32
          %dma_start3A_184 = tpu.memref_slice %arg8[%select_n3A_181, %dma_start3A_182, %dma_start3A_183] : memref<2x128x128xf32, #tpu.memory_space<vmem>> -> memref<1x128x128xf32, #tpu.memory_space<vmem>>
          %dma_start3A_185 = tpu.memref_squeeze %dma_start3A_184 : memref<1x128x128xf32, #tpu.memory_space<vmem>> -> memref<128x128xf32, #tpu.memory_space<vmem>>
          %dma_start3A_186 = arith.constant 0 : i32
          %dma_start3A_187 = tpu.memref_slice %arg6[%add3A_163, %dma_start3A_186] : memref<40x128xi32, #tpu.memory_space<vmem>> -> memref<1x128xi32, #tpu.memory_space<vmem>>
          %dma_start3A_188 = tpu.memref_squeeze %dma_start3A_187 : memref<1x128xi32, #tpu.memory_space<vmem>> -> memref<128xi32, #tpu.memory_space<vmem>>
          %dma_start3A_189 = arith.constant 0 : i32
          %dma_start3A_190 = arith.constant 0 : i32
          %dma_start3A_191 = tpu.memref_slice %arg2[%dma_start3A_189, %dma_start3A_190] : memref<10240x128xf32, #tpu.memory_space<hbm>> -> memref<10240x128xf32, #tpu.memory_space<hbm>>
          tpu.enqueue_indirect_dma source(%dma_start3A_191 : memref<10240x128xf32, #tpu.memory_space<hbm>>) target(%dma_start3A_185 : memref<128x128xf32, #tpu.memory_space<vmem>>) offsets(%dma_start3A_188 : memref<128xi32, #tpu.memory_space<vmem>>) semaphore(%arg10 : memref<!tpu.dma_semaphore, #tpu.memory_space<semaphore_mem>>)
        } else {
        }
        %jit3A = arith.constant 2 : i32
        %eq3A_114 = arith.constant 0 : i32
        %eq3A_115 = arith.cmpi eq, %jit3A, %eq3A_114 : i32
        %jit3A_116 = arith.constant 1 : i32
        %select_n3A = arith.select %eq3A_115, %jit3A_116, %jit3A : i32
        %rem3A = arith.remsi %scan3A_103, %select_n3A : i32
        %ne3A_117 = arith.constant 0 : i32
        %ne3A_118 = arith.cmpi ne, %rem3A, %ne3A_117 : i32
        %lt3A_119 = arith.constant 0 : i32
        %lt3A_120 = arith.cmpi slt, %rem3A, %lt3A_119 : i32
        %lt3A_121 = arith.constant 0 : i32
        %lt3A_122 = arith.cmpi slt, %select_n3A, %lt3A_121 : i32
        %ne3A_123 = arith.xori %lt3A_120, %lt3A_122 : i1
        %and3A = arith.andi %ne3A_123, %ne3A_118 : i1
        %add3A_124 = arith.addi %rem3A, %select_n3A : i32
        %select_n3A_125 = arith.select %and3A, %add3A_124, %rem3A : i32
        %dma_wait3A_126 = arith.constant 0 : i32
        %dma_wait3A_127 = arith.constant 0 : i32
        %dma_wait3A_128 = tpu.memref_slice %arg8[%select_n3A_125, %dma_wait3A_126, %dma_wait3A_127] : memref<2x128x128xf32, #tpu.memory_space<vmem>> -> memref<1x128x128xf32, #tpu.memory_space<vmem>>
        %dma_wait3A_129 = tpu.memref_squeeze %dma_wait3A_128 : memref<1x128x128xf32, #tpu.memory_space<vmem>> -> memref<128x128xf32, #tpu.memory_space<vmem>>
        %dma_wait3A_130 = arith.constant 0 : i32
        %dma_wait3A_131 = tpu.memref_slice %arg6[%scan3A_103, %dma_wait3A_130] : memref<40x128xi32, #tpu.memory_space<vmem>> -> memref<1x128xi32, #tpu.memory_space<vmem>>
        %dma_wait3A_132 = tpu.memref_squeeze %dma_wait3A_131 : memref<1x128xi32, #tpu.memory_space<vmem>> -> memref<128xi32, #tpu.memory_space<vmem>>
        %dma_wait3A_133 = arith.constant 0 : i32
        %dma_wait3A_134 = arith.constant 0 : i32
        %dma_wait3A_135 = tpu.memref_slice %arg2[%dma_wait3A_133, %dma_wait3A_134] : memref<10240x128xf32, #tpu.memory_space<hbm>> -> memref<10240x128xf32, #tpu.memory_space<hbm>>
        tpu.wait_indirect_dma semaphore(%arg10 : memref<!tpu.dma_semaphore, #tpu.memory_space<semaphore_mem>>) src(%dma_wait3A_135 : memref<10240x128xf32, #tpu.memory_space<hbm>>) dst(%dma_wait3A_129 : memref<128x128xf32, #tpu.memory_space<vmem>>)
        %jit3A_136 = arith.constant 2 : i32
        %eq3A_137 = arith.constant 0 : i32
        %eq3A_138 = arith.cmpi eq, %jit3A_136, %eq3A_137 : i32
        %jit3A_139 = arith.constant 1 : i32
        %select_n3A_140 = arith.select %eq3A_138, %jit3A_139, %jit3A_136 : i32
        %rem3A_141 = arith.remsi %scan3A_103, %select_n3A_140 : i32
        %ne3A_142 = arith.constant 0 : i32
        %ne3A_143 = arith.cmpi ne, %rem3A_141, %ne3A_142 : i32
        %lt3A_144 = arith.constant 0 : i32
        %lt3A_145 = arith.cmpi slt, %rem3A_141, %lt3A_144 : i32
        %lt3A_146 = arith.constant 0 : i32
        %lt3A_147 = arith.cmpi slt, %select_n3A_140, %lt3A_146 : i32
        %ne3A_148 = arith.xori %lt3A_145, %lt3A_147 : i1
        %and3A_149 = arith.andi %ne3A_148, %ne3A_143 : i1
        %add3A_150 = arith.addi %rem3A_141, %select_n3A_140 : i32
        %select_n3A_151 = arith.select %and3A_149, %add3A_150, %rem3A_141 : i32
        %dma_start3A_152 = arith.constant 0 : i32
        %dma_start3A_153 = arith.constant 0 : i32
        %dma_start3A_154 = tpu.memref_slice %arg8[%select_n3A_151, %dma_start3A_152, %dma_start3A_153] : memref<2x128x128xf32, #tpu.memory_space<vmem>> -> memref<1x128x128xf32, #tpu.memory_space<vmem>>
        %dma_start3A_155 = tpu.memref_squeeze %dma_start3A_154 : memref<1x128x128xf32, #tpu.memory_space<vmem>> -> memref<128x128xf32, #tpu.memory_space<vmem>>
        %dma_start3A_156 = arith.constant 0 : i32
        %dma_start3A_157 = tpu.memref_slice %arg7[%scan3A_103, %dma_start3A_156] : memref<40x128xi32, #tpu.memory_space<vmem>> -> memref<1x128xi32, #tpu.memory_space<vmem>>
        %dma_start3A_158 = tpu.memref_squeeze %dma_start3A_157 : memref<1x128xi32, #tpu.memory_space<vmem>> -> memref<128xi32, #tpu.memory_space<vmem>>
        %dma_start3A_159 = arith.constant 0 : i32
        %dma_start3A_160 = arith.constant 0 : i32
        %dma_start3A_161 = tpu.memref_slice %arg9[%dma_start3A_159, %dma_start3A_160] : memref<10240x128xf32, #tpu.memory_space<vmem_shared>> -> memref<10240x128xf32, #tpu.memory_space<vmem_shared>>
        tpu.enqueue_indirect_dma source(%dma_start3A_155 : memref<128x128xf32, #tpu.memory_space<vmem>>) target(%dma_start3A_161 : memref<10240x128xf32, #tpu.memory_space<vmem_shared>>) offsets(%dma_start3A_158 : memref<128xi32, #tpu.memory_space<vmem>>) semaphore(%arg11 : memref<!tpu.dma_semaphore, #tpu.memory_space<semaphore_mem>>) {add = true}
      }
      %scan3A_90 = arith.constant 40 : i32
      %dma_wait3A_91 = arith.constant 1 : i32
      %dma_wait3A_92 = arith.constant 39 : i32
      %dma_wait3A_93 = arith.constant 0 : i32
      %dma_wait3A_94 = arith.constant 0 : i32
      %dma_wait3A_95 = tpu.memref_slice %arg8[%dma_wait3A_91, %dma_wait3A_93, %dma_wait3A_94] : memref<2x128x128xf32, #tpu.memory_space<vmem>> -> memref<1x128x128xf32, #tpu.memory_space<vmem>>
      %dma_wait3A_96 = tpu.memref_squeeze %dma_wait3A_95 : memref<1x128x128xf32, #tpu.memory_space<vmem>> -> memref<128x128xf32, #tpu.memory_space<vmem>>
      %dma_wait3A_97 = arith.constant 0 : i32
      %dma_wait3A_98 = tpu.memref_slice %arg7[%dma_wait3A_92, %dma_wait3A_97] : memref<40x128xi32, #tpu.memory_space<vmem>> -> memref<1x128xi32, #tpu.memory_space<vmem>>
      %dma_wait3A_99 = tpu.memref_squeeze %dma_wait3A_98 : memref<1x128xi32, #tpu.memory_space<vmem>> -> memref<128xi32, #tpu.memory_space<vmem>>
      %dma_wait3A_100 = arith.constant 0 : i32
      %dma_wait3A_101 = arith.constant 0 : i32
      %dma_wait3A_102 = tpu.memref_slice %arg9[%dma_wait3A_100, %dma_wait3A_101] : memref<10240x128xf32, #tpu.memory_space<vmem_shared>> -> memref<10240x128xf32, #tpu.memory_space<vmem_shared>>
      tpu.wait_indirect_dma semaphore(%arg11 : memref<!tpu.dma_semaphore, #tpu.memory_space<semaphore_mem>>) src(%dma_wait3A_96 : memref<128x128xf32, #tpu.memory_space<vmem>>) dst(%dma_wait3A_102 : memref<10240x128xf32, #tpu.memory_space<vmem_shared>>)
    } else {
    }
    %convert_element_type3A_39 = arith.extui %eq3A_1 : i1 to i32
    %cond3A_40 = arith.constant 0 : i32
    %cond3A_41 = arith.cmpi ne, %convert_element_type3A_39, %cond3A_40 : i32
    scf.if %cond3A_41 {
      %scan3A = arith.constant 0 : i32
      %scan3A_47 = arith.constant 0 : i32
      %scan3A_48 = arith.constant 20 : i32
      %scan3A_49 = arith.addi %scan3A_47, %scan3A_48 : i32
      %scan3A_50 = arith.constant 1 : i32
      scf.for %scan3A_64 = %scan3A_47 to %scan3A_49 step %scan3A_50  : i32 {
        %ge3A = arith.constant 1 : i32
        %ge3A_65 = arith.cmpi sge, %scan3A_64, %ge3A : i32
        %convert_element_type3A_66 = arith.extui %ge3A_65 : i1 to i32
        %cond3A_67 = arith.constant 0 : i32
        %cond3A_68 = arith.cmpi ne, %convert_element_type3A_66, %cond3A_67 : i32
        scf.if %cond3A_68 {
          %sub3A = arith.constant 1 : i32
          %sub3A_123 = arith.subi %scan3A_64, %sub3A : i32
          %jit3A_124 = arith.constant 2 : i32
          %eq3A_125 = arith.constant 0 : i32
          %eq3A_126 = arith.cmpi eq, %jit3A_124, %eq3A_125 : i32
          %jit3A_127 = arith.constant 1 : i32
          %select_n3A_128 = arith.select %eq3A_126, %jit3A_127, %jit3A_124 : i32
          %rem3A_129 = arith.remsi %sub3A_123, %select_n3A_128 : i32
          %ne3A_130 = arith.constant 0 : i32
          %ne3A_131 = arith.cmpi ne, %rem3A_129, %ne3A_130 : i32
          %lt3A_132 = arith.constant 0 : i32
          %lt3A_133 = arith.cmpi slt, %rem3A_129, %lt3A_132 : i32
          %lt3A_134 = arith.constant 0 : i32
          %lt3A_135 = arith.cmpi slt, %select_n3A_128, %lt3A_134 : i32
          %ne3A_136 = arith.xori %lt3A_133, %lt3A_135 : i1
          %and3A_137 = arith.andi %ne3A_136, %ne3A_131 : i1
          %add3A_138 = arith.addi %rem3A_129, %select_n3A_128 : i32
          %select_n3A_139 = arith.select %and3A_137, %add3A_138, %rem3A_129 : i32
          %sub3A_140 = arith.constant 1 : i32
          %sub3A_141 = arith.subi %scan3A_64, %sub3A_140 : i32
          %dma_wait3A_142 = arith.constant 0 : i32
          %dma_wait3A_143 = arith.constant 0 : i32
          %dma_wait3A_144 = tpu.memref_slice %arg8[%select_n3A_139, %dma_wait3A_142, %dma_wait3A_143] : memref<2x128x128xf32, #tpu.memory_space<vmem>> -> memref<1x128x128xf32, #tpu.memory_space<vmem>>
          %dma_wait3A_145 = tpu.memref_squeeze %dma_wait3A_144 : memref<1x128x128xf32, #tpu.memory_space<vmem>> -> memref<128x128xf32, #tpu.memory_space<vmem>>
          %dma_wait3A_146 = arith.constant 0 : i32
          %dma_wait3A_147 = tpu.memref_slice %arg7[%sub3A_141, %dma_wait3A_146] : memref<40x128xi32, #tpu.memory_space<vmem>> -> memref<1x128xi32, #tpu.memory_space<vmem>>
          %dma_wait3A_148 = tpu.memref_squeeze %dma_wait3A_147 : memref<1x128xi32, #tpu.memory_space<vmem>> -> memref<128xi32, #tpu.memory_space<vmem>>
          %dma_wait3A_149 = arith.constant 0 : i32
          %dma_wait3A_150 = arith.constant 0 : i32
          %dma_wait3A_151 = tpu.memref_slice %arg9[%dma_wait3A_149, %dma_wait3A_150] : memref<10240x128xf32, #tpu.memory_space<vmem_shared>> -> memref<10240x128xf32, #tpu.memory_space<vmem_shared>>
          tpu.wait_indirect_dma semaphore(%arg11 : memref<!tpu.dma_semaphore, #tpu.memory_space<semaphore_mem>>) src(%dma_wait3A_145 : memref<128x128xf32, #tpu.memory_space<vmem>>) dst(%dma_wait3A_151 : memref<10240x128xf32, #tpu.memory_space<vmem_shared>>)
        } else {
        }
        %add3A_69 = arith.constant 1 : i32
        %add3A_70 = arith.addi %scan3A_64, %add3A_69 : i32
        %lt3A = arith.constant 20 : i32
        %lt3A_71 = arith.cmpi slt, %add3A_70, %lt3A : i32
        %convert_element_type3A_72 = arith.extui %lt3A_71 : i1 to i32
        %cond3A_73 = arith.constant 0 : i32
        %cond3A_74 = arith.cmpi ne, %convert_element_type3A_72, %cond3A_73 : i32
        scf.if %cond3A_74 {
          %add3A_123 = arith.constant 1 : i32
          %add3A_124 = arith.addi %scan3A_64, %add3A_123 : i32
          %add3A_125 = arith.constant 1 : i32
          %add3A_126 = arith.addi %scan3A_64, %add3A_125 : i32
          %jit3A_127 = arith.constant 2 : i32
          %eq3A_128 = arith.constant 0 : i32
          %eq3A_129 = arith.cmpi eq, %jit3A_127, %eq3A_128 : i32
          %jit3A_130 = arith.constant 1 : i32
          %select_n3A_131 = arith.select %eq3A_129, %jit3A_130, %jit3A_127 : i32
          %rem3A_132 = arith.remsi %add3A_126, %select_n3A_131 : i32
          %ne3A_133 = arith.constant 0 : i32
          %ne3A_134 = arith.cmpi ne, %rem3A_132, %ne3A_133 : i32
          %lt3A_135 = arith.constant 0 : i32
          %lt3A_136 = arith.cmpi slt, %rem3A_132, %lt3A_135 : i32
          %lt3A_137 = arith.constant 0 : i32
          %lt3A_138 = arith.cmpi slt, %select_n3A_131, %lt3A_137 : i32
          %ne3A_139 = arith.xori %lt3A_136, %lt3A_138 : i1
          %and3A_140 = arith.andi %ne3A_139, %ne3A_134 : i1
          %add3A_141 = arith.addi %rem3A_132, %select_n3A_131 : i32
          %select_n3A_142 = arith.select %and3A_140, %add3A_141, %rem3A_132 : i32
          %dma_start3A_143 = arith.constant 0 : i32
          %dma_start3A_144 = arith.constant 0 : i32
          %dma_start3A_145 = tpu.memref_slice %arg8[%select_n3A_142, %dma_start3A_143, %dma_start3A_144] : memref<2x128x128xf32, #tpu.memory_space<vmem>> -> memref<1x128x128xf32, #tpu.memory_space<vmem>>
          %dma_start3A_146 = tpu.memref_squeeze %dma_start3A_145 : memref<1x128x128xf32, #tpu.memory_space<vmem>> -> memref<128x128xf32, #tpu.memory_space<vmem>>
          %dma_start3A_147 = arith.constant 0 : i32
          %dma_start3A_148 = tpu.memref_slice %arg6[%add3A_124, %dma_start3A_147] : memref<40x128xi32, #tpu.memory_space<vmem>> -> memref<1x128xi32, #tpu.memory_space<vmem>>
          %dma_start3A_149 = tpu.memref_squeeze %dma_start3A_148 : memref<1x128xi32, #tpu.memory_space<vmem>> -> memref<128xi32, #tpu.memory_space<vmem>>
          %dma_start3A_150 = arith.constant 0 : i32
          %dma_start3A_151 = arith.constant 0 : i32
          %dma_start3A_152 = tpu.memref_slice %arg2[%dma_start3A_150, %dma_start3A_151] : memref<10240x128xf32, #tpu.memory_space<hbm>> -> memref<10240x128xf32, #tpu.memory_space<hbm>>
          tpu.enqueue_indirect_dma source(%dma_start3A_152 : memref<10240x128xf32, #tpu.memory_space<hbm>>) target(%dma_start3A_146 : memref<128x128xf32, #tpu.memory_space<vmem>>) offsets(%dma_start3A_149 : memref<128xi32, #tpu.memory_space<vmem>>) semaphore(%arg10 : memref<!tpu.dma_semaphore, #tpu.memory_space<semaphore_mem>>)
        } else {
        }
        %jit3A = arith.constant 2 : i32
        %eq3A_75 = arith.constant 0 : i32
        %eq3A_76 = arith.cmpi eq, %jit3A, %eq3A_75 : i32
        %jit3A_77 = arith.constant 1 : i32
        %select_n3A = arith.select %eq3A_76, %jit3A_77, %jit3A : i32
        %rem3A = arith.remsi %scan3A_64, %select_n3A : i32
        %ne3A_78 = arith.constant 0 : i32
        %ne3A_79 = arith.cmpi ne, %rem3A, %ne3A_78 : i32
        %lt3A_80 = arith.constant 0 : i32
        %lt3A_81 = arith.cmpi slt, %rem3A, %lt3A_80 : i32
        %lt3A_82 = arith.constant 0 : i32
        %lt3A_83 = arith.cmpi slt, %select_n3A, %lt3A_82 : i32
        %ne3A_84 = arith.xori %lt3A_81, %lt3A_83 : i1
        %and3A = arith.andi %ne3A_84, %ne3A_79 : i1
        %add3A_85 = arith.addi %rem3A, %select_n3A : i32
        %select_n3A_86 = arith.select %and3A, %add3A_85, %rem3A : i32
        %dma_wait3A_87 = arith.constant 0 : i32
        %dma_wait3A_88 = arith.constant 0 : i32
        %dma_wait3A_89 = tpu.memref_slice %arg8[%select_n3A_86, %dma_wait3A_87, %dma_wait3A_88] : memref<2x128x128xf32, #tpu.memory_space<vmem>> -> memref<1x128x128xf32, #tpu.memory_space<vmem>>
        %dma_wait3A_90 = tpu.memref_squeeze %dma_wait3A_89 : memref<1x128x128xf32, #tpu.memory_space<vmem>> -> memref<128x128xf32, #tpu.memory_space<vmem>>
        %dma_wait3A_91 = arith.constant 0 : i32
        %dma_wait3A_92 = tpu.memref_slice %arg6[%scan3A_64, %dma_wait3A_91] : memref<40x128xi32, #tpu.memory_space<vmem>> -> memref<1x128xi32, #tpu.memory_space<vmem>>
        %dma_wait3A_93 = tpu.memref_squeeze %dma_wait3A_92 : memref<1x128xi32, #tpu.memory_space<vmem>> -> memref<128xi32, #tpu.memory_space<vmem>>
        %dma_wait3A_94 = arith.constant 0 : i32
        %dma_wait3A_95 = arith.constant 0 : i32
        %dma_wait3A_96 = tpu.memref_slice %arg2[%dma_wait3A_94, %dma_wait3A_95] : memref<10240x128xf32, #tpu.memory_space<hbm>> -> memref<10240x128xf32, #tpu.memory_space<hbm>>
        tpu.wait_indirect_dma semaphore(%arg10 : memref<!tpu.dma_semaphore, #tpu.memory_space<semaphore_mem>>) src(%dma_wait3A_96 : memref<10240x128xf32, #tpu.memory_space<hbm>>) dst(%dma_wait3A_90 : memref<128x128xf32, #tpu.memory_space<vmem>>)
        %jit3A_97 = arith.constant 2 : i32
        %eq3A_98 = arith.constant 0 : i32
        %eq3A_99 = arith.cmpi eq, %jit3A_97, %eq3A_98 : i32
        %jit3A_100 = arith.constant 1 : i32
        %select_n3A_101 = arith.select %eq3A_99, %jit3A_100, %jit3A_97 : i32
        %rem3A_102 = arith.remsi %scan3A_64, %select_n3A_101 : i32
        %ne3A_103 = arith.constant 0 : i32
        %ne3A_104 = arith.cmpi ne, %rem3A_102, %ne3A_103 : i32
        %lt3A_105 = arith.constant 0 : i32
        %lt3A_106 = arith.cmpi slt, %rem3A_102, %lt3A_105 : i32
        %lt3A_107 = arith.constant 0 : i32
        %lt3A_108 = arith.cmpi slt, %select_n3A_101, %lt3A_107 : i32
        %ne3A_109 = arith.xori %lt3A_106, %lt3A_108 : i1
        %and3A_110 = arith.andi %ne3A_109, %ne3A_104 : i1
        %add3A_111 = arith.addi %rem3A_102, %select_n3A_101 : i32
        %select_n3A_112 = arith.select %and3A_110, %add3A_111, %rem3A_102 : i32
        %dma_start3A_113 = arith.constant 0 : i32
        %dma_start3A_114 = arith.constant 0 : i32
        %dma_start3A_115 = tpu.memref_slice %arg8[%select_n3A_112, %dma_start3A_113, %dma_start3A_114] : memref<2x128x128xf32, #tpu.memory_space<vmem>> -> memref<1x128x128xf32, #tpu.memory_space<vmem>>
        %dma_start3A_116 = tpu.memref_squeeze %dma_start3A_115 : memref<1x128x128xf32, #tpu.memory_space<vmem>> -> memref<128x128xf32, #tpu.memory_space<vmem>>
        %dma_start3A_117 = arith.constant 0 : i32
        %dma_start3A_118 = tpu.memref_slice %arg7[%scan3A_64, %dma_start3A_117] : memref<40x128xi32, #tpu.memory_space<vmem>> -> memref<1x128xi32, #tpu.memory_space<vmem>>
        %dma_start3A_119 = tpu.memref_squeeze %dma_start3A_118 : memref<1x128xi32, #tpu.memory_space<vmem>> -> memref<128xi32, #tpu.memory_space<vmem>>
        %dma_start3A_120 = arith.constant 0 : i32
        %dma_start3A_121 = arith.constant 0 : i32
        %dma_start3A_122 = tpu.memref_slice %arg9[%dma_start3A_120, %dma_start3A_121] : memref<10240x128xf32, #tpu.memory_space<vmem_shared>> -> memref<10240x128xf32, #tpu.memory_space<vmem_shared>>
        tpu.enqueue_indirect_dma source(%dma_start3A_116 : memref<128x128xf32, #tpu.memory_space<vmem>>) target(%dma_start3A_122 : memref<10240x128xf32, #tpu.memory_space<vmem_shared>>) offsets(%dma_start3A_119 : memref<128xi32, #tpu.memory_space<vmem>>) semaphore(%arg11 : memref<!tpu.dma_semaphore, #tpu.memory_space<semaphore_mem>>) {add = true}
      }
      %scan3A_51 = arith.constant 20 : i32
      %dma_wait3A_52 = arith.constant 1 : i32
      %dma_wait3A_53 = arith.constant 19 : i32
      %dma_wait3A_54 = arith.constant 0 : i32
      %dma_wait3A_55 = arith.constant 0 : i32
      %dma_wait3A_56 = tpu.memref_slice %arg8[%dma_wait3A_52, %dma_wait3A_54, %dma_wait3A_55] : memref<2x128x128xf32, #tpu.memory_space<vmem>> -> memref<1x128x128xf32, #tpu.memory_space<vmem>>
      %dma_wait3A_57 = tpu.memref_squeeze %dma_wait3A_56 : memref<1x128x128xf32, #tpu.memory_space<vmem>> -> memref<128x128xf32, #tpu.memory_space<vmem>>
      %dma_wait3A_58 = arith.constant 0 : i32
      %dma_wait3A_59 = tpu.memref_slice %arg7[%dma_wait3A_53, %dma_wait3A_58] : memref<40x128xi32, #tpu.memory_space<vmem>> -> memref<1x128xi32, #tpu.memory_space<vmem>>
      %dma_wait3A_60 = tpu.memref_squeeze %dma_wait3A_59 : memref<1x128xi32, #tpu.memory_space<vmem>> -> memref<128xi32, #tpu.memory_space<vmem>>
      %dma_wait3A_61 = arith.constant 0 : i32
      %dma_wait3A_62 = arith.constant 0 : i32
      %dma_wait3A_63 = tpu.memref_slice %arg9[%dma_wait3A_61, %dma_wait3A_62] : memref<10240x128xf32, #tpu.memory_space<vmem_shared>> -> memref<10240x128xf32, #tpu.memory_space<vmem_shared>>
      tpu.wait_indirect_dma semaphore(%arg11 : memref<!tpu.dma_semaphore, #tpu.memory_space<semaphore_mem>>) src(%dma_wait3A_57 : memref<128x128xf32, #tpu.memory_space<vmem>>) dst(%dma_wait3A_63 : memref<10240x128xf32, #tpu.memory_space<vmem_shared>>)
    } else {
    }
    %barrier3A_42 = arith.constant 0 : index
    tpu.barrier barrier_id(%barrier3A_42)
    %mul3A_43 = arith.constant 640 : i32
    %mul3A_44 = arith.muli %arg1, %mul3A_43 : i32
    %mul3A_45 = arith.constant 640 : i32
    %mul3A_46 = arith.muli %arg1, %mul3A_45 : i32
    "tpu.region"() ({
      %run_scoped3A = tpu.sem_alloc : memref<!tpu.dma_semaphore, #tpu.memory_space<semaphore_mem>>
      %dma_start3A_47 = arith.constant 0 : i32
      %dma_start3A_48 = tpu.memref_slice %arg5[%arg0, %mul3A_46, %dma_start3A_47] : memref<2x10240x128xf32, #tpu.memory_space<hbm>> -> memref<1x640x128xf32, #tpu.memory_space<hbm>>
      %dma_start3A_49 = tpu.memref_squeeze %dma_start3A_48 : memref<1x640x128xf32, #tpu.memory_space<hbm>> -> memref<640x128xf32, #tpu.memory_space<hbm>>
      %dma_start3A_50 = arith.constant 0 : i32
      %dma_start3A_51 = tpu.memref_slice %arg9[%mul3A_44, %dma_start3A_50] : memref<10240x128xf32, #tpu.memory_space<vmem_shared>> -> memref<640x128xf32, #tpu.memory_space<vmem_shared>>
      tpu.enqueue_dma source(%dma_start3A_51 : memref<640x128xf32, #tpu.memory_space<vmem_shared>>) target(%dma_start3A_49 : memref<640x128xf32, #tpu.memory_space<hbm>>) target_semaphore(%run_scoped3A : memref<!tpu.dma_semaphore, #tpu.memory_space<semaphore_mem>>)
      %dma_wait3A_52 = arith.constant 0 : i32
      %dma_wait3A_53 = tpu.memref_slice %arg5[%arg0, %mul3A_46, %dma_wait3A_52] : memref<2x10240x128xf32, #tpu.memory_space<hbm>> -> memref<1x640x128xf32, #tpu.memory_space<hbm>>
      %dma_wait3A_54 = tpu.memref_squeeze %dma_wait3A_53 : memref<1x640x128xf32, #tpu.memory_space<hbm>> -> memref<640x128xf32, #tpu.memory_space<hbm>>
      %dma_wait3A_55 = arith.constant 0 : i32
      %dma_wait3A_56 = tpu.memref_slice %arg9[%mul3A_44, %dma_wait3A_55] : memref<10240x128xf32, #tpu.memory_space<vmem_shared>> -> memref<640x128xf32, #tpu.memory_space<vmem_shared>>
      tpu.wait_dma2 semaphore(%run_scoped3A : memref<!tpu.dma_semaphore, #tpu.memory_space<semaphore_mem>>) src(%dma_wait3A_56 : memref<640x128xf32, #tpu.memory_space<vmem_shared>>) dst(%dma_wait3A_54 : memref<640x128xf32, #tpu.memory_space<hbm>>)
      tpu.yield
    }) : () -> ()
    return
  }
}

#map = affine_map<(d0, d1) -> (0, 0, 0)>
#map1 = affine_map<(d0, d1) -> (0, 0)>
module attributes {stable_mosaic.version = 14 : i64} {
  func.func @_deg_kernel(%arg0: i32, %arg1: i32, %arg2: memref<2x2500x128xi32, #tpu.memory_space<hbm>>, %arg3: memref<10240x128xf32, #tpu.memory_space<hbm>>, %arg4: memref<128x128xf32, #tpu.memory_space<hbm>>, %arg5: memref<2x10240x128xf32, #tpu.memory_space<hbm>>, %arg6: memref<80x128xi32, #tpu.memory_space<vmem>>, %arg7: memref<128x128xf32, #tpu.memory_space<vmem>>, %arg8: memref<10240x128xf32, #tpu.memory_space<vmem_shared>>, %arg9: memref<!tpu.dma_semaphore, #tpu.memory_space<semaphore_mem>>) attributes {dimension_semantics = [#tpu.dimension_semantics<core_parallel>, #tpu.dimension_semantics<subcore_parallel>], iteration_bounds = array<i64: 2, 16>, scalar_prefetch = 0 : i64, scratch_operands = 4 : i64, tpu.core_type = #tpu.core_type<sc_vector_subcore>, window_params = [{transform_indices = #map}, {transform_indices = #map1}, {transform_indices = #map1}, {transform_indices = #map}]} {
    %mul3A = arith.constant 2 : i32
    %mul3A_0 = arith.muli %arg1, %mul3A : i32
    %add3A = arith.addi %mul3A_0, %arg0 : i32
    %eq3A = arith.constant 31 : i32
    %eq3A_1 = arith.cmpi eq, %add3A, %eq3A : i32
    %mul3A_2 = arith.constant 640 : i32
    %mul3A_3 = arith.muli %arg1, %mul3A_2 : i32
    %mul3A_4 = arith.constant 640 : i32
    %mul3A_5 = arith.muli %arg1, %mul3A_4 : i32
    %dma_start3A = arith.constant 0 : i32
    %dma_start3A_6 = tpu.memref_slice %arg8[%mul3A_5, %dma_start3A] : memref<10240x128xf32, #tpu.memory_space<vmem_shared>> -> memref<640x128xf32, #tpu.memory_space<vmem_shared>>
    %dma_start3A_7 = arith.constant 0 : i32
    %dma_start3A_8 = tpu.memref_slice %arg3[%mul3A_3, %dma_start3A_7] : memref<10240x128xf32, #tpu.memory_space<hbm>> -> memref<640x128xf32, #tpu.memory_space<hbm>>
    tpu.enqueue_dma source(%dma_start3A_8 : memref<640x128xf32, #tpu.memory_space<hbm>>) target(%dma_start3A_6 : memref<640x128xf32, #tpu.memory_space<vmem_shared>>) target_semaphore(%arg9 : memref<!tpu.dma_semaphore, #tpu.memory_space<semaphore_mem>>)
    "tpu.region"() ({
      %run_scoped3A = tpu.sem_alloc : memref<!tpu.dma_semaphore, #tpu.memory_space<semaphore_mem>>
      tpu.enqueue_dma source(%arg4 : memref<128x128xf32, #tpu.memory_space<hbm>>) target(%arg7 : memref<128x128xf32, #tpu.memory_space<vmem>>) target_semaphore(%run_scoped3A : memref<!tpu.dma_semaphore, #tpu.memory_space<semaphore_mem>>)
      tpu.wait_dma2 semaphore(%run_scoped3A : memref<!tpu.dma_semaphore, #tpu.memory_space<semaphore_mem>>) src(%arg4 : memref<128x128xf32, #tpu.memory_space<hbm>>) dst(%arg7 : memref<128x128xf32, #tpu.memory_space<vmem>>)
      tpu.yield
    }) : () -> ()
    %not3A = arith.constant true
    %not3A_9 = arith.xori %eq3A_1, %not3A : i1
    %convert_element_type3A = arith.extui %not3A_9 : i1 to i32
    %cond3A = arith.constant 0 : i32
    %cond3A_10 = arith.cmpi ne, %convert_element_type3A, %cond3A : i32
    scf.if %cond3A_10 {
      %mul3A_36 = arith.constant 80 : i32
      %mul3A_37 = arith.muli %add3A, %mul3A_36 : i32
      %run_scoped3A = arith.constant 1 : i32
      "tpu.region"() ({
        %run_scoped3A_38 = tpu.sem_alloc : memref<!tpu.dma_semaphore, #tpu.memory_space<semaphore_mem>>
        %dma_start3A_39 = arith.constant 0 : i32
        %dma_start3A_40 = tpu.memref_slice %arg2[%run_scoped3A, %mul3A_37, %dma_start3A_39] : memref<2x2500x128xi32, #tpu.memory_space<hbm>> -> memref<1x80x128xi32, #tpu.memory_space<hbm>>
        %dma_start3A_41 = tpu.memref_squeeze %dma_start3A_40 : memref<1x80x128xi32, #tpu.memory_space<hbm>> -> memref<80x128xi32, #tpu.memory_space<hbm>>
        %dma_start3A_42 = arith.constant 0 : i32
        %dma_start3A_43 = tpu.memref_slice %arg2[%run_scoped3A, %mul3A_37, %dma_start3A_42] : memref<2x2500x128xi32, #tpu.memory_space<hbm>> -> memref<1x80x128xi32, #tpu.memory_space<hbm>>
        %dma_start3A_44 = tpu.memref_squeeze %dma_start3A_43 : memref<1x80x128xi32, #tpu.memory_space<hbm>> -> memref<80x128xi32, #tpu.memory_space<hbm>>
        tpu.enqueue_dma source(%dma_start3A_44 : memref<80x128xi32, #tpu.memory_space<hbm>>) target(%arg6 : memref<80x128xi32, #tpu.memory_space<vmem>>) target_semaphore(%run_scoped3A_38 : memref<!tpu.dma_semaphore, #tpu.memory_space<semaphore_mem>>)
        %dma_wait3A_45 = arith.constant 0 : i32
        %dma_wait3A_46 = tpu.memref_slice %arg2[%run_scoped3A, %mul3A_37, %dma_wait3A_45] : memref<2x2500x128xi32, #tpu.memory_space<hbm>> -> memref<1x80x128xi32, #tpu.memory_space<hbm>>
        %dma_wait3A_47 = tpu.memref_squeeze %dma_wait3A_46 : memref<1x80x128xi32, #tpu.memory_space<hbm>> -> memref<80x128xi32, #tpu.memory_space<hbm>>
        %dma_wait3A_48 = arith.constant 0 : i32
        %dma_wait3A_49 = tpu.memref_slice %arg2[%run_scoped3A, %mul3A_37, %dma_wait3A_48] : memref<2x2500x128xi32, #tpu.memory_space<hbm>> -> memref<1x80x128xi32, #tpu.memory_space<hbm>>
        %dma_wait3A_50 = tpu.memref_squeeze %dma_wait3A_49 : memref<1x80x128xi32, #tpu.memory_space<hbm>> -> memref<80x128xi32, #tpu.memory_space<hbm>>
        tpu.wait_dma2 semaphore(%run_scoped3A_38 : memref<!tpu.dma_semaphore, #tpu.memory_space<semaphore_mem>>) src(%dma_wait3A_50 : memref<80x128xi32, #tpu.memory_space<hbm>>) dst(%arg6 : memref<80x128xi32, #tpu.memory_space<vmem>>)
        tpu.yield
      }) : () -> ()
    } else {
    }
    %convert_element_type3A_11 = arith.extui %eq3A_1 : i1 to i32
    %cond3A_12 = arith.constant 0 : i32
    %cond3A_13 = arith.cmpi ne, %convert_element_type3A_11, %cond3A_12 : i32
    scf.if %cond3A_13 {
      %run_scoped3A = arith.constant 1 : i32
      "tpu.region"() ({
        %run_scoped3A_36 = tpu.sem_alloc : memref<!tpu.dma_semaphore, #tpu.memory_space<semaphore_mem>>
        %dma_start3A_37 = arith.constant 0 : i32
        %dma_start3A_38 = arith.constant 0 : i32
        %dma_start3A_39 = tpu.memref_slice %arg6[%dma_start3A_37, %dma_start3A_38] : memref<80x128xi32, #tpu.memory_space<vmem>> -> memref<20x128xi32, #tpu.memory_space<vmem>>
        %dma_start3A_40 = arith.constant 2480 : i32
        %dma_start3A_41 = arith.constant 0 : i32
        %dma_start3A_42 = tpu.memref_slice %arg2[%run_scoped3A, %dma_start3A_40, %dma_start3A_41] : memref<2x2500x128xi32, #tpu.memory_space<hbm>> -> memref<1x20x128xi32, #tpu.memory_space<hbm>>
        %dma_start3A_43 = tpu.memref_squeeze %dma_start3A_42 : memref<1x20x128xi32, #tpu.memory_space<hbm>> -> memref<20x128xi32, #tpu.memory_space<hbm>>
        %dma_start3A_44 = arith.constant 0 : i32
        %dma_start3A_45 = arith.constant 0 : i32
        %dma_start3A_46 = tpu.memref_slice %arg6[%dma_start3A_44, %dma_start3A_45] : memref<80x128xi32, #tpu.memory_space<vmem>> -> memref<20x128xi32, #tpu.memory_space<vmem>>
        %dma_start3A_47 = arith.constant 2480 : i32
        %dma_start3A_48 = arith.constant 0 : i32
        %dma_start3A_49 = tpu.memref_slice %arg2[%run_scoped3A, %dma_start3A_47, %dma_start3A_48] : memref<2x2500x128xi32, #tpu.memory_space<hbm>> -> memref<1x20x128xi32, #tpu.memory_space<hbm>>
        %dma_start3A_50 = tpu.memref_squeeze %dma_start3A_49 : memref<1x20x128xi32, #tpu.memory_space<hbm>> -> memref<20x128xi32, #tpu.memory_space<hbm>>
        tpu.enqueue_dma source(%dma_start3A_50 : memref<20x128xi32, #tpu.memory_space<hbm>>) target(%dma_start3A_46 : memref<20x128xi32, #tpu.memory_space<vmem>>) target_semaphore(%run_scoped3A_36 : memref<!tpu.dma_semaphore, #tpu.memory_space<semaphore_mem>>)
        %dma_wait3A_51 = arith.constant 0 : i32
        %dma_wait3A_52 = arith.constant 0 : i32
        %dma_wait3A_53 = tpu.memref_slice %arg6[%dma_wait3A_51, %dma_wait3A_52] : memref<80x128xi32, #tpu.memory_space<vmem>> -> memref<20x128xi32, #tpu.memory_space<vmem>>
        %dma_wait3A_54 = arith.constant 2480 : i32
        %dma_wait3A_55 = arith.constant 0 : i32
        %dma_wait3A_56 = tpu.memref_slice %arg2[%run_scoped3A, %dma_wait3A_54, %dma_wait3A_55] : memref<2x2500x128xi32, #tpu.memory_space<hbm>> -> memref<1x20x128xi32, #tpu.memory_space<hbm>>
        %dma_wait3A_57 = tpu.memref_squeeze %dma_wait3A_56 : memref<1x20x128xi32, #tpu.memory_space<hbm>> -> memref<20x128xi32, #tpu.memory_space<hbm>>
        %dma_wait3A_58 = arith.constant 0 : i32
        %dma_wait3A_59 = arith.constant 0 : i32
        %dma_wait3A_60 = tpu.memref_slice %arg6[%dma_wait3A_58, %dma_wait3A_59] : memref<80x128xi32, #tpu.memory_space<vmem>> -> memref<20x128xi32, #tpu.memory_space<vmem>>
        %dma_wait3A_61 = arith.constant 2480 : i32
        %dma_wait3A_62 = arith.constant 0 : i32
        %dma_wait3A_63 = tpu.memref_slice %arg2[%run_scoped3A, %dma_wait3A_61, %dma_wait3A_62] : memref<2x2500x128xi32, #tpu.memory_space<hbm>> -> memref<1x20x128xi32, #tpu.memory_space<hbm>>
        %dma_wait3A_64 = tpu.memref_squeeze %dma_wait3A_63 : memref<1x20x128xi32, #tpu.memory_space<hbm>> -> memref<20x128xi32, #tpu.memory_space<hbm>>
        tpu.wait_dma2 semaphore(%run_scoped3A_36 : memref<!tpu.dma_semaphore, #tpu.memory_space<semaphore_mem>>) src(%dma_wait3A_64 : memref<20x128xi32, #tpu.memory_space<hbm>>) dst(%dma_wait3A_60 : memref<20x128xi32, #tpu.memory_space<vmem>>)
        tpu.yield
      }) : () -> ()
    } else {
    }
    %mul3A_14 = arith.constant 640 : i32
    %mul3A_15 = arith.muli %arg1, %mul3A_14 : i32
    %mul3A_16 = arith.constant 640 : i32
    %mul3A_17 = arith.muli %arg1, %mul3A_16 : i32
    %dma_wait3A = arith.constant 0 : i32
    %dma_wait3A_18 = tpu.memref_slice %arg8[%mul3A_17, %dma_wait3A] : memref<10240x128xf32, #tpu.memory_space<vmem_shared>> -> memref<640x128xf32, #tpu.memory_space<vmem_shared>>
    %dma_wait3A_19 = arith.constant 0 : i32
    %dma_wait3A_20 = tpu.memref_slice %arg3[%mul3A_15, %dma_wait3A_19] : memref<10240x128xf32, #tpu.memory_space<hbm>> -> memref<640x128xf32, #tpu.memory_space<hbm>>
    tpu.wait_dma2 semaphore(%arg9 : memref<!tpu.dma_semaphore, #tpu.memory_space<semaphore_mem>>) src(%dma_wait3A_20 : memref<640x128xf32, #tpu.memory_space<hbm>>) dst(%dma_wait3A_18 : memref<640x128xf32, #tpu.memory_space<vmem_shared>>)
    %barrier3A = arith.constant 0 : index
    tpu.barrier barrier_id(%barrier3A)
    %jit3A = arith.constant 20 : i32
    %jit3A_21 = arith.constant 80 : i32
    %select_n3A = arith.select %eq3A_1, %jit3A, %jit3A_21 : i32
    %while3A = arith.constant 0 : i32
    %while3A_22 = arith.constant 0 : i32
    %while3A_23 = arith.subi %select_n3A, %while3A_22 : i32
    %while3A_24 = arith.addi %while3A_22, %while3A_23 : i32
    %while3A_25 = arith.constant 1 : i32
    %while3A_26 = arith.divsi %while3A_23, %while3A_25 : i32
    %while3A_27 = arith.muli %while3A_26, %while3A_25 : i32
    %while3A_28 = arith.addi %while3A_22, %while3A_27 : i32
    %while3A_29 = arith.constant 1 : i32
    scf.for %while3A_36 = %while3A_22 to %while3A_28 step %while3A_29  : i32 {
      "tpu.region"() ({
        %run_scoped3A = tpu.sem_alloc : memref<!tpu.dma_semaphore, #tpu.memory_space<semaphore_mem>>
        %dma_start3A_37 = arith.constant 0 : i32
        %dma_start3A_38 = tpu.memref_slice %arg6[%while3A_36, %dma_start3A_37] : memref<80x128xi32, #tpu.memory_space<vmem>> -> memref<1x128xi32, #tpu.memory_space<vmem>>
        %dma_start3A_39 = tpu.memref_squeeze %dma_start3A_38 : memref<1x128xi32, #tpu.memory_space<vmem>> -> memref<128xi32, #tpu.memory_space<vmem>>
        %dma_start3A_40 = arith.constant 0 : i32
        %dma_start3A_41 = arith.constant 0 : i32
        %dma_start3A_42 = tpu.memref_slice %arg8[%dma_start3A_40, %dma_start3A_41] : memref<10240x128xf32, #tpu.memory_space<vmem_shared>> -> memref<10240x128xf32, #tpu.memory_space<vmem_shared>>
        tpu.enqueue_indirect_dma source(%arg7 : memref<128x128xf32, #tpu.memory_space<vmem>>) target(%dma_start3A_42 : memref<10240x128xf32, #tpu.memory_space<vmem_shared>>) offsets(%dma_start3A_39 : memref<128xi32, #tpu.memory_space<vmem>>) semaphore(%run_scoped3A : memref<!tpu.dma_semaphore, #tpu.memory_space<semaphore_mem>>) {add = true}
        %dma_wait3A_43 = arith.constant 0 : i32
        %dma_wait3A_44 = tpu.memref_slice %arg6[%while3A_36, %dma_wait3A_43] : memref<80x128xi32, #tpu.memory_space<vmem>> -> memref<1x128xi32, #tpu.memory_space<vmem>>
        %dma_wait3A_45 = tpu.memref_squeeze %dma_wait3A_44 : memref<1x128xi32, #tpu.memory_space<vmem>> -> memref<128xi32, #tpu.memory_space<vmem>>
        %dma_wait3A_46 = arith.constant 0 : i32
        %dma_wait3A_47 = arith.constant 0 : i32
        %dma_wait3A_48 = tpu.memref_slice %arg8[%dma_wait3A_46, %dma_wait3A_47] : memref<10240x128xf32, #tpu.memory_space<vmem_shared>> -> memref<10240x128xf32, #tpu.memory_space<vmem_shared>>
        tpu.wait_indirect_dma semaphore(%run_scoped3A : memref<!tpu.dma_semaphore, #tpu.memory_space<semaphore_mem>>) src(%arg7 : memref<128x128xf32, #tpu.memory_space<vmem>>) dst(%dma_wait3A_48 : memref<10240x128xf32, #tpu.memory_space<vmem_shared>>)
        tpu.yield
      }) : () -> ()
    }
    %while3A_30 = arith.constant 1 : i32
    scf.for %while3A_36 = %while3A_28 to %while3A_24 step %while3A_30  : i32 {
      "tpu.region"() ({
        %run_scoped3A = tpu.sem_alloc : memref<!tpu.dma_semaphore, #tpu.memory_space<semaphore_mem>>
        %dma_start3A_37 = arith.constant 0 : i32
        %dma_start3A_38 = tpu.memref_slice %arg6[%while3A_36, %dma_start3A_37] : memref<80x128xi32, #tpu.memory_space<vmem>> -> memref<1x128xi32, #tpu.memory_space<vmem>>
        %dma_start3A_39 = tpu.memref_squeeze %dma_start3A_38 : memref<1x128xi32, #tpu.memory_space<vmem>> -> memref<128xi32, #tpu.memory_space<vmem>>
        %dma_start3A_40 = arith.constant 0 : i32
        %dma_start3A_41 = arith.constant 0 : i32
        %dma_start3A_42 = tpu.memref_slice %arg8[%dma_start3A_40, %dma_start3A_41] : memref<10240x128xf32, #tpu.memory_space<vmem_shared>> -> memref<10240x128xf32, #tpu.memory_space<vmem_shared>>
        tpu.enqueue_indirect_dma source(%arg7 : memref<128x128xf32, #tpu.memory_space<vmem>>) target(%dma_start3A_42 : memref<10240x128xf32, #tpu.memory_space<vmem_shared>>) offsets(%dma_start3A_39 : memref<128xi32, #tpu.memory_space<vmem>>) semaphore(%run_scoped3A : memref<!tpu.dma_semaphore, #tpu.memory_space<semaphore_mem>>) {add = true}
        %dma_wait3A_43 = arith.constant 0 : i32
        %dma_wait3A_44 = tpu.memref_slice %arg6[%while3A_36, %dma_wait3A_43] : memref<80x128xi32, #tpu.memory_space<vmem>> -> memref<1x128xi32, #tpu.memory_space<vmem>>
        %dma_wait3A_45 = tpu.memref_squeeze %dma_wait3A_44 : memref<1x128xi32, #tpu.memory_space<vmem>> -> memref<128xi32, #tpu.memory_space<vmem>>
        %dma_wait3A_46 = arith.constant 0 : i32
        %dma_wait3A_47 = arith.constant 0 : i32
        %dma_wait3A_48 = tpu.memref_slice %arg8[%dma_wait3A_46, %dma_wait3A_47] : memref<10240x128xf32, #tpu.memory_space<vmem_shared>> -> memref<10240x128xf32, #tpu.memory_space<vmem_shared>>
        tpu.wait_indirect_dma semaphore(%run_scoped3A : memref<!tpu.dma_semaphore, #tpu.memory_space<semaphore_mem>>) src(%arg7 : memref<128x128xf32, #tpu.memory_space<vmem>>) dst(%dma_wait3A_48 : memref<10240x128xf32, #tpu.memory_space<vmem_shared>>)
        tpu.yield
      }) : () -> ()
    }
    %barrier3A_31 = arith.constant 0 : index
    tpu.barrier barrier_id(%barrier3A_31)
    %mul3A_32 = arith.constant 640 : i32
    %mul3A_33 = arith.muli %arg1, %mul3A_32 : i32
    %mul3A_34 = arith.constant 640 : i32
    %mul3A_35 = arith.muli %arg1, %mul3A_34 : i32
    "tpu.region"() ({
      %run_scoped3A = tpu.sem_alloc : memref<!tpu.dma_semaphore, #tpu.memory_space<semaphore_mem>>
      %dma_start3A_36 = arith.constant 0 : i32
      %dma_start3A_37 = tpu.memref_slice %arg5[%arg0, %mul3A_35, %dma_start3A_36] : memref<2x10240x128xf32, #tpu.memory_space<hbm>> -> memref<1x640x128xf32, #tpu.memory_space<hbm>>
      %dma_start3A_38 = tpu.memref_squeeze %dma_start3A_37 : memref<1x640x128xf32, #tpu.memory_space<hbm>> -> memref<640x128xf32, #tpu.memory_space<hbm>>
      %dma_start3A_39 = arith.constant 0 : i32
      %dma_start3A_40 = tpu.memref_slice %arg8[%mul3A_33, %dma_start3A_39] : memref<10240x128xf32, #tpu.memory_space<vmem_shared>> -> memref<640x128xf32, #tpu.memory_space<vmem_shared>>
      tpu.enqueue_dma source(%dma_start3A_40 : memref<640x128xf32, #tpu.memory_space<vmem_shared>>) target(%dma_start3A_38 : memref<640x128xf32, #tpu.memory_space<hbm>>) target_semaphore(%run_scoped3A : memref<!tpu.dma_semaphore, #tpu.memory_space<semaphore_mem>>)
      %dma_wait3A_41 = arith.constant 0 : i32
      %dma_wait3A_42 = tpu.memref_slice %arg5[%arg0, %mul3A_35, %dma_wait3A_41] : memref<2x10240x128xf32, #tpu.memory_space<hbm>> -> memref<1x640x128xf32, #tpu.memory_space<hbm>>
      %dma_wait3A_43 = tpu.memref_squeeze %dma_wait3A_42 : memref<1x640x128xf32, #tpu.memory_space<hbm>> -> memref<640x128xf32, #tpu.memory_space<hbm>>
      %dma_wait3A_44 = arith.constant 0 : i32
      %dma_wait3A_45 = tpu.memref_slice %arg8[%mul3A_33, %dma_wait3A_44] : memref<10240x128xf32, #tpu.memory_space<vmem_shared>> -> memref<640x128xf32, #tpu.memory_space<vmem_shared>>
      tpu.wait_dma2 semaphore(%run_scoped3A : memref<!tpu.dma_semaphore, #tpu.memory_space<semaphore_mem>>) src(%dma_wait3A_45 : memref<640x128xf32, #tpu.memory_space<vmem_shared>>) dst(%dma_wait3A_43 : memref<640x128xf32, #tpu.memory_space<hbm>>)
      tpu.yield
    }) : () -> ()
    return
  }
}

#map = affine_map<(d0, d1) -> (0, 0)>
#map1 = affine_map<(d0, d1) -> (0, 0, 0)>
module attributes {stable_mosaic.version = 14 : i64} {
  func.func @_scatter_kernel(%arg0: i32, %arg1: i32, %arg2: memref<10240x128xf32, #tpu.memory_space<hbm>>, %arg3: memref<2x2500x128xi32, #tpu.memory_space<hbm>>, %arg4: memref<10240x128xf32, #tpu.memory_space<hbm>>, %arg5: memref<2x10240x128xf32, #tpu.memory_space<hbm>>, %arg6: memref<40x128xi32, #tpu.memory_space<vmem>>, %arg7: memref<40x128xi32, #tpu.memory_space<vmem>>, %arg8: memref<2x128x128xf32, #tpu.memory_space<vmem>>, %arg9: memref<10240x128xf32, #tpu.memory_space<vmem_shared>>, %arg10: memref<!tpu.dma_semaphore, #tpu.memory_space<semaphore_mem>>, %arg11: memref<!tpu.dma_semaphore, #tpu.memory_space<semaphore_mem>>) attributes {dimension_semantics = [#tpu.dimension_semantics<core_parallel>, #tpu.dimension_semantics<subcore_parallel>], iteration_bounds = array<i64: 2, 16>, scalar_prefetch = 0 : i64, scratch_operands = 6 : i64, tpu.core_type = #tpu.core_type<sc_vector_subcore>, window_params = [{transform_indices = #map}, {transform_indices = #map1}, {transform_indices = #map}, {transform_indices = #map1}]} {
    %mul3A = arith.constant 2 : i32
    %mul3A_0 = arith.muli %arg1, %mul3A : i32
    %add3A = arith.addi %mul3A_0, %arg0 : i32
    %eq3A = arith.constant 31 : i32
    %eq3A_1 = arith.cmpi eq, %add3A, %eq3A : i32
    %eq3A_2 = arith.constant 0 : i32
    %eq3A_3 = arith.cmpi eq, %arg0, %eq3A_2 : i32
    %convert_element_type3A = arith.extui %eq3A_3 : i1 to i32
    %cond3A = arith.constant 0 : i32
    %cond3A_4 = arith.cmpi ne, %convert_element_type3A, %cond3A : i32
    scf.if %cond3A_4 {
      %mul3A_47 = arith.constant 640 : i32
      %mul3A_48 = arith.muli %arg1, %mul3A_47 : i32
      %mul3A_49 = arith.constant 640 : i32
      %mul3A_50 = arith.muli %arg1, %mul3A_49 : i32
      %dma_start3A_51 = arith.constant 0 : i32
      %dma_start3A_52 = tpu.memref_slice %arg9[%mul3A_50, %dma_start3A_51] : memref<10240x128xf32, #tpu.memory_space<vmem_shared>> -> memref<640x128xf32, #tpu.memory_space<vmem_shared>>
      %dma_start3A_53 = arith.constant 0 : i32
      %dma_start3A_54 = tpu.memref_slice %arg2[%mul3A_48, %dma_start3A_53] : memref<10240x128xf32, #tpu.memory_space<hbm>> -> memref<640x128xf32, #tpu.memory_space<hbm>>
      tpu.enqueue_dma source(%dma_start3A_54 : memref<640x128xf32, #tpu.memory_space<hbm>>) target(%dma_start3A_52 : memref<640x128xf32, #tpu.memory_space<vmem_shared>>) target_semaphore(%arg11 : memref<!tpu.dma_semaphore, #tpu.memory_space<semaphore_mem>>)
    } else {
    }
    %ne3A = arith.constant 0 : i32
    %ne3A_5 = arith.cmpi ne, %arg0, %ne3A : i32
    %convert_element_type3A_6 = arith.extui %ne3A_5 : i1 to i32
    %cond3A_7 = arith.constant 0 : i32
    %cond3A_8 = arith.cmpi ne, %convert_element_type3A_6, %cond3A_7 : i32
    scf.if %cond3A_8 {
      %mul3A_47 = arith.constant 640 : i32
      %mul3A_48 = arith.muli %arg1, %mul3A_47 : i32
      %mul3A_49 = arith.constant 640 : i32
      %mul3A_50 = arith.muli %arg1, %mul3A_49 : i32
      %dma_start3A_51 = arith.constant 0 : i32
      %dma_start3A_52 = tpu.memref_slice %arg9[%mul3A_50, %dma_start3A_51] : memref<10240x128xf32, #tpu.memory_space<vmem_shared>> -> memref<640x128xf32, #tpu.memory_space<vmem_shared>>
      %dma_start3A_53 = arith.constant 0 : i32
      %dma_start3A_54 = tpu.memref_slice %arg4[%mul3A_48, %dma_start3A_53] : memref<10240x128xf32, #tpu.memory_space<hbm>> -> memref<640x128xf32, #tpu.memory_space<hbm>>
      tpu.enqueue_dma source(%dma_start3A_54 : memref<640x128xf32, #tpu.memory_space<hbm>>) target(%dma_start3A_52 : memref<640x128xf32, #tpu.memory_space<vmem_shared>>) target_semaphore(%arg11 : memref<!tpu.dma_semaphore, #tpu.memory_space<semaphore_mem>>)
    } else {
    }
    %not3A = arith.constant true
    %not3A_9 = arith.xori %eq3A_1, %not3A : i1
    %convert_element_type3A_10 = arith.extui %not3A_9 : i1 to i32
    %cond3A_11 = arith.constant 0 : i32
    %cond3A_12 = arith.cmpi ne, %convert_element_type3A_10, %cond3A_11 : i32
    scf.if %cond3A_12 {
      %mul3A_47 = arith.constant 80 : i32
      %mul3A_48 = arith.muli %add3A, %mul3A_47 : i32
      %run_scoped3A = arith.constant 0 : i32
      "tpu.region"() ({
        %run_scoped3A_52 = tpu.sem_alloc : memref<!tpu.dma_semaphore, #tpu.memory_space<semaphore_mem>>
        %dma_start3A_53 = arith.constant 0 : i32
        %dma_start3A_54 = tpu.memref_slice %arg3[%run_scoped3A, %mul3A_48, %dma_start3A_53] : memref<2x2500x128xi32, #tpu.memory_space<hbm>> -> memref<1x40x128xi32, #tpu.memory_space<hbm>>
        %dma_start3A_55 = tpu.memref_squeeze %dma_start3A_54 : memref<1x40x128xi32, #tpu.memory_space<hbm>> -> memref<40x128xi32, #tpu.memory_space<hbm>>
        %dma_start3A_56 = arith.constant 0 : i32
        %dma_start3A_57 = tpu.memref_slice %arg3[%run_scoped3A, %mul3A_48, %dma_start3A_56] : memref<2x2500x128xi32, #tpu.memory_space<hbm>> -> memref<1x40x128xi32, #tpu.memory_space<hbm>>
        %dma_start3A_58 = tpu.memref_squeeze %dma_start3A_57 : memref<1x40x128xi32, #tpu.memory_space<hbm>> -> memref<40x128xi32, #tpu.memory_space<hbm>>
        tpu.enqueue_dma source(%dma_start3A_58 : memref<40x128xi32, #tpu.memory_space<hbm>>) target(%arg6 : memref<40x128xi32, #tpu.memory_space<vmem>>) target_semaphore(%run_scoped3A_52 : memref<!tpu.dma_semaphore, #tpu.memory_space<semaphore_mem>>)
        %dma_wait3A_59 = arith.constant 0 : i32
        %dma_wait3A_60 = tpu.memref_slice %arg3[%run_scoped3A, %mul3A_48, %dma_wait3A_59] : memref<2x2500x128xi32, #tpu.memory_space<hbm>> -> memref<1x40x128xi32, #tpu.memory_space<hbm>>
        %dma_wait3A_61 = tpu.memref_squeeze %dma_wait3A_60 : memref<1x40x128xi32, #tpu.memory_space<hbm>> -> memref<40x128xi32, #tpu.memory_space<hbm>>
        %dma_wait3A_62 = arith.constant 0 : i32
        %dma_wait3A_63 = tpu.memref_slice %arg3[%run_scoped3A, %mul3A_48, %dma_wait3A_62] : memref<2x2500x128xi32, #tpu.memory_space<hbm>> -> memref<1x40x128xi32, #tpu.memory_space<hbm>>
        %dma_wait3A_64 = tpu.memref_squeeze %dma_wait3A_63 : memref<1x40x128xi32, #tpu.memory_space<hbm>> -> memref<40x128xi32, #tpu.memory_space<hbm>>
        tpu.wait_dma2 semaphore(%run_scoped3A_52 : memref<!tpu.dma_semaphore, #tpu.memory_space<semaphore_mem>>) src(%dma_wait3A_64 : memref<40x128xi32, #tpu.memory_space<hbm>>) dst(%arg6 : memref<40x128xi32, #tpu.memory_space<vmem>>)
        tpu.yield
      }) : () -> ()
      %mul3A_49 = arith.constant 80 : i32
      %mul3A_50 = arith.muli %add3A, %mul3A_49 : i32
      %run_scoped3A_51 = arith.constant 1 : i32
      "tpu.region"() ({
        %run_scoped3A_52 = tpu.sem_alloc : memref<!tpu.dma_semaphore, #tpu.memory_space<semaphore_mem>>
        %dma_start3A_53 = arith.constant 0 : i32
        %dma_start3A_54 = tpu.memref_slice %arg3[%run_scoped3A_51, %mul3A_50, %dma_start3A_53] : memref<2x2500x128xi32, #tpu.memory_space<hbm>> -> memref<1x40x128xi32, #tpu.memory_space<hbm>>
        %dma_start3A_55 = tpu.memref_squeeze %dma_start3A_54 : memref<1x40x128xi32, #tpu.memory_space<hbm>> -> memref<40x128xi32, #tpu.memory_space<hbm>>
        %dma_start3A_56 = arith.constant 0 : i32
        %dma_start3A_57 = tpu.memref_slice %arg3[%run_scoped3A_51, %mul3A_50, %dma_start3A_56] : memref<2x2500x128xi32, #tpu.memory_space<hbm>> -> memref<1x40x128xi32, #tpu.memory_space<hbm>>
        %dma_start3A_58 = tpu.memref_squeeze %dma_start3A_57 : memref<1x40x128xi32, #tpu.memory_space<hbm>> -> memref<40x128xi32, #tpu.memory_space<hbm>>
        tpu.enqueue_dma source(%dma_start3A_58 : memref<40x128xi32, #tpu.memory_space<hbm>>) target(%arg7 : memref<40x128xi32, #tpu.memory_space<vmem>>) target_semaphore(%run_scoped3A_52 : memref<!tpu.dma_semaphore, #tpu.memory_space<semaphore_mem>>)
        %dma_wait3A_59 = arith.constant 0 : i32
        %dma_wait3A_60 = tpu.memref_slice %arg3[%run_scoped3A_51, %mul3A_50, %dma_wait3A_59] : memref<2x2500x128xi32, #tpu.memory_space<hbm>> -> memref<1x40x128xi32, #tpu.memory_space<hbm>>
        %dma_wait3A_61 = tpu.memref_squeeze %dma_wait3A_60 : memref<1x40x128xi32, #tpu.memory_space<hbm>> -> memref<40x128xi32, #tpu.memory_space<hbm>>
        %dma_wait3A_62 = arith.constant 0 : i32
        %dma_wait3A_63 = tpu.memref_slice %arg3[%run_scoped3A_51, %mul3A_50, %dma_wait3A_62] : memref<2x2500x128xi32, #tpu.memory_space<hbm>> -> memref<1x40x128xi32, #tpu.memory_space<hbm>>
        %dma_wait3A_64 = tpu.memref_squeeze %dma_wait3A_63 : memref<1x40x128xi32, #tpu.memory_space<hbm>> -> memref<40x128xi32, #tpu.memory_space<hbm>>
        tpu.wait_dma2 semaphore(%run_scoped3A_52 : memref<!tpu.dma_semaphore, #tpu.memory_space<semaphore_mem>>) src(%dma_wait3A_64 : memref<40x128xi32, #tpu.memory_space<hbm>>) dst(%arg7 : memref<40x128xi32, #tpu.memory_space<vmem>>)
        tpu.yield
      }) : () -> ()
    } else {
    }
    %convert_element_type3A_13 = arith.extui %eq3A_1 : i1 to i32
    %cond3A_14 = arith.constant 0 : i32
    %cond3A_15 = arith.cmpi ne, %convert_element_type3A_13, %cond3A_14 : i32
    scf.if %cond3A_15 {
      %run_scoped3A = arith.constant 0 : i32
      "tpu.region"() ({
        %run_scoped3A_48 = tpu.sem_alloc : memref<!tpu.dma_semaphore, #tpu.memory_space<semaphore_mem>>
        %dma_start3A_49 = arith.constant 0 : i32
        %dma_start3A_50 = arith.constant 0 : i32
        %dma_start3A_51 = tpu.memref_slice %arg6[%dma_start3A_49, %dma_start3A_50] : memref<40x128xi32, #tpu.memory_space<vmem>> -> memref<20x128xi32, #tpu.memory_space<vmem>>
        %dma_start3A_52 = arith.constant 2480 : i32
        %dma_start3A_53 = arith.constant 0 : i32
        %dma_start3A_54 = tpu.memref_slice %arg3[%run_scoped3A, %dma_start3A_52, %dma_start3A_53] : memref<2x2500x128xi32, #tpu.memory_space<hbm>> -> memref<1x20x128xi32, #tpu.memory_space<hbm>>
        %dma_start3A_55 = tpu.memref_squeeze %dma_start3A_54 : memref<1x20x128xi32, #tpu.memory_space<hbm>> -> memref<20x128xi32, #tpu.memory_space<hbm>>
        %dma_start3A_56 = arith.constant 0 : i32
        %dma_start3A_57 = arith.constant 0 : i32
        %dma_start3A_58 = tpu.memref_slice %arg6[%dma_start3A_56, %dma_start3A_57] : memref<40x128xi32, #tpu.memory_space<vmem>> -> memref<20x128xi32, #tpu.memory_space<vmem>>
        %dma_start3A_59 = arith.constant 2480 : i32
        %dma_start3A_60 = arith.constant 0 : i32
        %dma_start3A_61 = tpu.memref_slice %arg3[%run_scoped3A, %dma_start3A_59, %dma_start3A_60] : memref<2x2500x128xi32, #tpu.memory_space<hbm>> -> memref<1x20x128xi32, #tpu.memory_space<hbm>>
        %dma_start3A_62 = tpu.memref_squeeze %dma_start3A_61 : memref<1x20x128xi32, #tpu.memory_space<hbm>> -> memref<20x128xi32, #tpu.memory_space<hbm>>
        tpu.enqueue_dma source(%dma_start3A_62 : memref<20x128xi32, #tpu.memory_space<hbm>>) target(%dma_start3A_58 : memref<20x128xi32, #tpu.memory_space<vmem>>) target_semaphore(%run_scoped3A_48 : memref<!tpu.dma_semaphore, #tpu.memory_space<semaphore_mem>>)
        %dma_wait3A_63 = arith.constant 0 : i32
        %dma_wait3A_64 = arith.constant 0 : i32
        %dma_wait3A_65 = tpu.memref_slice %arg6[%dma_wait3A_63, %dma_wait3A_64] : memref<40x128xi32, #tpu.memory_space<vmem>> -> memref<20x128xi32, #tpu.memory_space<vmem>>
        %dma_wait3A_66 = arith.constant 2480 : i32
        %dma_wait3A_67 = arith.constant 0 : i32
        %dma_wait3A_68 = tpu.memref_slice %arg3[%run_scoped3A, %dma_wait3A_66, %dma_wait3A_67] : memref<2x2500x128xi32, #tpu.memory_space<hbm>> -> memref<1x20x128xi32, #tpu.memory_space<hbm>>
        %dma_wait3A_69 = tpu.memref_squeeze %dma_wait3A_68 : memref<1x20x128xi32, #tpu.memory_space<hbm>> -> memref<20x128xi32, #tpu.memory_space<hbm>>
        %dma_wait3A_70 = arith.constant 0 : i32
        %dma_wait3A_71 = arith.constant 0 : i32
        %dma_wait3A_72 = tpu.memref_slice %arg6[%dma_wait3A_70, %dma_wait3A_71] : memref<40x128xi32, #tpu.memory_space<vmem>> -> memref<20x128xi32, #tpu.memory_space<vmem>>
        %dma_wait3A_73 = arith.constant 2480 : i32
        %dma_wait3A_74 = arith.constant 0 : i32
        %dma_wait3A_75 = tpu.memref_slice %arg3[%run_scoped3A, %dma_wait3A_73, %dma_wait3A_74] : memref<2x2500x128xi32, #tpu.memory_space<hbm>> -> memref<1x20x128xi32, #tpu.memory_space<hbm>>
        %dma_wait3A_76 = tpu.memref_squeeze %dma_wait3A_75 : memref<1x20x128xi32, #tpu.memory_space<hbm>> -> memref<20x128xi32, #tpu.memory_space<hbm>>
        tpu.wait_dma2 semaphore(%run_scoped3A_48 : memref<!tpu.dma_semaphore, #tpu.memory_space<semaphore_mem>>) src(%dma_wait3A_76 : memref<20x128xi32, #tpu.memory_space<hbm>>) dst(%dma_wait3A_72 : memref<20x128xi32, #tpu.memory_space<vmem>>)
        tpu.yield
      }) : () -> ()
      %run_scoped3A_47 = arith.constant 1 : i32
      "tpu.region"() ({
        %run_scoped3A_48 = tpu.sem_alloc : memref<!tpu.dma_semaphore, #tpu.memory_space<semaphore_mem>>
        %dma_start3A_49 = arith.constant 0 : i32
        %dma_start3A_50 = arith.constant 0 : i32
        %dma_start3A_51 = tpu.memref_slice %arg7[%dma_start3A_49, %dma_start3A_50] : memref<40x128xi32, #tpu.memory_space<vmem>> -> memref<20x128xi32, #tpu.memory_space<vmem>>
        %dma_start3A_52 = arith.constant 2480 : i32
        %dma_start3A_53 = arith.constant 0 : i32
        %dma_start3A_54 = tpu.memref_slice %arg3[%run_scoped3A_47, %dma_start3A_52, %dma_start3A_53] : memref<2x2500x128xi32, #tpu.memory_space<hbm>> -> memref<1x20x128xi32, #tpu.memory_space<hbm>>
        %dma_start3A_55 = tpu.memref_squeeze %dma_start3A_54 : memref<1x20x128xi32, #tpu.memory_space<hbm>> -> memref<20x128xi32, #tpu.memory_space<hbm>>
        %dma_start3A_56 = arith.constant 0 : i32
        %dma_start3A_57 = arith.constant 0 : i32
        %dma_start3A_58 = tpu.memref_slice %arg7[%dma_start3A_56, %dma_start3A_57] : memref<40x128xi32, #tpu.memory_space<vmem>> -> memref<20x128xi32, #tpu.memory_space<vmem>>
        %dma_start3A_59 = arith.constant 2480 : i32
        %dma_start3A_60 = arith.constant 0 : i32
        %dma_start3A_61 = tpu.memref_slice %arg3[%run_scoped3A_47, %dma_start3A_59, %dma_start3A_60] : memref<2x2500x128xi32, #tpu.memory_space<hbm>> -> memref<1x20x128xi32, #tpu.memory_space<hbm>>
        %dma_start3A_62 = tpu.memref_squeeze %dma_start3A_61 : memref<1x20x128xi32, #tpu.memory_space<hbm>> -> memref<20x128xi32, #tpu.memory_space<hbm>>
        tpu.enqueue_dma source(%dma_start3A_62 : memref<20x128xi32, #tpu.memory_space<hbm>>) target(%dma_start3A_58 : memref<20x128xi32, #tpu.memory_space<vmem>>) target_semaphore(%run_scoped3A_48 : memref<!tpu.dma_semaphore, #tpu.memory_space<semaphore_mem>>)
        %dma_wait3A_63 = arith.constant 0 : i32
        %dma_wait3A_64 = arith.constant 0 : i32
        %dma_wait3A_65 = tpu.memref_slice %arg7[%dma_wait3A_63, %dma_wait3A_64] : memref<40x128xi32, #tpu.memory_space<vmem>> -> memref<20x128xi32, #tpu.memory_space<vmem>>
        %dma_wait3A_66 = arith.constant 2480 : i32
        %dma_wait3A_67 = arith.constant 0 : i32
        %dma_wait3A_68 = tpu.memref_slice %arg3[%run_scoped3A_47, %dma_wait3A_66, %dma_wait3A_67] : memref<2x2500x128xi32, #tpu.memory_space<hbm>> -> memref<1x20x128xi32, #tpu.memory_space<hbm>>
        %dma_wait3A_69 = tpu.memref_squeeze %dma_wait3A_68 : memref<1x20x128xi32, #tpu.memory_space<hbm>> -> memref<20x128xi32, #tpu.memory_space<hbm>>
        %dma_wait3A_70 = arith.constant 0 : i32
        %dma_wait3A_71 = arith.constant 0 : i32
        %dma_wait3A_72 = tpu.memref_slice %arg7[%dma_wait3A_70, %dma_wait3A_71] : memref<40x128xi32, #tpu.memory_space<vmem>> -> memref<20x128xi32, #tpu.memory_space<vmem>>
        %dma_wait3A_73 = arith.constant 2480 : i32
        %dma_wait3A_74 = arith.constant 0 : i32
        %dma_wait3A_75 = tpu.memref_slice %arg3[%run_scoped3A_47, %dma_wait3A_73, %dma_wait3A_74] : memref<2x2500x128xi32, #tpu.memory_space<hbm>> -> memref<1x20x128xi32, #tpu.memory_space<hbm>>
        %dma_wait3A_76 = tpu.memref_squeeze %dma_wait3A_75 : memref<1x20x128xi32, #tpu.memory_space<hbm>> -> memref<20x128xi32, #tpu.memory_space<hbm>>
        tpu.wait_dma2 semaphore(%run_scoped3A_48 : memref<!tpu.dma_semaphore, #tpu.memory_space<semaphore_mem>>) src(%dma_wait3A_76 : memref<20x128xi32, #tpu.memory_space<hbm>>) dst(%dma_wait3A_72 : memref<20x128xi32, #tpu.memory_space<vmem>>)
        tpu.yield
      }) : () -> ()
    } else {
    }
    %dma_start3A = arith.constant 0 : i32
    %dma_start3A_16 = arith.constant 0 : i32
    %dma_start3A_17 = arith.constant 0 : i32
    %dma_start3A_18 = arith.constant 0 : i32
    %dma_start3A_19 = tpu.memref_slice %arg8[%dma_start3A_16, %dma_start3A_17, %dma_start3A_18] : memref<2x128x128xf32, #tpu.memory_space<vmem>> -> memref<1x128x128xf32, #tpu.memory_space<vmem>>
    %dma_start3A_20 = tpu.memref_squeeze %dma_start3A_19 : memref<1x128x128xf32, #tpu.memory_space<vmem>> -> memref<128x128xf32, #tpu.memory_space<vmem>>
    %dma_start3A_21 = arith.constant 0 : i32
    %dma_start3A_22 = tpu.memref_slice %arg6[%dma_start3A, %dma_start3A_21] : memref<40x128xi32, #tpu.memory_space<vmem>> -> memref<1x128xi32, #tpu.memory_space<vmem>>
    %dma_start3A_23 = tpu.memref_squeeze %dma_start3A_22 : memref<1x128xi32, #tpu.memory_space<vmem>> -> memref<128xi32, #tpu.memory_space<vmem>>
    %dma_start3A_24 = arith.constant 0 : i32
    %dma_start3A_25 = arith.constant 0 : i32
    %dma_start3A_26 = tpu.memref_slice %arg2[%dma_start3A_24, %dma_start3A_25] : memref<10240x128xf32, #tpu.memory_space<hbm>> -> memref<10240x128xf32, #tpu.memory_space<hbm>>
    tpu.enqueue_indirect_dma source(%dma_start3A_26 : memref<10240x128xf32, #tpu.memory_space<hbm>>) target(%dma_start3A_20 : memref<128x128xf32, #tpu.memory_space<vmem>>) offsets(%dma_start3A_23 : memref<128xi32, #tpu.memory_space<vmem>>) semaphore(%arg10 : memref<!tpu.dma_semaphore, #tpu.memory_space<semaphore_mem>>)
    %mul3A_27 = arith.constant 640 : i32
    %mul3A_28 = arith.muli %arg1, %mul3A_27 : i32
    %mul3A_29 = arith.constant 640 : i32
    %mul3A_30 = arith.muli %arg1, %mul3A_29 : i32
    %dma_wait3A = arith.constant 0 : i32
    %dma_wait3A_31 = tpu.memref_slice %arg9[%mul3A_30, %dma_wait3A] : memref<10240x128xf32, #tpu.memory_space<vmem_shared>> -> memref<640x128xf32, #tpu.memory_space<vmem_shared>>
    %dma_wait3A_32 = arith.constant 0 : i32
    %dma_wait3A_33 = tpu.memref_slice %arg4[%mul3A_28, %dma_wait3A_32] : memref<10240x128xf32, #tpu.memory_space<hbm>> -> memref<640x128xf32, #tpu.memory_space<hbm>>
    tpu.wait_dma2 semaphore(%arg11 : memref<!tpu.dma_semaphore, #tpu.memory_space<semaphore_mem>>) src(%dma_wait3A_33 : memref<640x128xf32, #tpu.memory_space<hbm>>) dst(%dma_wait3A_31 : memref<640x128xf32, #tpu.memory_space<vmem_shared>>)
    %barrier3A = arith.constant 0 : index
    tpu.barrier barrier_id(%barrier3A)
    %not3A_34 = arith.constant true
    %not3A_35 = arith.xori %eq3A_1, %not3A_34 : i1
    %convert_element_type3A_36 = arith.extui %not3A_35 : i1 to i32
    %cond3A_37 = arith.constant 0 : i32
    %cond3A_38 = arith.cmpi ne, %convert_element_type3A_36, %cond3A_37 : i32
    scf.if %cond3A_38 {
      %mul3A_47 = arith.constant 80 : i32
      %mul3A_48 = arith.muli %add3A, %mul3A_47 : i32
      %add3A_49 = arith.constant 0 : i32
      %add3A_50 = arith.addi %mul3A_48, %add3A_49 : i32
      %scan3A = arith.constant 0 : i32
      %scan3A_51 = arith.constant 0 : i32
      %scan3A_52 = arith.constant 40 : i32
      %scan3A_53 = arith.addi %scan3A_51, %scan3A_52 : i32
      %scan3A_54 = arith.constant 1 : i32
      scf.for %scan3A_103 = %scan3A_51 to %scan3A_53 step %scan3A_54  : i32 {
        %ge3A = arith.constant 1 : i32
        %ge3A_104 = arith.cmpi sge, %scan3A_103, %ge3A : i32
        %convert_element_type3A_105 = arith.extui %ge3A_104 : i1 to i32
        %cond3A_106 = arith.constant 0 : i32
        %cond3A_107 = arith.cmpi ne, %convert_element_type3A_105, %cond3A_106 : i32
        scf.if %cond3A_107 {
          %sub3A = arith.constant 1 : i32
          %sub3A_162 = arith.subi %scan3A_103, %sub3A : i32
          %jit3A_163 = arith.constant 2 : i32
          %eq3A_164 = arith.constant 0 : i32
          %eq3A_165 = arith.cmpi eq, %jit3A_163, %eq3A_164 : i32
          %jit3A_166 = arith.constant 1 : i32
          %select_n3A_167 = arith.select %eq3A_165, %jit3A_166, %jit3A_163 : i32
          %rem3A_168 = arith.remsi %sub3A_162, %select_n3A_167 : i32
          %ne3A_169 = arith.constant 0 : i32
          %ne3A_170 = arith.cmpi ne, %rem3A_168, %ne3A_169 : i32
          %lt3A_171 = arith.constant 0 : i32
          %lt3A_172 = arith.cmpi slt, %rem3A_168, %lt3A_171 : i32
          %lt3A_173 = arith.constant 0 : i32
          %lt3A_174 = arith.cmpi slt, %select_n3A_167, %lt3A_173 : i32
          %ne3A_175 = arith.xori %lt3A_172, %lt3A_174 : i1
          %and3A_176 = arith.andi %ne3A_175, %ne3A_170 : i1
          %add3A_177 = arith.addi %rem3A_168, %select_n3A_167 : i32
          %select_n3A_178 = arith.select %and3A_176, %add3A_177, %rem3A_168 : i32
          %sub3A_179 = arith.constant 1 : i32
          %sub3A_180 = arith.subi %scan3A_103, %sub3A_179 : i32
          %dma_wait3A_181 = arith.constant 0 : i32
          %dma_wait3A_182 = arith.constant 0 : i32
          %dma_wait3A_183 = tpu.memref_slice %arg8[%select_n3A_178, %dma_wait3A_181, %dma_wait3A_182] : memref<2x128x128xf32, #tpu.memory_space<vmem>> -> memref<1x128x128xf32, #tpu.memory_space<vmem>>
          %dma_wait3A_184 = tpu.memref_squeeze %dma_wait3A_183 : memref<1x128x128xf32, #tpu.memory_space<vmem>> -> memref<128x128xf32, #tpu.memory_space<vmem>>
          %dma_wait3A_185 = arith.constant 0 : i32
          %dma_wait3A_186 = tpu.memref_slice %arg7[%sub3A_180, %dma_wait3A_185] : memref<40x128xi32, #tpu.memory_space<vmem>> -> memref<1x128xi32, #tpu.memory_space<vmem>>
          %dma_wait3A_187 = tpu.memref_squeeze %dma_wait3A_186 : memref<1x128xi32, #tpu.memory_space<vmem>> -> memref<128xi32, #tpu.memory_space<vmem>>
          %dma_wait3A_188 = arith.constant 0 : i32
          %dma_wait3A_189 = arith.constant 0 : i32
          %dma_wait3A_190 = tpu.memref_slice %arg9[%dma_wait3A_188, %dma_wait3A_189] : memref<10240x128xf32, #tpu.memory_space<vmem_shared>> -> memref<10240x128xf32, #tpu.memory_space<vmem_shared>>
          tpu.wait_indirect_dma semaphore(%arg11 : memref<!tpu.dma_semaphore, #tpu.memory_space<semaphore_mem>>) src(%dma_wait3A_184 : memref<128x128xf32, #tpu.memory_space<vmem>>) dst(%dma_wait3A_190 : memref<10240x128xf32, #tpu.memory_space<vmem_shared>>)
        } else {
        }
        %add3A_108 = arith.constant 1 : i32
        %add3A_109 = arith.addi %scan3A_103, %add3A_108 : i32
        %lt3A = arith.constant 40 : i32
        %lt3A_110 = arith.cmpi slt, %add3A_109, %lt3A : i32
        %convert_element_type3A_111 = arith.extui %lt3A_110 : i1 to i32
        %cond3A_112 = arith.constant 0 : i32
        %cond3A_113 = arith.cmpi ne, %convert_element_type3A_111, %cond3A_112 : i32
        scf.if %cond3A_113 {
          %add3A_162 = arith.constant 1 : i32
          %add3A_163 = arith.addi %scan3A_103, %add3A_162 : i32
          %add3A_164 = arith.constant 1 : i32
          %add3A_165 = arith.addi %scan3A_103, %add3A_164 : i32
          %jit3A_166 = arith.constant 2 : i32
          %eq3A_167 = arith.constant 0 : i32
          %eq3A_168 = arith.cmpi eq, %jit3A_166, %eq3A_167 : i32
          %jit3A_169 = arith.constant 1 : i32
          %select_n3A_170 = arith.select %eq3A_168, %jit3A_169, %jit3A_166 : i32
          %rem3A_171 = arith.remsi %add3A_165, %select_n3A_170 : i32
          %ne3A_172 = arith.constant 0 : i32
          %ne3A_173 = arith.cmpi ne, %rem3A_171, %ne3A_172 : i32
          %lt3A_174 = arith.constant 0 : i32
          %lt3A_175 = arith.cmpi slt, %rem3A_171, %lt3A_174 : i32
          %lt3A_176 = arith.constant 0 : i32
          %lt3A_177 = arith.cmpi slt, %select_n3A_170, %lt3A_176 : i32
          %ne3A_178 = arith.xori %lt3A_175, %lt3A_177 : i1
          %and3A_179 = arith.andi %ne3A_178, %ne3A_173 : i1
          %add3A_180 = arith.addi %rem3A_171, %select_n3A_170 : i32
          %select_n3A_181 = arith.select %and3A_179, %add3A_180, %rem3A_171 : i32
          %dma_start3A_182 = arith.constant 0 : i32
          %dma_start3A_183 = arith.constant 0 : i32
          %dma_start3A_184 = tpu.memref_slice %arg8[%select_n3A_181, %dma_start3A_182, %dma_start3A_183] : memref<2x128x128xf32, #tpu.memory_space<vmem>> -> memref<1x128x128xf32, #tpu.memory_space<vmem>>
          %dma_start3A_185 = tpu.memref_squeeze %dma_start3A_184 : memref<1x128x128xf32, #tpu.memory_space<vmem>> -> memref<128x128xf32, #tpu.memory_space<vmem>>
          %dma_start3A_186 = arith.constant 0 : i32
          %dma_start3A_187 = tpu.memref_slice %arg6[%add3A_163, %dma_start3A_186] : memref<40x128xi32, #tpu.memory_space<vmem>> -> memref<1x128xi32, #tpu.memory_space<vmem>>
          %dma_start3A_188 = tpu.memref_squeeze %dma_start3A_187 : memref<1x128xi32, #tpu.memory_space<vmem>> -> memref<128xi32, #tpu.memory_space<vmem>>
          %dma_start3A_189 = arith.constant 0 : i32
          %dma_start3A_190 = arith.constant 0 : i32
          %dma_start3A_191 = tpu.memref_slice %arg2[%dma_start3A_189, %dma_start3A_190] : memref<10240x128xf32, #tpu.memory_space<hbm>> -> memref<10240x128xf32, #tpu.memory_space<hbm>>
          tpu.enqueue_indirect_dma source(%dma_start3A_191 : memref<10240x128xf32, #tpu.memory_space<hbm>>) target(%dma_start3A_185 : memref<128x128xf32, #tpu.memory_space<vmem>>) offsets(%dma_start3A_188 : memref<128xi32, #tpu.memory_space<vmem>>) semaphore(%arg10 : memref<!tpu.dma_semaphore, #tpu.memory_space<semaphore_mem>>)
        } else {
        }
        %jit3A = arith.constant 2 : i32
        %eq3A_114 = arith.constant 0 : i32
        %eq3A_115 = arith.cmpi eq, %jit3A, %eq3A_114 : i32
        %jit3A_116 = arith.constant 1 : i32
        %select_n3A = arith.select %eq3A_115, %jit3A_116, %jit3A : i32
        %rem3A = arith.remsi %scan3A_103, %select_n3A : i32
        %ne3A_117 = arith.constant 0 : i32
        %ne3A_118 = arith.cmpi ne, %rem3A, %ne3A_117 : i32
        %lt3A_119 = arith.constant 0 : i32
        %lt3A_120 = arith.cmpi slt, %rem3A, %lt3A_119 : i32
        %lt3A_121 = arith.constant 0 : i32
        %lt3A_122 = arith.cmpi slt, %select_n3A, %lt3A_121 : i32
        %ne3A_123 = arith.xori %lt3A_120, %lt3A_122 : i1
        %and3A = arith.andi %ne3A_123, %ne3A_118 : i1
        %add3A_124 = arith.addi %rem3A, %select_n3A : i32
        %select_n3A_125 = arith.select %and3A, %add3A_124, %rem3A : i32
        %dma_wait3A_126 = arith.constant 0 : i32
        %dma_wait3A_127 = arith.constant 0 : i32
        %dma_wait3A_128 = tpu.memref_slice %arg8[%select_n3A_125, %dma_wait3A_126, %dma_wait3A_127] : memref<2x128x128xf32, #tpu.memory_space<vmem>> -> memref<1x128x128xf32, #tpu.memory_space<vmem>>
        %dma_wait3A_129 = tpu.memref_squeeze %dma_wait3A_128 : memref<1x128x128xf32, #tpu.memory_space<vmem>> -> memref<128x128xf32, #tpu.memory_space<vmem>>
        %dma_wait3A_130 = arith.constant 0 : i32
        %dma_wait3A_131 = tpu.memref_slice %arg6[%scan3A_103, %dma_wait3A_130] : memref<40x128xi32, #tpu.memory_space<vmem>> -> memref<1x128xi32, #tpu.memory_space<vmem>>
        %dma_wait3A_132 = tpu.memref_squeeze %dma_wait3A_131 : memref<1x128xi32, #tpu.memory_space<vmem>> -> memref<128xi32, #tpu.memory_space<vmem>>
        %dma_wait3A_133 = arith.constant 0 : i32
        %dma_wait3A_134 = arith.constant 0 : i32
        %dma_wait3A_135 = tpu.memref_slice %arg2[%dma_wait3A_133, %dma_wait3A_134] : memref<10240x128xf32, #tpu.memory_space<hbm>> -> memref<10240x128xf32, #tpu.memory_space<hbm>>
        tpu.wait_indirect_dma semaphore(%arg10 : memref<!tpu.dma_semaphore, #tpu.memory_space<semaphore_mem>>) src(%dma_wait3A_135 : memref<10240x128xf32, #tpu.memory_space<hbm>>) dst(%dma_wait3A_129 : memref<128x128xf32, #tpu.memory_space<vmem>>)
        %jit3A_136 = arith.constant 2 : i32
        %eq3A_137 = arith.constant 0 : i32
        %eq3A_138 = arith.cmpi eq, %jit3A_136, %eq3A_137 : i32
        %jit3A_139 = arith.constant 1 : i32
        %select_n3A_140 = arith.select %eq3A_138, %jit3A_139, %jit3A_136 : i32
        %rem3A_141 = arith.remsi %scan3A_103, %select_n3A_140 : i32
        %ne3A_142 = arith.constant 0 : i32
        %ne3A_143 = arith.cmpi ne, %rem3A_141, %ne3A_142 : i32
        %lt3A_144 = arith.constant 0 : i32
        %lt3A_145 = arith.cmpi slt, %rem3A_141, %lt3A_144 : i32
        %lt3A_146 = arith.constant 0 : i32
        %lt3A_147 = arith.cmpi slt, %select_n3A_140, %lt3A_146 : i32
        %ne3A_148 = arith.xori %lt3A_145, %lt3A_147 : i1
        %and3A_149 = arith.andi %ne3A_148, %ne3A_143 : i1
        %add3A_150 = arith.addi %rem3A_141, %select_n3A_140 : i32
        %select_n3A_151 = arith.select %and3A_149, %add3A_150, %rem3A_141 : i32
        %dma_start3A_152 = arith.constant 0 : i32
        %dma_start3A_153 = arith.constant 0 : i32
        %dma_start3A_154 = tpu.memref_slice %arg8[%select_n3A_151, %dma_start3A_152, %dma_start3A_153] : memref<2x128x128xf32, #tpu.memory_space<vmem>> -> memref<1x128x128xf32, #tpu.memory_space<vmem>>
        %dma_start3A_155 = tpu.memref_squeeze %dma_start3A_154 : memref<1x128x128xf32, #tpu.memory_space<vmem>> -> memref<128x128xf32, #tpu.memory_space<vmem>>
        %dma_start3A_156 = arith.constant 0 : i32
        %dma_start3A_157 = tpu.memref_slice %arg7[%scan3A_103, %dma_start3A_156] : memref<40x128xi32, #tpu.memory_space<vmem>> -> memref<1x128xi32, #tpu.memory_space<vmem>>
        %dma_start3A_158 = tpu.memref_squeeze %dma_start3A_157 : memref<1x128xi32, #tpu.memory_space<vmem>> -> memref<128xi32, #tpu.memory_space<vmem>>
        %dma_start3A_159 = arith.constant 0 : i32
        %dma_start3A_160 = arith.constant 0 : i32
        %dma_start3A_161 = tpu.memref_slice %arg9[%dma_start3A_159, %dma_start3A_160] : memref<10240x128xf32, #tpu.memory_space<vmem_shared>> -> memref<10240x128xf32, #tpu.memory_space<vmem_shared>>
        tpu.enqueue_indirect_dma source(%dma_start3A_155 : memref<128x128xf32, #tpu.memory_space<vmem>>) target(%dma_start3A_161 : memref<10240x128xf32, #tpu.memory_space<vmem_shared>>) offsets(%dma_start3A_158 : memref<128xi32, #tpu.memory_space<vmem>>) semaphore(%arg11 : memref<!tpu.dma_semaphore, #tpu.memory_space<semaphore_mem>>) {add = true}
      }
      %scan3A_55 = arith.constant 40 : i32
      %dma_wait3A_56 = arith.constant 1 : i32
      %dma_wait3A_57 = arith.constant 39 : i32
      %dma_wait3A_58 = arith.constant 0 : i32
      %dma_wait3A_59 = arith.constant 0 : i32
      %dma_wait3A_60 = tpu.memref_slice %arg8[%dma_wait3A_56, %dma_wait3A_58, %dma_wait3A_59] : memref<2x128x128xf32, #tpu.memory_space<vmem>> -> memref<1x128x128xf32, #tpu.memory_space<vmem>>
      %dma_wait3A_61 = tpu.memref_squeeze %dma_wait3A_60 : memref<1x128x128xf32, #tpu.memory_space<vmem>> -> memref<128x128xf32, #tpu.memory_space<vmem>>
      %dma_wait3A_62 = arith.constant 0 : i32
      %dma_wait3A_63 = tpu.memref_slice %arg7[%dma_wait3A_57, %dma_wait3A_62] : memref<40x128xi32, #tpu.memory_space<vmem>> -> memref<1x128xi32, #tpu.memory_space<vmem>>
      %dma_wait3A_64 = tpu.memref_squeeze %dma_wait3A_63 : memref<1x128xi32, #tpu.memory_space<vmem>> -> memref<128xi32, #tpu.memory_space<vmem>>
      %dma_wait3A_65 = arith.constant 0 : i32
      %dma_wait3A_66 = arith.constant 0 : i32
      %dma_wait3A_67 = tpu.memref_slice %arg9[%dma_wait3A_65, %dma_wait3A_66] : memref<10240x128xf32, #tpu.memory_space<vmem_shared>> -> memref<10240x128xf32, #tpu.memory_space<vmem_shared>>
      tpu.wait_indirect_dma semaphore(%arg11 : memref<!tpu.dma_semaphore, #tpu.memory_space<semaphore_mem>>) src(%dma_wait3A_61 : memref<128x128xf32, #tpu.memory_space<vmem>>) dst(%dma_wait3A_67 : memref<10240x128xf32, #tpu.memory_space<vmem_shared>>)
      %mul3A_68 = arith.constant 80 : i32
      %mul3A_69 = arith.muli %add3A, %mul3A_68 : i32
      %add3A_70 = arith.constant 40 : i32
      %add3A_71 = arith.addi %mul3A_69, %add3A_70 : i32
      %run_scoped3A = arith.constant 0 : i32
      "tpu.region"() ({
        %run_scoped3A_103 = tpu.sem_alloc : memref<!tpu.dma_semaphore, #tpu.memory_space<semaphore_mem>>
        %dma_start3A_104 = arith.constant 0 : i32
        %dma_start3A_105 = arith.constant 0 : i32
        %dma_start3A_106 = tpu.memref_slice %arg6[%dma_start3A_104, %dma_start3A_105] : memref<40x128xi32, #tpu.memory_space<vmem>> -> memref<40x128xi32, #tpu.memory_space<vmem>>
        %dma_start3A_107 = arith.constant 0 : i32
        %dma_start3A_108 = tpu.memref_slice %arg3[%run_scoped3A, %add3A_71, %dma_start3A_107] : memref<2x2500x128xi32, #tpu.memory_space<hbm>> -> memref<1x40x128xi32, #tpu.memory_space<hbm>>
        %dma_start3A_109 = tpu.memref_squeeze %dma_start3A_108 : memref<1x40x128xi32, #tpu.memory_space<hbm>> -> memref<40x128xi32, #tpu.memory_space<hbm>>
        %dma_start3A_110 = arith.constant 0 : i32
        %dma_start3A_111 = arith.constant 0 : i32
        %dma_start3A_112 = tpu.memref_slice %arg6[%dma_start3A_110, %dma_start3A_111] : memref<40x128xi32, #tpu.memory_space<vmem>> -> memref<40x128xi32, #tpu.memory_space<vmem>>
        %dma_start3A_113 = arith.constant 0 : i32
        %dma_start3A_114 = tpu.memref_slice %arg3[%run_scoped3A, %add3A_71, %dma_start3A_113] : memref<2x2500x128xi32, #tpu.memory_space<hbm>> -> memref<1x40x128xi32, #tpu.memory_space<hbm>>
        %dma_start3A_115 = tpu.memref_squeeze %dma_start3A_114 : memref<1x40x128xi32, #tpu.memory_space<hbm>> -> memref<40x128xi32, #tpu.memory_space<hbm>>
        tpu.enqueue_dma source(%dma_start3A_115 : memref<40x128xi32, #tpu.memory_space<hbm>>) target(%dma_start3A_112 : memref<40x128xi32, #tpu.memory_space<vmem>>) target_semaphore(%run_scoped3A_103 : memref<!tpu.dma_semaphore, #tpu.memory_space<semaphore_mem>>)
        %dma_wait3A_116 = arith.constant 0 : i32
        %dma_wait3A_117 = arith.constant 0 : i32
        %dma_wait3A_118 = tpu.memref_slice %arg6[%dma_wait3A_116, %dma_wait3A_117] : memref<40x128xi32, #tpu.memory_space<vmem>> -> memref<40x128xi32, #tpu.memory_space<vmem>>
        %dma_wait3A_119 = arith.constant 0 : i32
        %dma_wait3A_120 = tpu.memref_slice %arg3[%run_scoped3A, %add3A_71, %dma_wait3A_119] : memref<2x2500x128xi32, #tpu.memory_space<hbm>> -> memref<1x40x128xi32, #tpu.memory_space<hbm>>
        %dma_wait3A_121 = tpu.memref_squeeze %dma_wait3A_120 : memref<1x40x128xi32, #tpu.memory_space<hbm>> -> memref<40x128xi32, #tpu.memory_space<hbm>>
        %dma_wait3A_122 = arith.constant 0 : i32
        %dma_wait3A_123 = arith.constant 0 : i32
        %dma_wait3A_124 = tpu.memref_slice %arg6[%dma_wait3A_122, %dma_wait3A_123] : memref<40x128xi32, #tpu.memory_space<vmem>> -> memref<40x128xi32, #tpu.memory_space<vmem>>
        %dma_wait3A_125 = arith.constant 0 : i32
        %dma_wait3A_126 = tpu.memref_slice %arg3[%run_scoped3A, %add3A_71, %dma_wait3A_125] : memref<2x2500x128xi32, #tpu.memory_space<hbm>> -> memref<1x40x128xi32, #tpu.memory_space<hbm>>
        %dma_wait3A_127 = tpu.memref_squeeze %dma_wait3A_126 : memref<1x40x128xi32, #tpu.memory_space<hbm>> -> memref<40x128xi32, #tpu.memory_space<hbm>>
        tpu.wait_dma2 semaphore(%run_scoped3A_103 : memref<!tpu.dma_semaphore, #tpu.memory_space<semaphore_mem>>) src(%dma_wait3A_127 : memref<40x128xi32, #tpu.memory_space<hbm>>) dst(%dma_wait3A_124 : memref<40x128xi32, #tpu.memory_space<vmem>>)
        tpu.yield
      }) : () -> ()
      %run_scoped3A_72 = arith.constant 1 : i32
      "tpu.region"() ({
        %run_scoped3A_103 = tpu.sem_alloc : memref<!tpu.dma_semaphore, #tpu.memory_space<semaphore_mem>>
        %dma_start3A_104 = arith.constant 0 : i32
        %dma_start3A_105 = arith.constant 0 : i32
        %dma_start3A_106 = tpu.memref_slice %arg7[%dma_start3A_104, %dma_start3A_105] : memref<40x128xi32, #tpu.memory_space<vmem>> -> memref<40x128xi32, #tpu.memory_space<vmem>>
        %dma_start3A_107 = arith.constant 0 : i32
        %dma_start3A_108 = tpu.memref_slice %arg3[%run_scoped3A_72, %add3A_71, %dma_start3A_107] : memref<2x2500x128xi32, #tpu.memory_space<hbm>> -> memref<1x40x128xi32, #tpu.memory_space<hbm>>
        %dma_start3A_109 = tpu.memref_squeeze %dma_start3A_108 : memref<1x40x128xi32, #tpu.memory_space<hbm>> -> memref<40x128xi32, #tpu.memory_space<hbm>>
        %dma_start3A_110 = arith.constant 0 : i32
        %dma_start3A_111 = arith.constant 0 : i32
        %dma_start3A_112 = tpu.memref_slice %arg7[%dma_start3A_110, %dma_start3A_111] : memref<40x128xi32, #tpu.memory_space<vmem>> -> memref<40x128xi32, #tpu.memory_space<vmem>>
        %dma_start3A_113 = arith.constant 0 : i32
        %dma_start3A_114 = tpu.memref_slice %arg3[%run_scoped3A_72, %add3A_71, %dma_start3A_113] : memref<2x2500x128xi32, #tpu.memory_space<hbm>> -> memref<1x40x128xi32, #tpu.memory_space<hbm>>
        %dma_start3A_115 = tpu.memref_squeeze %dma_start3A_114 : memref<1x40x128xi32, #tpu.memory_space<hbm>> -> memref<40x128xi32, #tpu.memory_space<hbm>>
        tpu.enqueue_dma source(%dma_start3A_115 : memref<40x128xi32, #tpu.memory_space<hbm>>) target(%dma_start3A_112 : memref<40x128xi32, #tpu.memory_space<vmem>>) target_semaphore(%run_scoped3A_103 : memref<!tpu.dma_semaphore, #tpu.memory_space<semaphore_mem>>)
        %dma_wait3A_116 = arith.constant 0 : i32
        %dma_wait3A_117 = arith.constant 0 : i32
        %dma_wait3A_118 = tpu.memref_slice %arg7[%dma_wait3A_116, %dma_wait3A_117] : memref<40x128xi32, #tpu.memory_space<vmem>> -> memref<40x128xi32, #tpu.memory_space<vmem>>
        %dma_wait3A_119 = arith.constant 0 : i32
        %dma_wait3A_120 = tpu.memref_slice %arg3[%run_scoped3A_72, %add3A_71, %dma_wait3A_119] : memref<2x2500x128xi32, #tpu.memory_space<hbm>> -> memref<1x40x128xi32, #tpu.memory_space<hbm>>
        %dma_wait3A_121 = tpu.memref_squeeze %dma_wait3A_120 : memref<1x40x128xi32, #tpu.memory_space<hbm>> -> memref<40x128xi32, #tpu.memory_space<hbm>>
        %dma_wait3A_122 = arith.constant 0 : i32
        %dma_wait3A_123 = arith.constant 0 : i32
        %dma_wait3A_124 = tpu.memref_slice %arg7[%dma_wait3A_122, %dma_wait3A_123] : memref<40x128xi32, #tpu.memory_space<vmem>> -> memref<40x128xi32, #tpu.memory_space<vmem>>
        %dma_wait3A_125 = arith.constant 0 : i32
        %dma_wait3A_126 = tpu.memref_slice %arg3[%run_scoped3A_72, %add3A_71, %dma_wait3A_125] : memref<2x2500x128xi32, #tpu.memory_space<hbm>> -> memref<1x40x128xi32, #tpu.memory_space<hbm>>
        %dma_wait3A_127 = tpu.memref_squeeze %dma_wait3A_126 : memref<1x40x128xi32, #tpu.memory_space<hbm>> -> memref<40x128xi32, #tpu.memory_space<hbm>>
        tpu.wait_dma2 semaphore(%run_scoped3A_103 : memref<!tpu.dma_semaphore, #tpu.memory_space<semaphore_mem>>) src(%dma_wait3A_127 : memref<40x128xi32, #tpu.memory_space<hbm>>) dst(%dma_wait3A_124 : memref<40x128xi32, #tpu.memory_space<vmem>>)
        tpu.yield
      }) : () -> ()
      %dma_start3A_73 = arith.constant 0 : i32
      %dma_start3A_74 = arith.constant 0 : i32
      %dma_start3A_75 = arith.constant 0 : i32
      %dma_start3A_76 = arith.constant 0 : i32
      %dma_start3A_77 = tpu.memref_slice %arg8[%dma_start3A_74, %dma_start3A_75, %dma_start3A_76] : memref<2x128x128xf32, #tpu.memory_space<vmem>> -> memref<1x128x128xf32, #tpu.memory_space<vmem>>
      %dma_start3A_78 = tpu.memref_squeeze %dma_start3A_77 : memref<1x128x128xf32, #tpu.memory_space<vmem>> -> memref<128x128xf32, #tpu.memory_space<vmem>>
      %dma_start3A_79 = arith.constant 0 : i32
      %dma_start3A_80 = tpu.memref_slice %arg6[%dma_start3A_73, %dma_start3A_79] : memref<40x128xi32, #tpu.memory_space<vmem>> -> memref<1x128xi32, #tpu.memory_space<vmem>>
      %dma_start3A_81 = tpu.memref_squeeze %dma_start3A_80 : memref<1x128xi32, #tpu.memory_space<vmem>> -> memref<128xi32, #tpu.memory_space<vmem>>
      %dma_start3A_82 = arith.constant 0 : i32
      %dma_start3A_83 = arith.constant 0 : i32
      %dma_start3A_84 = tpu.memref_slice %arg2[%dma_start3A_82, %dma_start3A_83] : memref<10240x128xf32, #tpu.memory_space<hbm>> -> memref<10240x128xf32, #tpu.memory_space<hbm>>
      tpu.enqueue_indirect_dma source(%dma_start3A_84 : memref<10240x128xf32, #tpu.memory_space<hbm>>) target(%dma_start3A_78 : memref<128x128xf32, #tpu.memory_space<vmem>>) offsets(%dma_start3A_81 : memref<128xi32, #tpu.memory_space<vmem>>) semaphore(%arg10 : memref<!tpu.dma_semaphore, #tpu.memory_space<semaphore_mem>>)
      %scan3A_85 = arith.constant 0 : i32
      %scan3A_86 = arith.constant 0 : i32
      %scan3A_87 = arith.constant 40 : i32
      %scan3A_88 = arith.addi %scan3A_86, %scan3A_87 : i32
      %scan3A_89 = arith.constant 1 : i32
      scf.for %scan3A_103 = %scan3A_86 to %scan3A_88 step %scan3A_89  : i32 {
        %ge3A = arith.constant 1 : i32
        %ge3A_104 = arith.cmpi sge, %scan3A_103, %ge3A : i32
        %convert_element_type3A_105 = arith.extui %ge3A_104 : i1 to i32
        %cond3A_106 = arith.constant 0 : i32
        %cond3A_107 = arith.cmpi ne, %convert_element_type3A_105, %cond3A_106 : i32
        scf.if %cond3A_107 {
          %sub3A = arith.constant 1 : i32
          %sub3A_162 = arith.subi %scan3A_103, %sub3A : i32
          %jit3A_163 = arith.constant 2 : i32
          %eq3A_164 = arith.constant 0 : i32
          %eq3A_165 = arith.cmpi eq, %jit3A_163, %eq3A_164 : i32
          %jit3A_166 = arith.constant 1 : i32
          %select_n3A_167 = arith.select %eq3A_165, %jit3A_166, %jit3A_163 : i32
          %rem3A_168 = arith.remsi %sub3A_162, %select_n3A_167 : i32
          %ne3A_169 = arith.constant 0 : i32
          %ne3A_170 = arith.cmpi ne, %rem3A_168, %ne3A_169 : i32
          %lt3A_171 = arith.constant 0 : i32
          %lt3A_172 = arith.cmpi slt, %rem3A_168, %lt3A_171 : i32
          %lt3A_173 = arith.constant 0 : i32
          %lt3A_174 = arith.cmpi slt, %select_n3A_167, %lt3A_173 : i32
          %ne3A_175 = arith.xori %lt3A_172, %lt3A_174 : i1
          %and3A_176 = arith.andi %ne3A_175, %ne3A_170 : i1
          %add3A_177 = arith.addi %rem3A_168, %select_n3A_167 : i32
          %select_n3A_178 = arith.select %and3A_176, %add3A_177, %rem3A_168 : i32
          %sub3A_179 = arith.constant 1 : i32
          %sub3A_180 = arith.subi %scan3A_103, %sub3A_179 : i32
          %dma_wait3A_181 = arith.constant 0 : i32
          %dma_wait3A_182 = arith.constant 0 : i32
          %dma_wait3A_183 = tpu.memref_slice %arg8[%select_n3A_178, %dma_wait3A_181, %dma_wait3A_182] : memref<2x128x128xf32, #tpu.memory_space<vmem>> -> memref<1x128x128xf32, #tpu.memory_space<vmem>>
          %dma_wait3A_184 = tpu.memref_squeeze %dma_wait3A_183 : memref<1x128x128xf32, #tpu.memory_space<vmem>> -> memref<128x128xf32, #tpu.memory_space<vmem>>
          %dma_wait3A_185 = arith.constant 0 : i32
          %dma_wait3A_186 = tpu.memref_slice %arg7[%sub3A_180, %dma_wait3A_185] : memref<40x128xi32, #tpu.memory_space<vmem>> -> memref<1x128xi32, #tpu.memory_space<vmem>>
          %dma_wait3A_187 = tpu.memref_squeeze %dma_wait3A_186 : memref<1x128xi32, #tpu.memory_space<vmem>> -> memref<128xi32, #tpu.memory_space<vmem>>
          %dma_wait3A_188 = arith.constant 0 : i32
          %dma_wait3A_189 = arith.constant 0 : i32
          %dma_wait3A_190 = tpu.memref_slice %arg9[%dma_wait3A_188, %dma_wait3A_189] : memref<10240x128xf32, #tpu.memory_space<vmem_shared>> -> memref<10240x128xf32, #tpu.memory_space<vmem_shared>>
          tpu.wait_indirect_dma semaphore(%arg11 : memref<!tpu.dma_semaphore, #tpu.memory_space<semaphore_mem>>) src(%dma_wait3A_184 : memref<128x128xf32, #tpu.memory_space<vmem>>) dst(%dma_wait3A_190 : memref<10240x128xf32, #tpu.memory_space<vmem_shared>>)
        } else {
        }
        %add3A_108 = arith.constant 1 : i32
        %add3A_109 = arith.addi %scan3A_103, %add3A_108 : i32
        %lt3A = arith.constant 40 : i32
        %lt3A_110 = arith.cmpi slt, %add3A_109, %lt3A : i32
        %convert_element_type3A_111 = arith.extui %lt3A_110 : i1 to i32
        %cond3A_112 = arith.constant 0 : i32
        %cond3A_113 = arith.cmpi ne, %convert_element_type3A_111, %cond3A_112 : i32
        scf.if %cond3A_113 {
          %add3A_162 = arith.constant 1 : i32
          %add3A_163 = arith.addi %scan3A_103, %add3A_162 : i32
          %add3A_164 = arith.constant 1 : i32
          %add3A_165 = arith.addi %scan3A_103, %add3A_164 : i32
          %jit3A_166 = arith.constant 2 : i32
          %eq3A_167 = arith.constant 0 : i32
          %eq3A_168 = arith.cmpi eq, %jit3A_166, %eq3A_167 : i32
          %jit3A_169 = arith.constant 1 : i32
          %select_n3A_170 = arith.select %eq3A_168, %jit3A_169, %jit3A_166 : i32
          %rem3A_171 = arith.remsi %add3A_165, %select_n3A_170 : i32
          %ne3A_172 = arith.constant 0 : i32
          %ne3A_173 = arith.cmpi ne, %rem3A_171, %ne3A_172 : i32
          %lt3A_174 = arith.constant 0 : i32
          %lt3A_175 = arith.cmpi slt, %rem3A_171, %lt3A_174 : i32
          %lt3A_176 = arith.constant 0 : i32
          %lt3A_177 = arith.cmpi slt, %select_n3A_170, %lt3A_176 : i32
          %ne3A_178 = arith.xori %lt3A_175, %lt3A_177 : i1
          %and3A_179 = arith.andi %ne3A_178, %ne3A_173 : i1
          %add3A_180 = arith.addi %rem3A_171, %select_n3A_170 : i32
          %select_n3A_181 = arith.select %and3A_179, %add3A_180, %rem3A_171 : i32
          %dma_start3A_182 = arith.constant 0 : i32
          %dma_start3A_183 = arith.constant 0 : i32
          %dma_start3A_184 = tpu.memref_slice %arg8[%select_n3A_181, %dma_start3A_182, %dma_start3A_183] : memref<2x128x128xf32, #tpu.memory_space<vmem>> -> memref<1x128x128xf32, #tpu.memory_space<vmem>>
          %dma_start3A_185 = tpu.memref_squeeze %dma_start3A_184 : memref<1x128x128xf32, #tpu.memory_space<vmem>> -> memref<128x128xf32, #tpu.memory_space<vmem>>
          %dma_start3A_186 = arith.constant 0 : i32
          %dma_start3A_187 = tpu.memref_slice %arg6[%add3A_163, %dma_start3A_186] : memref<40x128xi32, #tpu.memory_space<vmem>> -> memref<1x128xi32, #tpu.memory_space<vmem>>
          %dma_start3A_188 = tpu.memref_squeeze %dma_start3A_187 : memref<1x128xi32, #tpu.memory_space<vmem>> -> memref<128xi32, #tpu.memory_space<vmem>>
          %dma_start3A_189 = arith.constant 0 : i32
          %dma_start3A_190 = arith.constant 0 : i32
          %dma_start3A_191 = tpu.memref_slice %arg2[%dma_start3A_189, %dma_start3A_190] : memref<10240x128xf32, #tpu.memory_space<hbm>> -> memref<10240x128xf32, #tpu.memory_space<hbm>>
          tpu.enqueue_indirect_dma source(%dma_start3A_191 : memref<10240x128xf32, #tpu.memory_space<hbm>>) target(%dma_start3A_185 : memref<128x128xf32, #tpu.memory_space<vmem>>) offsets(%dma_start3A_188 : memref<128xi32, #tpu.memory_space<vmem>>) semaphore(%arg10 : memref<!tpu.dma_semaphore, #tpu.memory_space<semaphore_mem>>)
        } else {
        }
        %jit3A = arith.constant 2 : i32
        %eq3A_114 = arith.constant 0 : i32
        %eq3A_115 = arith.cmpi eq, %jit3A, %eq3A_114 : i32
        %jit3A_116 = arith.constant 1 : i32
        %select_n3A = arith.select %eq3A_115, %jit3A_116, %jit3A : i32
        %rem3A = arith.remsi %scan3A_103, %select_n3A : i32
        %ne3A_117 = arith.constant 0 : i32
        %ne3A_118 = arith.cmpi ne, %rem3A, %ne3A_117 : i32
        %lt3A_119 = arith.constant 0 : i32
        %lt3A_120 = arith.cmpi slt, %rem3A, %lt3A_119 : i32
        %lt3A_121 = arith.constant 0 : i32
        %lt3A_122 = arith.cmpi slt, %select_n3A, %lt3A_121 : i32
        %ne3A_123 = arith.xori %lt3A_120, %lt3A_122 : i1
        %and3A = arith.andi %ne3A_123, %ne3A_118 : i1
        %add3A_124 = arith.addi %rem3A, %select_n3A : i32
        %select_n3A_125 = arith.select %and3A, %add3A_124, %rem3A : i32
        %dma_wait3A_126 = arith.constant 0 : i32
        %dma_wait3A_127 = arith.constant 0 : i32
        %dma_wait3A_128 = tpu.memref_slice %arg8[%select_n3A_125, %dma_wait3A_126, %dma_wait3A_127] : memref<2x128x128xf32, #tpu.memory_space<vmem>> -> memref<1x128x128xf32, #tpu.memory_space<vmem>>
        %dma_wait3A_129 = tpu.memref_squeeze %dma_wait3A_128 : memref<1x128x128xf32, #tpu.memory_space<vmem>> -> memref<128x128xf32, #tpu.memory_space<vmem>>
        %dma_wait3A_130 = arith.constant 0 : i32
        %dma_wait3A_131 = tpu.memref_slice %arg6[%scan3A_103, %dma_wait3A_130] : memref<40x128xi32, #tpu.memory_space<vmem>> -> memref<1x128xi32, #tpu.memory_space<vmem>>
        %dma_wait3A_132 = tpu.memref_squeeze %dma_wait3A_131 : memref<1x128xi32, #tpu.memory_space<vmem>> -> memref<128xi32, #tpu.memory_space<vmem>>
        %dma_wait3A_133 = arith.constant 0 : i32
        %dma_wait3A_134 = arith.constant 0 : i32
        %dma_wait3A_135 = tpu.memref_slice %arg2[%dma_wait3A_133, %dma_wait3A_134] : memref<10240x128xf32, #tpu.memory_space<hbm>> -> memref<10240x128xf32, #tpu.memory_space<hbm>>
        tpu.wait_indirect_dma semaphore(%arg10 : memref<!tpu.dma_semaphore, #tpu.memory_space<semaphore_mem>>) src(%dma_wait3A_135 : memref<10240x128xf32, #tpu.memory_space<hbm>>) dst(%dma_wait3A_129 : memref<128x128xf32, #tpu.memory_space<vmem>>)
        %jit3A_136 = arith.constant 2 : i32
        %eq3A_137 = arith.constant 0 : i32
        %eq3A_138 = arith.cmpi eq, %jit3A_136, %eq3A_137 : i32
        %jit3A_139 = arith.constant 1 : i32
        %select_n3A_140 = arith.select %eq3A_138, %jit3A_139, %jit3A_136 : i32
        %rem3A_141 = arith.remsi %scan3A_103, %select_n3A_140 : i32
        %ne3A_142 = arith.constant 0 : i32
        %ne3A_143 = arith.cmpi ne, %rem3A_141, %ne3A_142 : i32
        %lt3A_144 = arith.constant 0 : i32
        %lt3A_145 = arith.cmpi slt, %rem3A_141, %lt3A_144 : i32
        %lt3A_146 = arith.constant 0 : i32
        %lt3A_147 = arith.cmpi slt, %select_n3A_140, %lt3A_146 : i32
        %ne3A_148 = arith.xori %lt3A_145, %lt3A_147 : i1
        %and3A_149 = arith.andi %ne3A_148, %ne3A_143 : i1
        %add3A_150 = arith.addi %rem3A_141, %select_n3A_140 : i32
        %select_n3A_151 = arith.select %and3A_149, %add3A_150, %rem3A_141 : i32
        %dma_start3A_152 = arith.constant 0 : i32
        %dma_start3A_153 = arith.constant 0 : i32
        %dma_start3A_154 = tpu.memref_slice %arg8[%select_n3A_151, %dma_start3A_152, %dma_start3A_153] : memref<2x128x128xf32, #tpu.memory_space<vmem>> -> memref<1x128x128xf32, #tpu.memory_space<vmem>>
        %dma_start3A_155 = tpu.memref_squeeze %dma_start3A_154 : memref<1x128x128xf32, #tpu.memory_space<vmem>> -> memref<128x128xf32, #tpu.memory_space<vmem>>
        %dma_start3A_156 = arith.constant 0 : i32
        %dma_start3A_157 = tpu.memref_slice %arg7[%scan3A_103, %dma_start3A_156] : memref<40x128xi32, #tpu.memory_space<vmem>> -> memref<1x128xi32, #tpu.memory_space<vmem>>
        %dma_start3A_158 = tpu.memref_squeeze %dma_start3A_157 : memref<1x128xi32, #tpu.memory_space<vmem>> -> memref<128xi32, #tpu.memory_space<vmem>>
        %dma_start3A_159 = arith.constant 0 : i32
        %dma_start3A_160 = arith.constant 0 : i32
        %dma_start3A_161 = tpu.memref_slice %arg9[%dma_start3A_159, %dma_start3A_160] : memref<10240x128xf32, #tpu.memory_space<vmem_shared>> -> memref<10240x128xf32, #tpu.memory_space<vmem_shared>>
        tpu.enqueue_indirect_dma source(%dma_start3A_155 : memref<128x128xf32, #tpu.memory_space<vmem>>) target(%dma_start3A_161 : memref<10240x128xf32, #tpu.memory_space<vmem_shared>>) offsets(%dma_start3A_158 : memref<128xi32, #tpu.memory_space<vmem>>) semaphore(%arg11 : memref<!tpu.dma_semaphore, #tpu.memory_space<semaphore_mem>>) {add = true}
      }
      %scan3A_90 = arith.constant 40 : i32
      %dma_wait3A_91 = arith.constant 1 : i32
      %dma_wait3A_92 = arith.constant 39 : i32
      %dma_wait3A_93 = arith.constant 0 : i32
      %dma_wait3A_94 = arith.constant 0 : i32
      %dma_wait3A_95 = tpu.memref_slice %arg8[%dma_wait3A_91, %dma_wait3A_93, %dma_wait3A_94] : memref<2x128x128xf32, #tpu.memory_space<vmem>> -> memref<1x128x128xf32, #tpu.memory_space<vmem>>
      %dma_wait3A_96 = tpu.memref_squeeze %dma_wait3A_95 : memref<1x128x128xf32, #tpu.memory_space<vmem>> -> memref<128x128xf32, #tpu.memory_space<vmem>>
      %dma_wait3A_97 = arith.constant 0 : i32
      %dma_wait3A_98 = tpu.memref_slice %arg7[%dma_wait3A_92, %dma_wait3A_97] : memref<40x128xi32, #tpu.memory_space<vmem>> -> memref<1x128xi32, #tpu.memory_space<vmem>>
      %dma_wait3A_99 = tpu.memref_squeeze %dma_wait3A_98 : memref<1x128xi32, #tpu.memory_space<vmem>> -> memref<128xi32, #tpu.memory_space<vmem>>
      %dma_wait3A_100 = arith.constant 0 : i32
      %dma_wait3A_101 = arith.constant 0 : i32
      %dma_wait3A_102 = tpu.memref_slice %arg9[%dma_wait3A_100, %dma_wait3A_101] : memref<10240x128xf32, #tpu.memory_space<vmem_shared>> -> memref<10240x128xf32, #tpu.memory_space<vmem_shared>>
      tpu.wait_indirect_dma semaphore(%arg11 : memref<!tpu.dma_semaphore, #tpu.memory_space<semaphore_mem>>) src(%dma_wait3A_96 : memref<128x128xf32, #tpu.memory_space<vmem>>) dst(%dma_wait3A_102 : memref<10240x128xf32, #tpu.memory_space<vmem_shared>>)
    } else {
    }
    %convert_element_type3A_39 = arith.extui %eq3A_1 : i1 to i32
    %cond3A_40 = arith.constant 0 : i32
    %cond3A_41 = arith.cmpi ne, %convert_element_type3A_39, %cond3A_40 : i32
    scf.if %cond3A_41 {
      %scan3A = arith.constant 0 : i32
      %scan3A_47 = arith.constant 0 : i32
      %scan3A_48 = arith.constant 20 : i32
      %scan3A_49 = arith.addi %scan3A_47, %scan3A_48 : i32
      %scan3A_50 = arith.constant 1 : i32
      scf.for %scan3A_64 = %scan3A_47 to %scan3A_49 step %scan3A_50  : i32 {
        %ge3A = arith.constant 1 : i32
        %ge3A_65 = arith.cmpi sge, %scan3A_64, %ge3A : i32
        %convert_element_type3A_66 = arith.extui %ge3A_65 : i1 to i32
        %cond3A_67 = arith.constant 0 : i32
        %cond3A_68 = arith.cmpi ne, %convert_element_type3A_66, %cond3A_67 : i32
        scf.if %cond3A_68 {
          %sub3A = arith.constant 1 : i32
          %sub3A_123 = arith.subi %scan3A_64, %sub3A : i32
          %jit3A_124 = arith.constant 2 : i32
          %eq3A_125 = arith.constant 0 : i32
          %eq3A_126 = arith.cmpi eq, %jit3A_124, %eq3A_125 : i32
          %jit3A_127 = arith.constant 1 : i32
          %select_n3A_128 = arith.select %eq3A_126, %jit3A_127, %jit3A_124 : i32
          %rem3A_129 = arith.remsi %sub3A_123, %select_n3A_128 : i32
          %ne3A_130 = arith.constant 0 : i32
          %ne3A_131 = arith.cmpi ne, %rem3A_129, %ne3A_130 : i32
          %lt3A_132 = arith.constant 0 : i32
          %lt3A_133 = arith.cmpi slt, %rem3A_129, %lt3A_132 : i32
          %lt3A_134 = arith.constant 0 : i32
          %lt3A_135 = arith.cmpi slt, %select_n3A_128, %lt3A_134 : i32
          %ne3A_136 = arith.xori %lt3A_133, %lt3A_135 : i1
          %and3A_137 = arith.andi %ne3A_136, %ne3A_131 : i1
          %add3A_138 = arith.addi %rem3A_129, %select_n3A_128 : i32
          %select_n3A_139 = arith.select %and3A_137, %add3A_138, %rem3A_129 : i32
          %sub3A_140 = arith.constant 1 : i32
          %sub3A_141 = arith.subi %scan3A_64, %sub3A_140 : i32
          %dma_wait3A_142 = arith.constant 0 : i32
          %dma_wait3A_143 = arith.constant 0 : i32
          %dma_wait3A_144 = tpu.memref_slice %arg8[%select_n3A_139, %dma_wait3A_142, %dma_wait3A_143] : memref<2x128x128xf32, #tpu.memory_space<vmem>> -> memref<1x128x128xf32, #tpu.memory_space<vmem>>
          %dma_wait3A_145 = tpu.memref_squeeze %dma_wait3A_144 : memref<1x128x128xf32, #tpu.memory_space<vmem>> -> memref<128x128xf32, #tpu.memory_space<vmem>>
          %dma_wait3A_146 = arith.constant 0 : i32
          %dma_wait3A_147 = tpu.memref_slice %arg7[%sub3A_141, %dma_wait3A_146] : memref<40x128xi32, #tpu.memory_space<vmem>> -> memref<1x128xi32, #tpu.memory_space<vmem>>
          %dma_wait3A_148 = tpu.memref_squeeze %dma_wait3A_147 : memref<1x128xi32, #tpu.memory_space<vmem>> -> memref<128xi32, #tpu.memory_space<vmem>>
          %dma_wait3A_149 = arith.constant 0 : i32
          %dma_wait3A_150 = arith.constant 0 : i32
          %dma_wait3A_151 = tpu.memref_slice %arg9[%dma_wait3A_149, %dma_wait3A_150] : memref<10240x128xf32, #tpu.memory_space<vmem_shared>> -> memref<10240x128xf32, #tpu.memory_space<vmem_shared>>
          tpu.wait_indirect_dma semaphore(%arg11 : memref<!tpu.dma_semaphore, #tpu.memory_space<semaphore_mem>>) src(%dma_wait3A_145 : memref<128x128xf32, #tpu.memory_space<vmem>>) dst(%dma_wait3A_151 : memref<10240x128xf32, #tpu.memory_space<vmem_shared>>)
        } else {
        }
        %add3A_69 = arith.constant 1 : i32
        %add3A_70 = arith.addi %scan3A_64, %add3A_69 : i32
        %lt3A = arith.constant 20 : i32
        %lt3A_71 = arith.cmpi slt, %add3A_70, %lt3A : i32
        %convert_element_type3A_72 = arith.extui %lt3A_71 : i1 to i32
        %cond3A_73 = arith.constant 0 : i32
        %cond3A_74 = arith.cmpi ne, %convert_element_type3A_72, %cond3A_73 : i32
        scf.if %cond3A_74 {
          %add3A_123 = arith.constant 1 : i32
          %add3A_124 = arith.addi %scan3A_64, %add3A_123 : i32
          %add3A_125 = arith.constant 1 : i32
          %add3A_126 = arith.addi %scan3A_64, %add3A_125 : i32
          %jit3A_127 = arith.constant 2 : i32
          %eq3A_128 = arith.constant 0 : i32
          %eq3A_129 = arith.cmpi eq, %jit3A_127, %eq3A_128 : i32
          %jit3A_130 = arith.constant 1 : i32
          %select_n3A_131 = arith.select %eq3A_129, %jit3A_130, %jit3A_127 : i32
          %rem3A_132 = arith.remsi %add3A_126, %select_n3A_131 : i32
          %ne3A_133 = arith.constant 0 : i32
          %ne3A_134 = arith.cmpi ne, %rem3A_132, %ne3A_133 : i32
          %lt3A_135 = arith.constant 0 : i32
          %lt3A_136 = arith.cmpi slt, %rem3A_132, %lt3A_135 : i32
          %lt3A_137 = arith.constant 0 : i32
          %lt3A_138 = arith.cmpi slt, %select_n3A_131, %lt3A_137 : i32
          %ne3A_139 = arith.xori %lt3A_136, %lt3A_138 : i1
          %and3A_140 = arith.andi %ne3A_139, %ne3A_134 : i1
          %add3A_141 = arith.addi %rem3A_132, %select_n3A_131 : i32
          %select_n3A_142 = arith.select %and3A_140, %add3A_141, %rem3A_132 : i32
          %dma_start3A_143 = arith.constant 0 : i32
          %dma_start3A_144 = arith.constant 0 : i32
          %dma_start3A_145 = tpu.memref_slice %arg8[%select_n3A_142, %dma_start3A_143, %dma_start3A_144] : memref<2x128x128xf32, #tpu.memory_space<vmem>> -> memref<1x128x128xf32, #tpu.memory_space<vmem>>
          %dma_start3A_146 = tpu.memref_squeeze %dma_start3A_145 : memref<1x128x128xf32, #tpu.memory_space<vmem>> -> memref<128x128xf32, #tpu.memory_space<vmem>>
          %dma_start3A_147 = arith.constant 0 : i32
          %dma_start3A_148 = tpu.memref_slice %arg6[%add3A_124, %dma_start3A_147] : memref<40x128xi32, #tpu.memory_space<vmem>> -> memref<1x128xi32, #tpu.memory_space<vmem>>
          %dma_start3A_149 = tpu.memref_squeeze %dma_start3A_148 : memref<1x128xi32, #tpu.memory_space<vmem>> -> memref<128xi32, #tpu.memory_space<vmem>>
          %dma_start3A_150 = arith.constant 0 : i32
          %dma_start3A_151 = arith.constant 0 : i32
          %dma_start3A_152 = tpu.memref_slice %arg2[%dma_start3A_150, %dma_start3A_151] : memref<10240x128xf32, #tpu.memory_space<hbm>> -> memref<10240x128xf32, #tpu.memory_space<hbm>>
          tpu.enqueue_indirect_dma source(%dma_start3A_152 : memref<10240x128xf32, #tpu.memory_space<hbm>>) target(%dma_start3A_146 : memref<128x128xf32, #tpu.memory_space<vmem>>) offsets(%dma_start3A_149 : memref<128xi32, #tpu.memory_space<vmem>>) semaphore(%arg10 : memref<!tpu.dma_semaphore, #tpu.memory_space<semaphore_mem>>)
        } else {
        }
        %jit3A = arith.constant 2 : i32
        %eq3A_75 = arith.constant 0 : i32
        %eq3A_76 = arith.cmpi eq, %jit3A, %eq3A_75 : i32
        %jit3A_77 = arith.constant 1 : i32
        %select_n3A = arith.select %eq3A_76, %jit3A_77, %jit3A : i32
        %rem3A = arith.remsi %scan3A_64, %select_n3A : i32
        %ne3A_78 = arith.constant 0 : i32
        %ne3A_79 = arith.cmpi ne, %rem3A, %ne3A_78 : i32
        %lt3A_80 = arith.constant 0 : i32
        %lt3A_81 = arith.cmpi slt, %rem3A, %lt3A_80 : i32
        %lt3A_82 = arith.constant 0 : i32
        %lt3A_83 = arith.cmpi slt, %select_n3A, %lt3A_82 : i32
        %ne3A_84 = arith.xori %lt3A_81, %lt3A_83 : i1
        %and3A = arith.andi %ne3A_84, %ne3A_79 : i1
        %add3A_85 = arith.addi %rem3A, %select_n3A : i32
        %select_n3A_86 = arith.select %and3A, %add3A_85, %rem3A : i32
        %dma_wait3A_87 = arith.constant 0 : i32
        %dma_wait3A_88 = arith.constant 0 : i32
        %dma_wait3A_89 = tpu.memref_slice %arg8[%select_n3A_86, %dma_wait3A_87, %dma_wait3A_88] : memref<2x128x128xf32, #tpu.memory_space<vmem>> -> memref<1x128x128xf32, #tpu.memory_space<vmem>>
        %dma_wait3A_90 = tpu.memref_squeeze %dma_wait3A_89 : memref<1x128x128xf32, #tpu.memory_space<vmem>> -> memref<128x128xf32, #tpu.memory_space<vmem>>
        %dma_wait3A_91 = arith.constant 0 : i32
        %dma_wait3A_92 = tpu.memref_slice %arg6[%scan3A_64, %dma_wait3A_91] : memref<40x128xi32, #tpu.memory_space<vmem>> -> memref<1x128xi32, #tpu.memory_space<vmem>>
        %dma_wait3A_93 = tpu.memref_squeeze %dma_wait3A_92 : memref<1x128xi32, #tpu.memory_space<vmem>> -> memref<128xi32, #tpu.memory_space<vmem>>
        %dma_wait3A_94 = arith.constant 0 : i32
        %dma_wait3A_95 = arith.constant 0 : i32
        %dma_wait3A_96 = tpu.memref_slice %arg2[%dma_wait3A_94, %dma_wait3A_95] : memref<10240x128xf32, #tpu.memory_space<hbm>> -> memref<10240x128xf32, #tpu.memory_space<hbm>>
        tpu.wait_indirect_dma semaphore(%arg10 : memref<!tpu.dma_semaphore, #tpu.memory_space<semaphore_mem>>) src(%dma_wait3A_96 : memref<10240x128xf32, #tpu.memory_space<hbm>>) dst(%dma_wait3A_90 : memref<128x128xf32, #tpu.memory_space<vmem>>)
        %jit3A_97 = arith.constant 2 : i32
        %eq3A_98 = arith.constant 0 : i32
        %eq3A_99 = arith.cmpi eq, %jit3A_97, %eq3A_98 : i32
        %jit3A_100 = arith.constant 1 : i32
        %select_n3A_101 = arith.select %eq3A_99, %jit3A_100, %jit3A_97 : i32
        %rem3A_102 = arith.remsi %scan3A_64, %select_n3A_101 : i32
        %ne3A_103 = arith.constant 0 : i32
        %ne3A_104 = arith.cmpi ne, %rem3A_102, %ne3A_103 : i32
        %lt3A_105 = arith.constant 0 : i32
        %lt3A_106 = arith.cmpi slt, %rem3A_102, %lt3A_105 : i32
        %lt3A_107 = arith.constant 0 : i32
        %lt3A_108 = arith.cmpi slt, %select_n3A_101, %lt3A_107 : i32
        %ne3A_109 = arith.xori %lt3A_106, %lt3A_108 : i1
        %and3A_110 = arith.andi %ne3A_109, %ne3A_104 : i1
        %add3A_111 = arith.addi %rem3A_102, %select_n3A_101 : i32
        %select_n3A_112 = arith.select %and3A_110, %add3A_111, %rem3A_102 : i32
        %dma_start3A_113 = arith.constant 0 : i32
        %dma_start3A_114 = arith.constant 0 : i32
        %dma_start3A_115 = tpu.memref_slice %arg8[%select_n3A_112, %dma_start3A_113, %dma_start3A_114] : memref<2x128x128xf32, #tpu.memory_space<vmem>> -> memref<1x128x128xf32, #tpu.memory_space<vmem>>
        %dma_start3A_116 = tpu.memref_squeeze %dma_start3A_115 : memref<1x128x128xf32, #tpu.memory_space<vmem>> -> memref<128x128xf32, #tpu.memory_space<vmem>>
        %dma_start3A_117 = arith.constant 0 : i32
        %dma_start3A_118 = tpu.memref_slice %arg7[%scan3A_64, %dma_start3A_117] : memref<40x128xi32, #tpu.memory_space<vmem>> -> memref<1x128xi32, #tpu.memory_space<vmem>>
        %dma_start3A_119 = tpu.memref_squeeze %dma_start3A_118 : memref<1x128xi32, #tpu.memory_space<vmem>> -> memref<128xi32, #tpu.memory_space<vmem>>
        %dma_start3A_120 = arith.constant 0 : i32
        %dma_start3A_121 = arith.constant 0 : i32
        %dma_start3A_122 = tpu.memref_slice %arg9[%dma_start3A_120, %dma_start3A_121] : memref<10240x128xf32, #tpu.memory_space<vmem_shared>> -> memref<10240x128xf32, #tpu.memory_space<vmem_shared>>
        tpu.enqueue_indirect_dma source(%dma_start3A_116 : memref<128x128xf32, #tpu.memory_space<vmem>>) target(%dma_start3A_122 : memref<10240x128xf32, #tpu.memory_space<vmem_shared>>) offsets(%dma_start3A_119 : memref<128xi32, #tpu.memory_space<vmem>>) semaphore(%arg11 : memref<!tpu.dma_semaphore, #tpu.memory_space<semaphore_mem>>) {add = true}
      }
      %scan3A_51 = arith.constant 20 : i32
      %dma_wait3A_52 = arith.constant 1 : i32
      %dma_wait3A_53 = arith.constant 19 : i32
      %dma_wait3A_54 = arith.constant 0 : i32
      %dma_wait3A_55 = arith.constant 0 : i32
      %dma_wait3A_56 = tpu.memref_slice %arg8[%dma_wait3A_52, %dma_wait3A_54, %dma_wait3A_55] : memref<2x128x128xf32, #tpu.memory_space<vmem>> -> memref<1x128x128xf32, #tpu.memory_space<vmem>>
      %dma_wait3A_57 = tpu.memref_squeeze %dma_wait3A_56 : memref<1x128x128xf32, #tpu.memory_space<vmem>> -> memref<128x128xf32, #tpu.memory_space<vmem>>
      %dma_wait3A_58 = arith.constant 0 : i32
      %dma_wait3A_59 = tpu.memref_slice %arg7[%dma_wait3A_53, %dma_wait3A_58] : memref<40x128xi32, #tpu.memory_space<vmem>> -> memref<1x128xi32, #tpu.memory_space<vmem>>
      %dma_wait3A_60 = tpu.memref_squeeze %dma_wait3A_59 : memref<1x128xi32, #tpu.memory_space<vmem>> -> memref<128xi32, #tpu.memory_space<vmem>>
      %dma_wait3A_61 = arith.constant 0 : i32
      %dma_wait3A_62 = arith.constant 0 : i32
      %dma_wait3A_63 = tpu.memref_slice %arg9[%dma_wait3A_61, %dma_wait3A_62] : memref<10240x128xf32, #tpu.memory_space<vmem_shared>> -> memref<10240x128xf32, #tpu.memory_space<vmem_shared>>
      tpu.wait_indirect_dma semaphore(%arg11 : memref<!tpu.dma_semaphore, #tpu.memory_space<semaphore_mem>>) src(%dma_wait3A_57 : memref<128x128xf32, #tpu.memory_space<vmem>>) dst(%dma_wait3A_63 : memref<10240x128xf32, #tpu.memory_space<vmem_shared>>)
    } else {
    }
    %barrier3A_42 = arith.constant 0 : index
    tpu.barrier barrier_id(%barrier3A_42)
    %mul3A_43 = arith.constant 640 : i32
    %mul3A_44 = arith.muli %arg1, %mul3A_43 : i32
    %mul3A_45 = arith.constant 640 : i32
    %mul3A_46 = arith.muli %arg1, %mul3A_45 : i32
    "tpu.region"() ({
      %run_scoped3A = tpu.sem_alloc : memref<!tpu.dma_semaphore, #tpu.memory_space<semaphore_mem>>
      %dma_start3A_47 = arith.constant 0 : i32
      %dma_start3A_48 = tpu.memref_slice %arg5[%arg0, %mul3A_46, %dma_start3A_47] : memref<2x10240x128xf32, #tpu.memory_space<hbm>> -> memref<1x640x128xf32, #tpu.memory_space<hbm>>
      %dma_start3A_49 = tpu.memref_squeeze %dma_start3A_48 : memref<1x640x128xf32, #tpu.memory_space<hbm>> -> memref<640x128xf32, #tpu.memory_space<hbm>>
      %dma_start3A_50 = arith.constant 0 : i32
      %dma_start3A_51 = tpu.memref_slice %arg9[%mul3A_44, %dma_start3A_50] : memref<10240x128xf32, #tpu.memory_space<vmem_shared>> -> memref<640x128xf32, #tpu.memory_space<vmem_shared>>
      tpu.enqueue_dma source(%dma_start3A_51 : memref<640x128xf32, #tpu.memory_space<vmem_shared>>) target(%dma_start3A_49 : memref<640x128xf32, #tpu.memory_space<hbm>>) target_semaphore(%run_scoped3A : memref<!tpu.dma_semaphore, #tpu.memory_space<semaphore_mem>>)
      %dma_wait3A_52 = arith.constant 0 : i32
      %dma_wait3A_53 = tpu.memref_slice %arg5[%arg0, %mul3A_46, %dma_wait3A_52] : memref<2x10240x128xf32, #tpu.memory_space<hbm>> -> memref<1x640x128xf32, #tpu.memory_space<hbm>>
      %dma_wait3A_54 = tpu.memref_squeeze %dma_wait3A_53 : memref<1x640x128xf32, #tpu.memory_space<hbm>> -> memref<640x128xf32, #tpu.memory_space<hbm>>
      %dma_wait3A_55 = arith.constant 0 : i32
      %dma_wait3A_56 = tpu.memref_slice %arg9[%mul3A_44, %dma_wait3A_55] : memref<10240x128xf32, #tpu.memory_space<vmem_shared>> -> memref<640x128xf32, #tpu.memory_space<vmem_shared>>
      tpu.wait_dma2 semaphore(%run_scoped3A : memref<!tpu.dma_semaphore, #tpu.memory_space<semaphore_mem>>) src(%dma_wait3A_56 : memref<640x128xf32, #tpu.memory_space<vmem_shared>>) dst(%dma_wait3A_54 : memref<640x128xf32, #tpu.memory_space<hbm>>)
      tpu.yield
    }) : () -> ()
    return
  }
}

module attributes {stable_mosaic.version = 14 : i64} {
  func.func @_tc1_body(%arg0: memref<10000x128xf32, #tpu.memory_space<vmem>>, %arg1: memref<1x16xf32, #tpu.memory_space<vmem>>, %arg2: memref<128x128xf32, #tpu.memory_space<vmem>>, %arg3: memref<16x128xf32, #tpu.memory_space<vmem>>, %arg4: memref<2x10240x128xf32, #tpu.memory_space<vmem>>, %arg5: memref<10240x128xf32, #tpu.memory_space<vmem>>, %arg6: memref<10000x1xf32, #tpu.memory_space<vmem>>) attributes {dimension_semantics = [], scalar_prefetch = 0 : i64, scratch_operands = 0 : i64, tpu.core_type = #tpu.core_type<tc>} {
    %get3A = arith.constant 0 : index
    %get3A_0 = arith.constant 0 : index
    %get3A_1 = arith.constant 0 : index
    %get3A_2 = vector.load %arg4[%get3A, %get3A_0, %get3A_1] : memref<2x10240x128xf32, #tpu.memory_space<vmem>>, vector<1x10000x1xf32>
    %get3A_3 = vector.shape_cast %get3A_2 : vector<1x10000x1xf32> to vector<10000x1xf32>
    %get3A_4 = arith.constant 1 : index
    %get3A_5 = arith.constant 0 : index
    %get3A_6 = arith.constant 0 : index
    %get3A_7 = vector.load %arg4[%get3A_4, %get3A_5, %get3A_6] : memref<2x10240x128xf32, #tpu.memory_space<vmem>>, vector<1x10000x1xf32>
    %get3A_8 = vector.shape_cast %get3A_7 : vector<1x10000x1xf32> to vector<10000x1xf32>
    %add3A = arith.addf %get3A_3, %get3A_8 : vector<10000x1xf32>
    %add3A_9 = arith.constant 1.000000e+00 : f32
    %add3A_10 = vector.broadcast %add3A_9 : f32 to vector<10000x1xf32>
    %add3A_11 = arith.addf %add3A, %add3A_10 : vector<10000x1xf32>
    %rsqrt3A = math.rsqrt %add3A_11 : vector<10000x1xf32>
    %get3A_12 = arith.constant 0 : index
    %get3A_13 = arith.constant 0 : index
    %get3A_14 = vector.load %arg1[%get3A_12, %get3A_13] : memref<1x16xf32, #tpu.memory_space<vmem>>, vector<1x16xf32>
    %get3A_15 = arith.constant 0 : index
    %get3A_16 = arith.constant 0 : index
    %get3A_17 = vector.load %arg3[%get3A_15, %get3A_16] : memref<16x128xf32, #tpu.memory_space<vmem>>, vector<16x128xf32>
    %dot_general3A = arith.constant dense<0.000000e+00> : vector<1x128xf32>
    %dot_general3A_18 = tpu.matmul %get3A_14, %get3A_17, %dot_general3A {dimension_numbers = #tpu.dot_dimension_numbers<[1], [0], [0], [1], [0, 0, 1, 1], [], []>, transpose_lhs_hint = false} : vector<1x16xf32>, vector<16x128xf32>, vector<1x128xf32> -> vector<1x128xf32>
    %get3A_19 = arith.constant 0 : index
    %get3A_20 = arith.constant 0 : index
    %get3A_21 = vector.load %arg0[%get3A_19, %get3A_20] : memref<10000x128xf32, #tpu.memory_space<vmem>>, vector<10000x128xf32>
    %get3A_22 = arith.constant 0 : index
    %get3A_23 = arith.constant 0 : index
    %get3A_24 = vector.load %arg2[%get3A_22, %get3A_23] : memref<128x128xf32, #tpu.memory_space<vmem>>, vector<128x128xf32>
    %dot_general3A_25 = arith.constant dense<0.000000e+00> : vector<10000x128xf32>
    %dot_general3A_26 = tpu.matmul %get3A_21, %get3A_24, %dot_general3A_25 {dimension_numbers = #tpu.dot_dimension_numbers<[1], [0], [0], [1], [0, 0, 1, 1], [], []>, transpose_lhs_hint = false} : vector<10000x128xf32>, vector<128x128xf32>, vector<10000x128xf32> -> vector<10000x128xf32>
    %add3A_27 = vector.broadcast %dot_general3A_18 : vector<1x128xf32> to vector<10000x128xf32>
    %add3A_28 = arith.addf %dot_general3A_26, %add3A_27 : vector<10000x128xf32>
    %mul3A = vector.broadcast %rsqrt3A : vector<10000x1xf32> to vector<10000x128xf32>
    %mul3A_29 = arith.mulf %add3A_28, %mul3A : vector<10000x128xf32>
    %swap3A = arith.constant 0 : index
    %swap3A_30 = arith.constant 0 : index
    %swap3A_31 = vector.load %arg5[%swap3A, %swap3A_30] : memref<10240x128xf32, #tpu.memory_space<vmem>>, vector<10000x128xf32>
    tpu.vector_store %arg5[%swap3A, %swap3A_30], %mul3A_29 {strides = array<i32>} : memref<10240x128xf32, #tpu.memory_space<vmem>>, vector<10000x128xf32>,
    %broadcast_in_dim3A = arith.constant 0.000000e+00 : f32
    %broadcast_in_dim3A_32 = vector.broadcast %broadcast_in_dim3A : f32 to vector<240x128xf32>
    %swap3A_33 = arith.constant 10000 : index
    %swap3A_34 = arith.constant 0 : index
    %swap3A_35 = vector.load %arg5[%swap3A_33, %swap3A_34] : memref<10240x128xf32, #tpu.memory_space<vmem>>, vector<240x128xf32>
    tpu.vector_store %arg5[%swap3A_33, %swap3A_34], %broadcast_in_dim3A_32 {strides = array<i32>} : memref<10240x128xf32, #tpu.memory_space<vmem>>, vector<240x128xf32>,
    %swap3A_36 = arith.constant 0 : index
    %swap3A_37 = arith.constant 0 : index
    %swap3A_38 = vector.load %arg6[%swap3A_36, %swap3A_37] : memref<10000x1xf32, #tpu.memory_space<vmem>>, vector<10000x1xf32>
    tpu.vector_store %arg6[%swap3A_36, %swap3A_37], %rsqrt3A {strides = array<i32>} : memref<10000x1xf32, #tpu.memory_space<vmem>>, vector<10000x1xf32>,
    return
  }
}

module attributes {stable_mosaic.version = 14 : i64} {
  func.func @_tc_mid_body(%arg0: memref<2x10240x128xf32, #tpu.memory_space<vmem>>, %arg1: memref<10000x1xf32, #tpu.memory_space<vmem>>, %arg2: memref<1x128xf32, #tpu.memory_space<vmem>>, %arg3: memref<1x128xf32, #tpu.memory_space<vmem>>, %arg4: memref<1x128xf32, #tpu.memory_space<vmem>>, %arg5: memref<128x128xf32, #tpu.memory_space<vmem>>, %arg6: memref<10240x128xf32, #tpu.memory_space<vmem>>) attributes {dimension_semantics = [], scalar_prefetch = 0 : i64, scratch_operands = 0 : i64, tpu.core_type = #tpu.core_type<tc>} {
    %get3A = arith.constant 0 : index
    %get3A_0 = arith.constant 0 : index
    %get3A_1 = vector.load %arg1[%get3A, %get3A_0] : memref<10000x1xf32, #tpu.memory_space<vmem>>, vector<10000x1xf32>
    %get3A_2 = arith.constant 0 : index
    %get3A_3 = arith.constant 0 : index
    %get3A_4 = arith.constant 0 : index
    %get3A_5 = vector.load %arg0[%get3A_2, %get3A_3, %get3A_4] : memref<2x10240x128xf32, #tpu.memory_space<vmem>>, vector<1x10000x128xf32>
    %get3A_6 = vector.shape_cast %get3A_5 : vector<1x10000x128xf32> to vector<10000x128xf32>
    %get3A_7 = arith.constant 1 : index
    %get3A_8 = arith.constant 0 : index
    %get3A_9 = arith.constant 0 : index
    %get3A_10 = vector.load %arg0[%get3A_7, %get3A_8, %get3A_9] : memref<2x10240x128xf32, #tpu.memory_space<vmem>>, vector<1x10000x128xf32>
    %get3A_11 = vector.shape_cast %get3A_10 : vector<1x10000x128xf32> to vector<10000x128xf32>
    %add3A = arith.addf %get3A_6, %get3A_11 : vector<10000x128xf32>
    %mul3A = vector.broadcast %get3A_1 : vector<10000x1xf32> to vector<10000x128xf32>
    %mul3A_12 = arith.mulf %add3A, %mul3A : vector<10000x128xf32>
    %get3A_13 = arith.constant 0 : index
    %get3A_14 = arith.constant 0 : index
    %get3A_15 = vector.load %arg2[%get3A_13, %get3A_14] : memref<1x128xf32, #tpu.memory_space<vmem>>, vector<1x128xf32>
    %add3A_16 = vector.broadcast %get3A_15 : vector<1x128xf32> to vector<10000x128xf32>
    %add3A_17 = arith.addf %mul3A_12, %add3A_16 : vector<10000x128xf32>
    %max3A = arith.constant 0.000000e+00 : f32
    %max3A_18 = vector.broadcast %max3A : f32 to vector<10000x128xf32>
    %max3A_19 = arith.maximumf %add3A_17, %max3A_18 : vector<10000x128xf32>
    %reduce_sum3A = arith.constant dense<0.000000e+00> : vector<128xf32>
    %reduce_sum3A_20 = vector.multi_reduction <add>, %max3A_19, %reduce_sum3A [0] : vector<10000x128xf32> to vector<128xf32>
    %broadcast_in_dim3A = vector.shape_cast %reduce_sum3A_20 : vector<128xf32> to vector<1x128xf32>
    %div3A = arith.constant 1.000000e+04 : f32
    %div3A_21 = vector.broadcast %div3A : f32 to vector<1x128xf32>
    %div3A_22 = arith.divf %broadcast_in_dim3A, %div3A_21 : vector<1x128xf32>
    %sub3A = vector.broadcast %div3A_22 : vector<1x128xf32> to vector<10000x128xf32>
    %sub3A_23 = arith.subf %max3A_19, %sub3A : vector<10000x128xf32>
    %integer_pow3A = arith.mulf %sub3A_23, %sub3A_23 : vector<10000x128xf32>
    %reduce_sum3A_24 = arith.constant dense<0.000000e+00> : vector<128xf32>
    %reduce_sum3A_25 = vector.multi_reduction <add>, %integer_pow3A, %reduce_sum3A_24 [0] : vector<10000x128xf32> to vector<128xf32>
    %broadcast_in_dim3A_26 = vector.shape_cast %reduce_sum3A_25 : vector<128xf32> to vector<1x128xf32>
    %div3A_27 = arith.constant 1.000000e+04 : f32
    %div3A_28 = vector.broadcast %div3A_27 : f32 to vector<1x128xf32>
    %div3A_29 = arith.divf %broadcast_in_dim3A_26, %div3A_28 : vector<1x128xf32>
    %sub3A_30 = vector.broadcast %div3A_22 : vector<1x128xf32> to vector<10000x128xf32>
    %sub3A_31 = arith.subf %max3A_19, %sub3A_30 : vector<10000x128xf32>
    %add3A_32 = arith.constant 9.99999974E-6 : f32
    %add3A_33 = vector.broadcast %add3A_32 : f32 to vector<1x128xf32>
    %add3A_34 = arith.addf %div3A_29, %add3A_33 : vector<1x128xf32>
    %rsqrt3A = math.rsqrt %add3A_34 : vector<1x128xf32>
    %mul3A_35 = vector.broadcast %rsqrt3A : vector<1x128xf32> to vector<10000x128xf32>
    %mul3A_36 = arith.mulf %sub3A_31, %mul3A_35 : vector<10000x128xf32>
    %get3A_37 = arith.constant 0 : index
    %get3A_38 = arith.constant 0 : index
    %get3A_39 = vector.load %arg3[%get3A_37, %get3A_38] : memref<1x128xf32, #tpu.memory_space<vmem>>, vector<1x128xf32>
    %mul3A_40 = vector.broadcast %get3A_39 : vector<1x128xf32> to vector<10000x128xf32>
    %mul3A_41 = arith.mulf %mul3A_36, %mul3A_40 : vector<10000x128xf32>
    %get3A_42 = arith.constant 0 : index
    %get3A_43 = arith.constant 0 : index
    %get3A_44 = vector.load %arg4[%get3A_42, %get3A_43] : memref<1x128xf32, #tpu.memory_space<vmem>>, vector<1x128xf32>
    %add3A_45 = vector.broadcast %get3A_44 : vector<1x128xf32> to vector<10000x128xf32>
    %add3A_46 = arith.addf %mul3A_41, %add3A_45 : vector<10000x128xf32>
    %max3A_47 = arith.constant 0.000000e+00 : f32
    %max3A_48 = vector.broadcast %max3A_47 : f32 to vector<10000x128xf32>
    %max3A_49 = arith.maximumf %add3A_46, %max3A_48 : vector<10000x128xf32>
    %get3A_50 = arith.constant 0 : index
    %get3A_51 = arith.constant 0 : index
    %get3A_52 = vector.load %arg5[%get3A_50, %get3A_51] : memref<128x128xf32, #tpu.memory_space<vmem>>, vector<128x128xf32>
    %dot_general3A = arith.constant dense<0.000000e+00> : vector<10000x128xf32>
    %dot_general3A_53 = tpu.matmul %max3A_49, %get3A_52, %dot_general3A {dimension_numbers = #tpu.dot_dimension_numbers<[1], [0], [0], [1], [0, 0, 1, 1], [], []>, transpose_lhs_hint = false} : vector<10000x128xf32>, vector<128x128xf32>, vector<10000x128xf32> -> vector<10000x128xf32>
    %mul3A_54 = vector.broadcast %get3A_1 : vector<10000x1xf32> to vector<10000x128xf32>
    %mul3A_55 = arith.mulf %dot_general3A_53, %mul3A_54 : vector<10000x128xf32>
    %swap3A = arith.constant 0 : index
    %swap3A_56 = arith.constant 0 : index
    %swap3A_57 = vector.load %arg6[%swap3A, %swap3A_56] : memref<10240x128xf32, #tpu.memory_space<vmem>>, vector<10000x128xf32>
    tpu.vector_store %arg6[%swap3A, %swap3A_56], %mul3A_55 {strides = array<i32>} : memref<10240x128xf32, #tpu.memory_space<vmem>>, vector<10000x128xf32>,
    %broadcast_in_dim3A_58 = arith.constant 0.000000e+00 : f32
    %broadcast_in_dim3A_59 = vector.broadcast %broadcast_in_dim3A_58 : f32 to vector<240x128xf32>
    %swap3A_60 = arith.constant 10000 : index
    %swap3A_61 = arith.constant 0 : index
    %swap3A_62 = vector.load %arg6[%swap3A_60, %swap3A_61] : memref<10240x128xf32, #tpu.memory_space<vmem>>, vector<240x128xf32>
    tpu.vector_store %arg6[%swap3A_60, %swap3A_61], %broadcast_in_dim3A_59 {strides = array<i32>} : memref<10240x128xf32, #tpu.memory_space<vmem>>, vector<240x128xf32>,
    return
  }
}

module attributes {stable_mosaic.version = 14 : i64} {
  func.func @_tc_out_body(%arg0: memref<2x10240x128xf32, #tpu.memory_space<vmem>>, %arg1: memref<10000x1xf32, #tpu.memory_space<vmem>>, %arg2: memref<1x128xf32, #tpu.memory_space<vmem>>, %arg3: memref<1x128xf32, #tpu.memory_space<vmem>>, %arg4: memref<1x128xf32, #tpu.memory_space<vmem>>, %arg5: memref<128x20xf32, #tpu.memory_space<vmem>>, %arg6: memref<1x20xf32, #tpu.memory_space<vmem>>, %arg7: memref<10000x20xf32, #tpu.memory_space<vmem>>) attributes {dimension_semantics = [], scalar_prefetch = 0 : i64, scratch_operands = 0 : i64, tpu.core_type = #tpu.core_type<tc>} {
    %get3A = arith.constant 0 : index
    %get3A_0 = arith.constant 0 : index
    %get3A_1 = vector.load %arg1[%get3A, %get3A_0] : memref<10000x1xf32, #tpu.memory_space<vmem>>, vector<10000x1xf32>
    %get3A_2 = arith.constant 0 : index
    %get3A_3 = arith.constant 0 : index
    %get3A_4 = arith.constant 0 : index
    %get3A_5 = vector.load %arg0[%get3A_2, %get3A_3, %get3A_4] : memref<2x10240x128xf32, #tpu.memory_space<vmem>>, vector<1x10000x128xf32>
    %get3A_6 = vector.shape_cast %get3A_5 : vector<1x10000x128xf32> to vector<10000x128xf32>
    %get3A_7 = arith.constant 1 : index
    %get3A_8 = arith.constant 0 : index
    %get3A_9 = arith.constant 0 : index
    %get3A_10 = vector.load %arg0[%get3A_7, %get3A_8, %get3A_9] : memref<2x10240x128xf32, #tpu.memory_space<vmem>>, vector<1x10000x128xf32>
    %get3A_11 = vector.shape_cast %get3A_10 : vector<1x10000x128xf32> to vector<10000x128xf32>
    %add3A = arith.addf %get3A_6, %get3A_11 : vector<10000x128xf32>
    %mul3A = vector.broadcast %get3A_1 : vector<10000x1xf32> to vector<10000x128xf32>
    %mul3A_12 = arith.mulf %add3A, %mul3A : vector<10000x128xf32>
    %get3A_13 = arith.constant 0 : index
    %get3A_14 = arith.constant 0 : index
    %get3A_15 = vector.load %arg2[%get3A_13, %get3A_14] : memref<1x128xf32, #tpu.memory_space<vmem>>, vector<1x128xf32>
    %add3A_16 = vector.broadcast %get3A_15 : vector<1x128xf32> to vector<10000x128xf32>
    %add3A_17 = arith.addf %mul3A_12, %add3A_16 : vector<10000x128xf32>
    %max3A = arith.constant 0.000000e+00 : f32
    %max3A_18 = vector.broadcast %max3A : f32 to vector<10000x128xf32>
    %max3A_19 = arith.maximumf %add3A_17, %max3A_18 : vector<10000x128xf32>
    %reduce_sum3A = arith.constant dense<0.000000e+00> : vector<128xf32>
    %reduce_sum3A_20 = vector.multi_reduction <add>, %max3A_19, %reduce_sum3A [0] : vector<10000x128xf32> to vector<128xf32>
    %broadcast_in_dim3A = vector.shape_cast %reduce_sum3A_20 : vector<128xf32> to vector<1x128xf32>
    %div3A = arith.constant 1.000000e+04 : f32
    %div3A_21 = vector.broadcast %div3A : f32 to vector<1x128xf32>
    %div3A_22 = arith.divf %broadcast_in_dim3A, %div3A_21 : vector<1x128xf32>
    %sub3A = vector.broadcast %div3A_22 : vector<1x128xf32> to vector<10000x128xf32>
    %sub3A_23 = arith.subf %max3A_19, %sub3A : vector<10000x128xf32>
    %integer_pow3A = arith.mulf %sub3A_23, %sub3A_23 : vector<10000x128xf32>
    %reduce_sum3A_24 = arith.constant dense<0.000000e+00> : vector<128xf32>
    %reduce_sum3A_25 = vector.multi_reduction <add>, %integer_pow3A, %reduce_sum3A_24 [0] : vector<10000x128xf32> to vector<128xf32>
    %broadcast_in_dim3A_26 = vector.shape_cast %reduce_sum3A_25 : vector<128xf32> to vector<1x128xf32>
    %div3A_27 = arith.constant 1.000000e+04 : f32
    %div3A_28 = vector.broadcast %div3A_27 : f32 to vector<1x128xf32>
    %div3A_29 = arith.divf %broadcast_in_dim3A_26, %div3A_28 : vector<1x128xf32>
    %sub3A_30 = vector.broadcast %div3A_22 : vector<1x128xf32> to vector<10000x128xf32>
    %sub3A_31 = arith.subf %max3A_19, %sub3A_30 : vector<10000x128xf32>
    %add3A_32 = arith.constant 9.99999974E-6 : f32
    %add3A_33 = vector.broadcast %add3A_32 : f32 to vector<1x128xf32>
    %add3A_34 = arith.addf %div3A_29, %add3A_33 : vector<1x128xf32>
    %rsqrt3A = math.rsqrt %add3A_34 : vector<1x128xf32>
    %mul3A_35 = vector.broadcast %rsqrt3A : vector<1x128xf32> to vector<10000x128xf32>
    %mul3A_36 = arith.mulf %sub3A_31, %mul3A_35 : vector<10000x128xf32>
    %get3A_37 = arith.constant 0 : index
    %get3A_38 = arith.constant 0 : index
    %get3A_39 = vector.load %arg3[%get3A_37, %get3A_38] : memref<1x128xf32, #tpu.memory_space<vmem>>, vector<1x128xf32>
    %mul3A_40 = vector.broadcast %get3A_39 : vector<1x128xf32> to vector<10000x128xf32>
    %mul3A_41 = arith.mulf %mul3A_36, %mul3A_40 : vector<10000x128xf32>
    %get3A_42 = arith.constant 0 : index
    %get3A_43 = arith.constant 0 : index
    %get3A_44 = vector.load %arg4[%get3A_42, %get3A_43] : memref<1x128xf32, #tpu.memory_space<vmem>>, vector<1x128xf32>
    %add3A_45 = vector.broadcast %get3A_44 : vector<1x128xf32> to vector<10000x128xf32>
    %add3A_46 = arith.addf %mul3A_41, %add3A_45 : vector<10000x128xf32>
    %max3A_47 = arith.constant 0.000000e+00 : f32
    %max3A_48 = vector.broadcast %max3A_47 : f32 to vector<10000x128xf32>
    %max3A_49 = arith.maximumf %add3A_46, %max3A_48 : vector<10000x128xf32>
    %get3A_50 = arith.constant 0 : index
    %get3A_51 = arith.constant 0 : index
    %get3A_52 = vector.load %arg5[%get3A_50, %get3A_51] : memref<128x20xf32, #tpu.memory_space<vmem>>, vector<128x20xf32>
    %dot_general3A = arith.constant dense<0.000000e+00> : vector<10000x20xf32>
    %dot_general3A_53 = tpu.matmul %max3A_49, %get3A_52, %dot_general3A {dimension_numbers = #tpu.dot_dimension_numbers<[1], [0], [0], [1], [0, 0, 1, 1], [], []>, transpose_lhs_hint = false} : vector<10000x128xf32>, vector<128x20xf32>, vector<10000x20xf32> -> vector<10000x20xf32>
    %get3A_54 = arith.constant 0 : index
    %get3A_55 = arith.constant 0 : index
    %get3A_56 = vector.load %arg6[%get3A_54, %get3A_55] : memref<1x20xf32, #tpu.memory_space<vmem>>, vector<1x20xf32>
    %add3A_57 = vector.broadcast %get3A_56 : vector<1x20xf32> to vector<10000x20xf32>
    %add3A_58 = arith.addf %dot_general3A_53, %add3A_57 : vector<10000x20xf32>
    %swap3A = arith.constant 0 : index
    %swap3A_59 = arith.constant 0 : index
    %swap3A_60 = vector.load %arg7[%swap3A, %swap3A_59] : memref<10000x20xf32, #tpu.memory_space<vmem>>, vector<10000x20xf32>
    tpu.vector_store %arg7[%swap3A, %swap3A_59], %add3A_58 {strides = array<i32>} : memref<10000x20xf32, #tpu.memory_space<vmem>>, vector<10000x20xf32>,
    return
  }
}

</mosaic_0001>

<sc_bundles>
// kernel: kernel.11.cloned.1.call-start
scs
__scs_entry_jumppad:
0x0: {  	(pc) =	sbr.rel $0x88, $3  }
0x1: {  	(tag) =	ssettag $0x0;
	lr =	simm.s32 $0x1  }
0x2: {  	[smem:$0x3F94] =	sst lr;
	_ =	strace $0xD0000000  }
0x3: {  	_ = 	snop  }
0x4: {  	_ = 	snop  }
0x5: {  	_ = 	snop  }
0x6: {  	_ = 	snop  }
0x7: {  	_ = 	snop  }
__scs_overlays_trampoline_lowered:
0x8: {  	[smem:$0x3FA3] =	sst s0  }
0x9: {  	[smem:$0x3FA4] =	sst s1  }
0xa: {  	[smem:$0x3FA5] =	sst s2  }
0xb: {  	[smem:$0x3FA6] =	sst s3  }
0xc: {  	[smem:$0x3FA7] =	sst s4  }
0xd: {  	[smem:$0x3FA8] =	sst s5  }
0xe: {  	[smem:$0x3FA9] =	sst s6  }
0xf: {  	[smem:$0x3FAA] =	sst s7  }
0x10: {  	[smem:$0x3FAB] =	sst s8  }
0x11: {  	[smem:$0x3FAC] =	sst s9;
	s0 =	simm.s32 @!p0 $0x0  }
0x12: {  	s1 =	sld [smem:$0x3F92];
	s0 =	simm.s32 @p0 $0x1  }
0x13: {  	[smem:$0x3FAD] =	sst s0;
	s0 =	simm.s32 @!p1 $0x0  }
0x14: {  	s2 =	sld [smem:$0x3F91];
	s0 =	simm.s32 @p1 $0x1  }
0x15: {  	[smem:$0x3FAE] =	sst s0;
	s0 =	simm.s32 @!p2 $0x0  }
0x16: {  	s3 =	sld [smem:$0x3FDB];
	s0 =	simm.s32 @p2 $0x1  }
0x17: {  	s4 =	simm.s32 $0x1BF5;
	[smem:$0x3FB0] =	sst s0  }
0x18: {  	s0 =	sld [smem:$0x3F93];
	_ =	swait.ge [sflag:s4], $0x0  }
0x19: {  	s7 =	sld [smem:$0x3F94]  }
0x1a: {  	s8 =	sadd.s32 $0xFFFFE003, lr  }
0x1b: {  	s9 =	sadd.s32 $0xFFFFFEF7, lr;
	s5 =	simm.s32 $0xFFFFFFFF;
	p2 =	slt.u32 s8, $0xFFFFF086  }
0x1c: {  	p1 =	slt.u32 s9, $0xF7A;
	s5 =	simm.s32 @!p2 $0x0  }
0x1d: {  	s5 =	simm.s32 @p1 $0x1;
	p0 =	seq.s32 s7, s2  }
0x1e: {  	s7 =	smul.u32 @!p0 $0xF7A, s2;
	p2 =	seq.s32 @!p0 s5, $0x0  }
0x1f: {  	s9 =	smul.u32 $0xF7A, s1;
	s8 =	simm.s32 @!p0 $0x1BF5;
	p2 =	por !p2, p0  }
0x20: {  	[sflag:s8] =	ssyncset.s32 @!p0 $0xFFFFF086;
	s6 =	sadd.s32 @!p0 s3, s7;
	s7 =	simm.s32 @!p0 $0x108  }
0x21: {  	s3 =	sadd.s32 s3, s9;
	s6 =	sadd.s32 @!p0 $0x88, s6;
	s7 =	simm.s32 @p2 $0x1082  }
0x22: {  	[simem:s7], [sflag:s8] =	dma.local @!p0 [hbm:s6], $0xF7A  }
0x23: {  	s9 =	sor.u32 $0xD0000000, s2;
	s6 =	simm.s32 $0x108;
	_ =	swait.ge @!p0 [sflag:s8], $0x0  }
0x24: {  	s3 =	sadd.s32 $0x88, s3;
	s6 =	simm.s32 @!p1 $0x1082;
	[sflag:s4] =	ssyncset.s32 $0xFFFFF086  }
0x25: {  	[simem:s6], [sflag:s4] =	dma.local [hbm:s3], $0xF7A  }
0x26: {  	[smem:$0x3F94] =	sst s1;
	(tag) =	ssettag s2;
	_ =	strace s9  }
0x27: {  	s1 =	sld [smem:$0x3FA4]  }
0x28: {  	s2 =	sld [smem:$0x3FA5]  }
0x29: {  	s4 =	sld [smem:$0x3FA7]  }
0x2a: {  	p0 =	seq.s32 s5, $0x0;
	s5 =	sld [smem:$0x3FA8]  }
0x2b: {  	s6 =	sld [smem:$0x3FA9]  }
0x2c: {  	s7 =	sld [smem:$0x3FAA]  }
0x2d: {  	s3 =	simm.s32 $0x108;
	s8 =	sld [smem:$0x3FAB]  }
0x2e: {  	s3 =	simm.s32 @!p0 $0x1082;
	s9 =	sld [smem:$0x3FAC]  }
0x2f: {  	lr =	sadd.s32 s0, s3;
	s0 =	sld [smem:$0x3FA3]  }
0x30: {  	s3 =	sld [smem:$0x3FA6]  }
0x31: {  	[smem:$0x3FAF] =	sst s10  }
0x32: {  	s10 =	sld [smem:$0x3FAD];
	_ =	sdelay $0x3  }
0x33: {  	p0 =	seq.s32 s10, $0x1;
	s10 =	sld [smem:$0x3FAF];
	_ =	sdelay $0x3  }
0x34: {  	[smem:$0x3FAF] =	sst s10  }
0x35: {  	s10 =	sld [smem:$0x3FAE];
	_ =	sdelay $0x3  }
0x36: {  	p1 =	seq.s32 s10, $0x1;
	s10 =	sld [smem:$0x3FAF];
	_ =	sdelay $0x3  }
0x37: {  	[smem:$0x3FAF] =	sst s10  }
0x38: {  	s10 =	sld [smem:$0x3FB0]  }
0x39: {  	_ = 	snop;
	(pc) =	sbr.ind lr, $3  }
0x3a: {  	_ = 	snop  }
0x3b: {  	_ = 	snop  }
0x3c: {  	p2 =	seq.s32 s10, $0x1;
	s10 =	sld [smem:$0x3FAF]  }
0x3d: {  	_ =	shalt  }
0x3e: {  	_ =	shalt  }
0x3f: {  	_ =	shalt  }
0x40: {  	_ =	shalt  }
0x41: {  	_ =	shalt  }
0x42: {  	_ =	shalt  }
0x43: {  	_ =	shalt  }
0x44: {  	_ =	shalt  }
0x45: {  	_ =	shalt  }
0x46: {  	_ =	shalt  }
0x47: {  	_ =	shalt  }
0x48: {  	_ =	shalt  }
0x49: {  	_ =	shalt  }
0x4a: {  	_ =	shalt  }
0x4b: {  	_ =	shalt  }
0x4c: {  	_ =	shalt  }
0x4d: {  	_ =	shalt  }
0x4e: {  	_ =	shalt  }
0x4f: {  	_ =	shalt  }
0x50: {  	_ =	shalt  }
0x51: {  	_ =	shalt  }
0x52: {  	_ =	shalt  }
0x53: {  	_ =	shalt  }
0x54: {  	_ =	shalt  }
0x55: {  	_ =	shalt  }
0x56: {  	_ =	shalt  }
0x57: {  	_ =	shalt  }
0x58: {  	_ =	shalt  }
0x59: {  	_ =	shalt  }
0x5a: {  	_ =	shalt  }
0x5b: {  	_ =	shalt  }
0x5c: {  	_ =	shalt  }
0x5d: {  	_ =	shalt  }
0x5e: {  	_ =	shalt  }
0x5f: {  	_ =	shalt  }
0x60: {  	_ =	shalt  }
0x61: {  	_ =	shalt  }
0x62: {  	_ =	shalt  }
0x63: {  	_ =	shalt  }
0x64: {  	_ =	shalt  }
0x65: {  	_ =	shalt  }
0x66: {  	_ =	shalt  }
0x67: {  	_ =	shalt  }
0x68: {  	_ =	shalt  }
0x69: {  	_ =	shalt  }
0x6a: {  	_ =	shalt  }
0x6b: {  	_ =	shalt  }
0x6c: {  	_ =	shalt  }
0x6d: {  	_ =	shalt  }
0x6e: {  	_ =	shalt  }
0x6f: {  	_ =	shalt  }
0x70: {  	_ =	shalt  }
0x71: {  	_ =	shalt  }
0x72: {  	_ =	shalt  }
0x73: {  	_ =	shalt  }
0x74: {  	_ =	shalt  }
0x75: {  	_ =	shalt  }
0x76: {  	_ =	shalt  }
0x77: {  	_ =	shalt  }
0x78: {  	_ =	shalt  }
0x79: {  	_ =	shalt  }
0x7a: {  	_ =	shalt  }
0x7b: {  	_ =	shalt  }
0x7c: {  	_ =	shalt  }
0x7d: {  	_ =	shalt  }
0x7e: {  	_ =	shalt  }
0x7f: {  	_ =	shalt  }
0x80: {  	_ =	shalt  }
0x81: {  	_ =	shalt  }
0x82: {  	_ =	shalt  }
0x83: {  	_ =	shalt  }
0x84: {  	_ =	shalt  }
0x85: {  	_ =	shalt  }
0x86: {  	_ =	shalt  }
0x87: {  	_ =	shalt  }
.Lfunc_end0:
.L_simem_size_0:
called_computation.1_lowered:
.L_overlay_start_0:
0x88: {  	s2 =	sld [smem:$0x3FD9]  }
0x89: {  	s3 =	sld [smem:$0x3FFE];
	_ =	sdelay $0x1  }
0x8a: {  	s1 =	srdreg.scid  }
0x8b: {  	s0 =	sand.u32 $0x1, s1  }
0x8c: {  	s16 =	sshll.u32 s0, $0xA;
	s2 =	sadd.s32 s3, s2  }
0x8d: {  	s2 =	sadd.s32 s2, s16  }
0x8e: {  	[smem:$0x3FBB] =	sst s2  }
0x8f: {  	_ = 	snop  }
0x90: {  	(tm) =	ssettm $0x1  }
0x91: {  	s17 =	sld [smem:$0x3FFB];
	_ =	sdelay $0x3  }
0x92: {  	_ =	strace s17  }
0x93: {  	s2 =	sld [smem:$0x3FFC];
	_ =	sdelay $0x3  }
0x94: {  	_ =	strace s2  }
0x95: {  	s2 =	sld [smem:$0x3FFD];
	_ =	sdelay $0x3  }
0x96: {  	_ =	strace s2  }
0x97: {  	_ =	strace $0x8FFFFFFF  }
0x98: {  	s18 =	sld [smem:$0x3FDB];
	_ =	sdelay $0x1  }
0x99: {  	s19 =	simm.s32 $_scs_section_size  }
0x9a: {  	s4 =	simm.s32 $_size__tile_overlayer_lowered;
	s5 =	simm.s32 $_tile_overlayer_lowered  }
0x9b: {  	s22 =	simm.s32 $0x1BFF;
	s21 =	sshll.u32 s5, $0x1;
	s2 =	sadd.s32 s19, s18  }
0x9c: {  	s6 =	simm.s32 $0x0;
	s20 =	sshll.u32 s4, $0x1;
	s4 =	sadd.s32 s21, s2  }
0x9d: {  	[timem:s6], [sflag:s22] =	dma.local [hbm:s4], s20  }
0x9e: {  	_ =	swait.ge [sflag:s22], s20  }
0x9f: {  	s3 =	ssub.s32 $0x0, s20;
	[sflag:s22] =	ssyncset.done $0x0  }
0xa0: {  	[sflag:s22] =	ssyncadd.s32 s3;
	_ =	sdelay $0x1  }
0xa1: {  	s23 =	simm.s32 $0x1B8B  }
0xa2: {  	_ =	swait.ge [sflag:s23], $0x1  }
0xa3: {  	[sflag:s23] =	ssyncset.done $0x0  }
0xa4: {  	s25 =	simm.s32 $0x1B8E;
	s24 =	sld [smem:$0x3FFE];
	[sflag:s23] =	ssyncadd.s32 $0xFFFFFFFF  }
0xa5: {  	s26 =	simm.s32 $execute0_lowered;
	[smem:$0x3FD2] =	sst s25  }
0xa6: {  	s4 =	sshll.u32 s26, $0x1;
	_ =	strace $0x80000049;
	[dreg:$0x1] =	wrdreg $0xFFFFFFFF  }
0xa7: {  	s28 =	simm.s32 $_size_execute0_lowered;
	s2 =	sadd.s32 s2, s4;
	[dreg:$0x0] =	wrdreg $0x0  }
0xa8: {  	s4 =	sshll.u32 s28, $0x1;
	[dreg:$0x2] =	wrdreg s2  }
0xa9: {  	[dreg:$0x3] =	wrdreg s4  }
0xaa: {  	[dreg:$0x4] =	wrdreg $0xC0  }
0xab: {  	_ =	task [dreg:s6], $0x5FFFF  }
0xac: {  	[dreg:$0x1] =	wrdreg $0xFFFFFFFF  }
0xad: {  	[dreg:$0x0] =	wrdreg $0x60  }
0xae: {  	[dreg:$0x2] =	wrdreg s24  }
0xaf: {  	[dreg:$0x3] =	wrdreg $0xA8000  }
0xb0: {  	[dreg:$0x4] =	wrdreg $0x9  }
0xb1: {  	_ =	task.clear_ibuf [dreg:s6], $0x5FFFF;
	_ =	strace $0x90000049  }
0xb2: {  	s29 =	simm.s32 $0x9;
	_ =	strace $0x8000004B  }
0xb3: {  	_ =	swait.ge [sflag:s29], $0x1  }
0xb4: {  	[sflag:s29] =	ssyncadd.s32 $0xFFFFFFFF  }
0xb5: {  	_ =	strace $0x9000004B  }
0xb6: {  	_ =	sfence  }
0xb7: {  	s30 =	sld [smem:$0x0];
	_ =	sdelay $0x2  }
0xb8: {  	s31 =	sshll.u32 s1, $0xD;
	s1 =	sshrl.u32 s1, $0x2  }
0xb9: {  	s3 =	sand.u32 $0x4000, s31;
	s1 =	sadd.s32 s1, s30  }
0xba: {  	s0 =	sor.u32 s3, s0;
	s1 =	sshll.u32 s1, $0x11  }
0xbb: {  	s0 =	sor.u32 s1, s0  }
0xbc: {  	s0 =	sadd.s32 $0x8F2B, s0  }
0xbd: {  	[sflag:s0] =	ssyncadd.remote.s32 $0x1  }
0xbe: {  	_ =	sfence.sel $0xFFFF  }
0xbf: {  	[dreg:$0x0] =	wrdreg $0xFFFFFFFF;
	(pc) =	sbr.abs _section_cstart, $3  }
0xc0: {  	[dreg:$0x1] =	wrdreg $0xFFFFFFFF  }
0xc1: {  	_ =	task.clear_ibuf [dreg:s6], $0x2FFFF;
	_ =	strace $0x9FFFFFFF  }
0xc2: {  	(tm) =	ssettm $0x7FFFFFFF  }
0xc3: {  	_ =	shalt  }
tec
execute0_lowered:
.L_overlay_start_1:
0x0: {  	(tag) =	ssettag $0x1  }
0x1: {  	s1 =	srdreg.scid;
	s8 =	rddreg [dreg:$0x0]  }
0x2: {  	s0 =	stileid.u32;
	s2 =	rddreg [dreg:$0x1]  }
0x3: {  	s3 =	simm.s32 $0x0;
	s17 =	simm.s32 $0x2800;
	s18 =	simm.s32 $0x2  }
0x4: {  	s19 =	simm.s32 $0x1;
	s21 =	simm.s32 $0x3;
	s22 =	simm.s32 $0x1400  }
0x5: {  	s23 =	simm.s32 $0x0;
	s5 =	sand.u32 $0x1, s1;
	s7 =	smul.u32 $0x14000, s0  }
0x6: {  	s26 =	sshll.u32 s0, $0x1;
	s1 =	rddreg [dreg:$0x2];
	s29 =	smul.u32 $0x50000, s0  }
0x7: {  	[smem:$0x7FF] =	sst s3;
	s13 =	sadd.s32 $0x16E00, s8;
	s14 =	smul.u32 $0x2800, s0  }
0x8: {  	s20 =	sshll.u32 s0, $0x6;
	s15 =	sor.u32 s5, s26;
	s6 =	smul.u32 $0x140000, s5  }
0x9: {  	_ =	strace $0x8000004A;
	s28 =	ssub.s32 $0x2, s5;
	p0 =	seq.s32 s5, $0x0  }
0xa: {  	s4 =	smul.u32 $0x2800, s15;
	s30 =	sshrl.u32 s28, $0x1;
	s31 =	sshrl.u32 s29, $0x2  }
0xb: {  	s6 =	sadd.s32 s7, s6;
	s12 =	ssub.s32 s28, s30;
	s16 =	sadd.s32 s31, s2  }
0xc: {  	s7 =	sadd.s32 $0xCF00, s8;
	s9 =	sshrl.u32 s4, $0x3;
	s4 =	sadd.s32 $0x3EE00, s8  }
0xd: {  	s6 =	sshrl.u32 s6, $0x3;
	s12 =	smax.u32 s12, $0x1;
	s10 =	sadd.s32 s9, s8  }
.Ltmp0:
0xe: {  	s11 =	sadd.s32 s6, s8;
	s8 =	sadd.s32 $0x16B80, s8;
	(pc) =	sbr.rel .LBB2_1-.Ltmp0, $4  }
0xf: {  	s13 =	smov.u32 @p0 s4;
	p0 =	seq.s32 s15, $0x1F;
	s15 =	sshrl.u32 s16, $0x3  }
0x10: {  	s16 =	simm.s32 $0x80;
	s5 =	sadd.s32 $0x3400, s10;
	s6 =	sadd.s32 $0xD080, s10  }
0x11: {  	s9 =	sadd.s32 $0x3680, s10;
	s10 =	sadd.s32 $0xD300, s10;
	s11 =	sadd.s32 $0x66E00, s11  }
0x12: {  	s13 =	sadd.s32 s13, s14;
	s14 =	sor.u32 $0x1C02, s20;
	s20 =	sor.u32 $0x1C03, s20  }
.LBB2_12:
0x13: {  	_ =	swait.ge [sflag:s18], $0x4000  }
0x14: {  	s23 =	sadd.s32 $0x1, s23;
	[sflag:s18] =	ssyncset.done $0x0  }
0x15: {  	p1 =	sne.s32 s23, s12;
	[sflag:s18] =	ssyncadd.s32 $0xFFFFC000  }
.Ltmp1:
0x16: {  	[bflag:$0x0] =	sbarrier.arrive $0xFFFF;
	(pc) =	sbr.rel @!p1 .LBB2_13-.Ltmp1, $4  }
0x17: {  	[hbm:s11], [sflag:s20] =	dma.local [spmem:s15], $0x2800  }
0x18: {  	_ =	swait.ge [sflag:s21], $0x2800  }
0x19: {  	[sflag:s21] =	ssyncset.done $0x0  }
0x1a: {  	[sflag:s21] =	ssyncadd.s32 $0xFFFFD800  }
.LBB2_1:
0x1b: {  	[spmem:s15], [sflag:s14] =	dma.local [hbm:s13], $0x2800  }
0x1c: {  	s24 =	simm.s32 @p0 $0x0;
	s25 =	simm.s32 @p0 $0x3  }
0x1d: {  	[tilespmem:s24], [sflag:$0x3] =	stream.linear.gather @p0 [hbm4b:s7+s24], $0xA00, $0x38;
	[tilespmem:$0x1E800] =	vst v63  }
0x1e: {  	_ =	swait.ge @p0 [sflag:s25], $0xA00  }
0x1f: {  	[sflag:s25] =	ssyncset.done @p0 $0x0  }
0x20: {  	s26 =	simm.s32 @p0 $0x1400;
	[sflag:s25] =	ssyncadd.s32 @p0 $0xFFFFF600  }
0x21: {  	[tilespmem:s26], [sflag:$0x3] =	stream.linear.gather @p0 [hbm4b:s8+s24], $0xA00, $0x38;
	[tilespmem:$0x1E800] =	vst v63  }
0x22: {  	_ =	swait.ge @p0 [sflag:s25], $0xA00  }
0x23: {  	[sflag:s25] =	ssyncset.done @p0 $0x0  }
0x24: {  	s24 =	simm.s32 @!p0 $0x0;
	[sflag:s25] =	ssyncadd.s32 @p0 $0xFFFFF600;
	s25 =	simm.s32 @!p0 $0x3  }
0x25: {  	[tilespmem:s24], [sflag:$0x3] =	stream.linear.gather @!p0 [hbm4b:s5+s24], $0x1400, $0x38;
	[tilespmem:$0x1E800] =	vst v63  }
0x26: {  	_ =	swait.ge @!p0 [sflag:s25], $0x1400  }
0x27: {  	[sflag:s25] =	ssyncset.done @!p0 $0x0  }
0x28: {  	s26 =	simm.s32 @!p0 $0x1400;
	[sflag:s25] =	ssyncadd.s32 @!p0 $0xFFFFEC00  }
0x29: {  	[tilespmem:s26], [sflag:$0x3] =	stream.linear.gather @!p0 [hbm4b:s6+s24], $0x1400, $0x38;
	[tilespmem:$0x1E800] =	vst v63  }
0x2a: {  	_ =	swait.ge @!p0 [sflag:s25], $0x1400  }
0x2b: {  	[sflag:s25] =	ssyncset.done @!p0 $0x0  }
0x2c: {  	[sflag:s25] =	ssyncadd.s32 @!p0 $0xFFFFEC00  }
0x2d: {  	[tilespmem:s17], [sflag:$0x1] =	stream.indirect.gather [hbm4b:s4+s16], $0x80, s3, s16, $0xb8;
	[tilespmem:$0x1E800] =	vst v63  }
.Ltmp2:
0x2e: {  	_ =	swait.ge [sflag:s18], $0x2800;
	(pc) =	sbr.rel @p0 .LBB2_9-.Ltmp2, $4  }
.Ltmp3:
0x2f: {  	[sflag:s18] =	ssyncset.done $0x0;
	(pc) =	sbr.rel @!p0 .LBB2_2-.Ltmp3, $4  }
0x30: {  	[sflag:s18] =	ssyncadd.s32 $0xFFFFD800  }
0x31: {  	[bflag:$0x0] =	sbarrier.arrive $0xFFFF  }
0x32: {  	s24 =	simm.s32 $0x0;
	s25 =	simm.s32 $0x0  }
0x33: {  	_ = 	snop  }
.LBB2_11:
0x34: {  	s26 =	sshll.u32 s25, $0xE;
	p1 =	slt.u32 s24, $0x14  }
.Ltmp4:
0x35: {  	_ =	swait.ge [sflag:s19], $0x4000;
	s31 =	sshll.u32 s25, $0x7;
	(pc) =	sbr.rel @!p1 .LBB2_12-.Ltmp4, $4  }
0x36: {  	s26 =	sand.u32 $0x4000, s26;
	[sflag:s19] =	ssyncset.done $0x0;
	s25 =	sand.u32 $0x3FFFFF80, s31  }
0x37: {  	s26 =	sor.u32 $0x2800, s26;
	[sflag:s19] =	ssyncadd.s32 $0xFFFFC000;
	s25 =	sadd.s32 $0x1400, s25  }
0x38: {  	[spmem:s2] =	stream.indirect.scatter.add.f32 [tilespmem:s26], [sflag:$0x2], $0x80, s25, s16, $0xb8;
	[tilespmem:$0x1E800] =	vst v63  }
0x39: {  	s25 =	smov.u32 s24  }
.LBB2_9:
0x3a: {  	p1 =	seq.s32 s25, $0x0  }
0x3b: {  	p2 =	seq.s32 @!p1 s25, $0x13  }
0x3c: {  	p2 =	por p1, !p2  }
.Ltmp5:
0x3d: {  	_ = 	snop;
	(pc) =	sbr.rel @!p2 .LBB2_11-.Ltmp5, $4  }
0x3e: {  	s24 =	simm.s32 @!p1 $0x2  }
0x3f: {  	_ =	swait.ge @!p1 [sflag:s24], $0x4000  }
0x40: {  	[sflag:s24] =	ssyncset.done @!p1 $0x0  }
0x41: {  	[sflag:s24] =	ssyncadd.s32 @!p1 $0xFFFFC000;
	s24 =	simm.s32 @!p1 $0x14  }
0x42: {  	s24 =	sadd.s32 @!p1 $0x1, s25  }
.Ltmp6:
0x43: {  	s24 =	simm.s32 @p1 $0x1;
	(pc) =	sbr.rel .LBB2_11-.Ltmp6, $4  }
0x44: {  	s26 =	sshll.u32 s24, $0xE  }
0x45: {  	s28 =	sshll.u32 s24, $0x7;
	s26 =	sand.u32 $0x4000, s26  }
0x46: {  	s28 =	sand.u32 $0x3FFFFF80, s28;
	s26 =	sor.u32 $0x2800, s26  }
0x47: {  	[tilespmem:s26], [sflag:$0x1] =	stream.indirect.gather [hbm4b:s4+s16], $0x80, s28, s16, $0xb8;
	[tilespmem:$0x1E800] =	vst v63  }
.LBB2_4:
0x48: {  	s26 =	sshll.u32 s24, $0xE;
	p1 =	slt.u32 s25, $0x28  }
.Ltmp7:
0x49: {  	_ =	swait.ge [sflag:s19], $0x4000;
	s31 =	sshll.u32 s24, $0x7;
	(pc) =	sbr.rel @!p1 .LBB2_5-.Ltmp7, $4  }
0x4a: {  	s26 =	sand.u32 $0x4000, s26;
	[sflag:s19] =	ssyncset.done $0x0;
	s24 =	sand.u32 $0x3FFFFF80, s31  }
0x4b: {  	s26 =	sor.u32 $0x2800, s26;
	[sflag:s19] =	ssyncadd.s32 $0xFFFFC000;
	s24 =	sadd.s32 $0x1400, s24  }
0x4c: {  	[spmem:s2] =	stream.indirect.scatter.add.f32 [tilespmem:s26], [sflag:$0x2], $0x80, s24, s16, $0xb8;
	[tilespmem:$0x1E800] =	vst v63  }
0x4d: {  	s24 =	smov.u32 s25  }
.LBB2_2:
0x4e: {  	p1 =	seq.s32 s24, $0x0  }
0x4f: {  	p2 =	seq.s32 @!p1 s24, $0x27  }
0x50: {  	p2 =	por p1, !p2  }
.Ltmp8:
0x51: {  	_ = 	snop;
	(pc) =	sbr.rel @!p2 .LBB2_4-.Ltmp8, $4  }
0x52: {  	s25 =	simm.s32 @!p1 $0x2  }
0x53: {  	_ =	swait.ge @!p1 [sflag:s25], $0x4000  }
0x54: {  	[sflag:s25] =	ssyncset.done @!p1 $0x0  }
0x55: {  	[sflag:s25] =	ssyncadd.s32 @!p1 $0xFFFFC000;
	s25 =	simm.s32 @!p1 $0x28  }
0x56: {  	s25 =	sadd.s32 @!p1 $0x1, s24  }
.Ltmp9:
0x57: {  	s25 =	simm.s32 @p1 $0x1;
	(pc) =	sbr.rel .LBB2_4-.Ltmp9, $4  }
0x58: {  	s26 =	sshll.u32 s25, $0xE  }
0x59: {  	s28 =	sshll.u32 s25, $0x7;
	s26 =	sand.u32 $0x4000, s26  }
0x5a: {  	s28 =	sand.u32 $0x3FFFFF80, s28;
	s26 =	sor.u32 $0x2800, s26  }
0x5b: {  	[tilespmem:s26], [sflag:$0x1] =	stream.indirect.gather [hbm4b:s4+s16], $0x80, s28, s16, $0xb8;
	[tilespmem:$0x1E800] =	vst v63  }
.LBB2_5:
0x5c: {  	_ =	swait.ge [sflag:s18], $0x4000  }
0x5d: {  	[sflag:s18] =	ssyncset.done $0x0  }
0x5e: {  	s24 =	simm.s32 $0x0;
	[sflag:s18] =	ssyncadd.s32 $0xFFFFC000  }
0x5f: {  	[tilespmem:s24], [sflag:$0x3] =	stream.linear.gather [hbm4b:s9+s24], $0x1400, $0x38;
	[tilespmem:$0x1E800] =	vst v63  }
0x60: {  	_ =	swait.ge [sflag:s21], $0x1400  }
0x61: {  	[sflag:s21] =	ssyncset.done $0x0  }
0x62: {  	[sflag:s21] =	ssyncadd.s32 $0xFFFFEC00  }
0x63: {  	[tilespmem:s22], [sflag:$0x3] =	stream.linear.gather [hbm4b:s10+s24], $0x1400, $0x38;
	[tilespmem:$0x1E800] =	vst v63  }
.Ltmp10:
0x64: {  	_ = 	snop;
	(pc) =	sbr.rel .LBB2_6-.Ltmp10, $4  }
0x65: {  	_ =	swait.ge [sflag:s21], $0x1400  }
0x66: {  	[sflag:s21] =	ssyncset.done $0x0  }
0x67: {  	[sflag:s21] =	ssyncadd.s32 $0xFFFFEC00  }
0x68: {  	[tilespmem:s17], [sflag:$0x1] =	stream.indirect.gather [hbm4b:s4+s16], $0x80, s24, s16, $0xb8;
	[tilespmem:$0x1E800] =	vst v63  }
.LBB2_8:
0x69: {  	s26 =	sshll.u32 s24, $0xE;
	p1 =	slt.u32 s25, $0x28  }
.Ltmp11:
0x6a: {  	_ =	swait.ge [sflag:s19], $0x4000;
	s31 =	sshll.u32 s24, $0x7;
	(pc) =	sbr.rel @!p1 .LBB2_12-.Ltmp11, $4  }
0x6b: {  	s26 =	sand.u32 $0x4000, s26;
	[sflag:s19] =	ssyncset.done $0x0;
	s24 =	sand.u32 $0x3FFFFF80, s31  }
0x6c: {  	s26 =	sor.u32 $0x2800, s26;
	[sflag:s19] =	ssyncadd.s32 $0xFFFFC000;
	s24 =	sadd.s32 $0x1400, s24  }
0x6d: {  	[spmem:s2] =	stream.indirect.scatter.add.f32 [tilespmem:s26], [sflag:$0x2], $0x80, s24, s16, $0xb8;
	[tilespmem:$0x1E800] =	vst v63  }
0x6e: {  	s24 =	smov.u32 s25  }
.LBB2_6:
0x6f: {  	p1 =	seq.s32 s24, $0x0  }
0x70: {  	p2 =	seq.s32 @!p1 s24, $0x27  }
0x71: {  	p2 =	por p1, !p2  }
.Ltmp12:
0x72: {  	_ = 	snop;
	(pc) =	sbr.rel @!p2 .LBB2_8-.Ltmp12, $4  }
0x73: {  	s25 =	simm.s32 @!p1 $0x2  }
0x74: {  	_ =	swait.ge @!p1 [sflag:s25], $0x4000  }
0x75: {  	[sflag:s25] =	ssyncset.done @!p1 $0x0  }
0x76: {  	[sflag:s25] =	ssyncadd.s32 @!p1 $0xFFFFC000;
	s25 =	simm.s32 @!p1 $0x28  }
0x77: {  	s25 =	sadd.s32 @!p1 $0x1, s24  }
.Ltmp13:
0x78: {  	s25 =	simm.s32 @p1 $0x1;
	(pc) =	sbr.rel .LBB2_8-.Ltmp13, $4  }
0x79: {  	s26 =	sshll.u32 s25, $0xE  }
0x7a: {  	s28 =	sshll.u32 s25, $0x7;
	s26 =	sand.u32 $0x4000, s26  }
0x7b: {  	s28 =	sand.u32 $0x3FFFFF80, s28;
	s26 =	sor.u32 $0x2800, s26  }
0x7c: {  	[tilespmem:s26], [sflag:$0x1] =	stream.indirect.gather [hbm4b:s4+s16], $0x80, s28, s16, $0xb8;
	[tilespmem:$0x1E800] =	vst v63  }
.LBB2_13:
0x7d: {  	_ =	sfence.sel $0x180000  }
0x7e: {  	[bflag:$0x0] =	sbarrier.arrive $0xFFFF  }
0x7f: {  	p0 =	sne.s32 s0, $0x0;
	_ =	strace $0x9000004A  }
0x80: {  	s0 =	sadd.s32 @!p0 $0x100000, s1;
	[bflag:$0x2] =	sbarrier.arrive $0xFFFF  }
0x81: {  	[sflag:s0] =	ssyncadd.tile.s32 @!p0 $0x1;
	_ =	shalt  }
.Lfunc_end2:
_tile_overlayer_lowered:
.L_overlay_start_2:
0x82: {  	(tag) =	ssettag $0x2  }
0x83: {  	s0 =	rddreg [dreg:$0x0];
	s2 =	stileid.u32  }
0x84: {  	s1 =	rddreg [dreg:$0x1];
	p0 =	sne.s32 s2, $0x0  }
0x85: {  	s3 =	rddreg [dreg:$0x2];
	[bflag:$0x3] =	sbarrier.arrive $0xFFFF;
	s2 =	simm.s32 @!p0 $0x1C03  }
0x86: {  	[timem:s3], [sflag:s2] =	dma.local @!p0 [hbm:s0], s1  }
0x87: {  	s0 =	simm.s32 @!p0 $0x3  }
0x88: {  	_ =	swait.ge @!p0 [sflag:s0], s1  }
0x89: {  	s1 =	ssub.s32 @!p0 $0x0, s1;
	[sflag:s0] =	ssyncset.done @!p0 $0x0  }
0x8a: {  	[sflag:s0] =	ssyncadd.s32 @!p0 s1  }
0x8b: {  	[bflag:$0x3] =	sbarrier.arrive $0xFFFF  }
0x8c: {  	_ =	shalt  }

// kernel: kernel.14.cloned.1.call-start
scs
__scs_entry_jumppad:
0x0: {  	(pc) =	sbr.rel $0x88, $3  }
0x1: {  	(tag) =	ssettag $0x0;
	lr =	simm.s32 $0x1  }
0x2: {  	[smem:$0x3F94] =	sst lr;
	_ =	strace $0xD0000000  }
0x3: {  	_ = 	snop  }
0x4: {  	_ = 	snop  }
0x5: {  	_ = 	snop  }
0x6: {  	_ = 	snop  }
0x7: {  	_ = 	snop  }
__scs_overlays_trampoline_lowered:
0x8: {  	[smem:$0x3FA3] =	sst s0  }
0x9: {  	[smem:$0x3FA4] =	sst s1  }
0xa: {  	[smem:$0x3FA5] =	sst s2  }
0xb: {  	[smem:$0x3FA6] =	sst s3  }
0xc: {  	[smem:$0x3FA7] =	sst s4  }
0xd: {  	[smem:$0x3FA8] =	sst s5  }
0xe: {  	[smem:$0x3FA9] =	sst s6  }
0xf: {  	[smem:$0x3FAA] =	sst s7  }
0x10: {  	[smem:$0x3FAB] =	sst s8  }
0x11: {  	[smem:$0x3FAC] =	sst s9;
	s0 =	simm.s32 @!p0 $0x0  }
0x12: {  	s1 =	sld [smem:$0x3F92];
	s0 =	simm.s32 @p0 $0x1  }
0x13: {  	[smem:$0x3FAD] =	sst s0;
	s0 =	simm.s32 @!p1 $0x0  }
0x14: {  	s2 =	sld [smem:$0x3F91];
	s0 =	simm.s32 @p1 $0x1  }
0x15: {  	[smem:$0x3FAE] =	sst s0;
	s0 =	simm.s32 @!p2 $0x0  }
0x16: {  	s3 =	sld [smem:$0x3FDB];
	s0 =	simm.s32 @p2 $0x1  }
0x17: {  	s4 =	simm.s32 $0x1BF5;
	[smem:$0x3FB0] =	sst s0  }
0x18: {  	s0 =	sld [smem:$0x3F93];
	_ =	swait.ge [sflag:s4], $0x0  }
0x19: {  	s7 =	sld [smem:$0x3F94]  }
0x1a: {  	s8 =	sadd.s32 $0xFFFFE003, lr  }
0x1b: {  	s9 =	sadd.s32 $0xFFFFFEF7, lr;
	s5 =	simm.s32 $0xFFFFFFFF;
	p2 =	slt.u32 s8, $0xFFFFF086  }
0x1c: {  	p1 =	slt.u32 s9, $0xF7A;
	s5 =	simm.s32 @!p2 $0x0  }
0x1d: {  	s5 =	simm.s32 @p1 $0x1;
	p0 =	seq.s32 s7, s2  }
0x1e: {  	s7 =	smul.u32 @!p0 $0xF7A, s2;
	p2 =	seq.s32 @!p0 s5, $0x0  }
0x1f: {  	s9 =	smul.u32 $0xF7A, s1;
	s8 =	simm.s32 @!p0 $0x1BF5;
	p2 =	por !p2, p0  }
0x20: {  	[sflag:s8] =	ssyncset.s32 @!p0 $0xFFFFF086;
	s6 =	sadd.s32 @!p0 s3, s7;
	s7 =	simm.s32 @!p0 $0x108  }
0x21: {  	s3 =	sadd.s32 s3, s9;
	s6 =	sadd.s32 @!p0 $0x88, s6;
	s7 =	simm.s32 @p2 $0x1082  }
0x22: {  	[simem:s7], [sflag:s8] =	dma.local @!p0 [hbm:s6], $0xF7A  }
0x23: {  	s9 =	sor.u32 $0xD0000000, s2;
	s6 =	simm.s32 $0x108;
	_ =	swait.ge @!p0 [sflag:s8], $0x0  }
0x24: {  	s3 =	sadd.s32 $0x88, s3;
	s6 =	simm.s32 @!p1 $0x1082;
	[sflag:s4] =	ssyncset.s32 $0xFFFFF086  }
0x25: {  	[simem:s6], [sflag:s4] =	dma.local [hbm:s3], $0xF7A  }
0x26: {  	[smem:$0x3F94] =	sst s1;
	(tag) =	ssettag s2;
	_ =	strace s9  }
0x27: {  	s1 =	sld [smem:$0x3FA4]  }
0x28: {  	s2 =	sld [smem:$0x3FA5]  }
0x29: {  	s4 =	sld [smem:$0x3FA7]  }
0x2a: {  	p0 =	seq.s32 s5, $0x0;
	s5 =	sld [smem:$0x3FA8]  }
0x2b: {  	s6 =	sld [smem:$0x3FA9]  }
0x2c: {  	s7 =	sld [smem:$0x3FAA]  }
0x2d: {  	s3 =	simm.s32 $0x108;
	s8 =	sld [smem:$0x3FAB]  }
0x2e: {  	s3 =	simm.s32 @!p0 $0x1082;
	s9 =	sld [smem:$0x3FAC]  }
0x2f: {  	lr =	sadd.s32 s0, s3;
	s0 =	sld [smem:$0x3FA3]  }
0x30: {  	s3 =	sld [smem:$0x3FA6]  }
0x31: {  	[smem:$0x3FAF] =	sst s10  }
0x32: {  	s10 =	sld [smem:$0x3FAD];
	_ =	sdelay $0x3  }
0x33: {  	p0 =	seq.s32 s10, $0x1;
	s10 =	sld [smem:$0x3FAF];
	_ =	sdelay $0x3  }
0x34: {  	[smem:$0x3FAF] =	sst s10  }
0x35: {  	s10 =	sld [smem:$0x3FAE];
	_ =	sdelay $0x3  }
0x36: {  	p1 =	seq.s32 s10, $0x1;
	s10 =	sld [smem:$0x3FAF];
	_ =	sdelay $0x3  }
0x37: {  	[smem:$0x3FAF] =	sst s10  }
0x38: {  	s10 =	sld [smem:$0x3FB0]  }
0x39: {  	_ = 	snop;
	(pc) =	sbr.ind lr, $3  }
0x3a: {  	_ = 	snop  }
0x3b: {  	_ = 	snop  }
0x3c: {  	p2 =	seq.s32 s10, $0x1;
	s10 =	sld [smem:$0x3FAF]  }
0x3d: {  	_ =	shalt  }
0x3e: {  	_ =	shalt  }
0x3f: {  	_ =	shalt  }
0x40: {  	_ =	shalt  }
0x41: {  	_ =	shalt  }
0x42: {  	_ =	shalt  }
0x43: {  	_ =	shalt  }
0x44: {  	_ =	shalt  }
0x45: {  	_ =	shalt  }
0x46: {  	_ =	shalt  }
0x47: {  	_ =	shalt  }
0x48: {  	_ =	shalt  }
0x49: {  	_ =	shalt  }
0x4a: {  	_ =	shalt  }
0x4b: {  	_ =	shalt  }
0x4c: {  	_ =	shalt  }
0x4d: {  	_ =	shalt  }
0x4e: {  	_ =	shalt  }
0x4f: {  	_ =	shalt  }
0x50: {  	_ =	shalt  }
0x51: {  	_ =	shalt  }
0x52: {  	_ =	shalt  }
0x53: {  	_ =	shalt  }
0x54: {  	_ =	shalt  }
0x55: {  	_ =	shalt  }
0x56: {  	_ =	shalt  }
0x57: {  	_ =	shalt  }
0x58: {  	_ =	shalt  }
0x59: {  	_ =	shalt  }
0x5a: {  	_ =	shalt  }
0x5b: {  	_ =	shalt  }
0x5c: {  	_ =	shalt  }
0x5d: {  	_ =	shalt  }
0x5e: {  	_ =	shalt  }
0x5f: {  	_ =	shalt  }
0x60: {  	_ =	shalt  }
0x61: {  	_ =	shalt  }
0x62: {  	_ =	shalt  }
0x63: {  	_ =	shalt  }
0x64: {  	_ =	shalt  }
0x65: {  	_ =	shalt  }
0x66: {  	_ =	shalt  }
0x67: {  	_ =	shalt  }
0x68: {  	_ =	shalt  }
0x69: {  	_ =	shalt  }
0x6a: {  	_ =	shalt  }
0x6b: {  	_ =	shalt  }
0x6c: {  	_ =	shalt  }
0x6d: {  	_ =	shalt  }
0x6e: {  	_ =	shalt  }
0x6f: {  	_ =	shalt  }
0x70: {  	_ =	shalt  }
0x71: {  	_ =	shalt  }
0x72: {  	_ =	shalt  }
0x73: {  	_ =	shalt  }
0x74: {  	_ =	shalt  }
0x75: {  	_ =	shalt  }
0x76: {  	_ =	shalt  }
0x77: {  	_ =	shalt  }
0x78: {  	_ =	shalt  }
0x79: {  	_ =	shalt  }
0x7a: {  	_ =	shalt  }
0x7b: {  	_ =	shalt  }
0x7c: {  	_ =	shalt  }
0x7d: {  	_ =	shalt  }
0x7e: {  	_ =	shalt  }
0x7f: {  	_ =	shalt  }
0x80: {  	_ =	shalt  }
0x81: {  	_ =	shalt  }
0x82: {  	_ =	shalt  }
0x83: {  	_ =	shalt  }
0x84: {  	_ =	shalt  }
0x85: {  	_ =	shalt  }
0x86: {  	_ =	shalt  }
0x87: {  	_ =	shalt  }
.Lfunc_end0:
.L_simem_size_0:
called_computation.2_lowered:
.L_overlay_start_0:
0x88: {  	s2 =	sld [smem:$0x3FD9]  }
0x89: {  	s3 =	sld [smem:$0x3FFE];
	_ =	sdelay $0x1  }
0x8a: {  	s1 =	srdreg.scid  }
0x8b: {  	s0 =	sand.u32 $0x1, s1  }
0x8c: {  	s16 =	sshll.u32 s0, $0xA;
	s2 =	sadd.s32 s3, s2  }
0x8d: {  	s2 =	sadd.s32 s2, s16  }
0x8e: {  	[smem:$0x3FBB] =	sst s2  }
0x8f: {  	_ = 	snop  }
0x90: {  	(tm) =	ssettm $0x1  }
0x91: {  	s17 =	sld [smem:$0x3FFB];
	_ =	sdelay $0x3  }
0x92: {  	_ =	strace s17  }
0x93: {  	s2 =	sld [smem:$0x3FFC];
	_ =	sdelay $0x3  }
0x94: {  	_ =	strace s2  }
0x95: {  	s2 =	sld [smem:$0x3FFD];
	_ =	sdelay $0x3  }
0x96: {  	_ =	strace s2  }
0x97: {  	_ =	strace $0x8FFFFFFF  }
0x98: {  	s18 =	sld [smem:$0x3FDB];
	_ =	sdelay $0x1  }
0x99: {  	s19 =	simm.s32 $_scs_section_size  }
0x9a: {  	s4 =	simm.s32 $_size__tile_overlayer_lowered;
	s5 =	simm.s32 $_tile_overlayer_lowered  }
0x9b: {  	s22 =	simm.s32 $0x1BFF;
	s21 =	sshll.u32 s5, $0x1;
	s2 =	sadd.s32 s19, s18  }
0x9c: {  	s6 =	simm.s32 $0x0;
	s20 =	sshll.u32 s4, $0x1;
	s4 =	sadd.s32 s21, s2  }
0x9d: {  	[timem:s6], [sflag:s22] =	dma.local [hbm:s4], s20  }
0x9e: {  	_ =	swait.ge [sflag:s22], s20  }
0x9f: {  	s3 =	ssub.s32 $0x0, s20;
	[sflag:s22] =	ssyncset.done $0x0  }
0xa0: {  	[sflag:s22] =	ssyncadd.s32 s3;
	_ =	sdelay $0x1  }
0xa1: {  	s23 =	simm.s32 $0x1B8B  }
0xa2: {  	_ =	swait.ge [sflag:s23], $0x1  }
0xa3: {  	[sflag:s23] =	ssyncset.done $0x0  }
0xa4: {  	s25 =	simm.s32 $0x1B8E;
	s24 =	sld [smem:$0x3FFE];
	[sflag:s23] =	ssyncadd.s32 $0xFFFFFFFF  }
0xa5: {  	s26 =	simm.s32 $execute0_lowered;
	[smem:$0x3FD2] =	sst s25  }
0xa6: {  	s4 =	sshll.u32 s26, $0x1;
	_ =	strace $0x8000004C;
	[dreg:$0x1] =	wrdreg $0xFFFFFFFF  }
0xa7: {  	s28 =	simm.s32 $_size_execute0_lowered;
	s2 =	sadd.s32 s2, s4;
	[dreg:$0x0] =	wrdreg $0x0  }
0xa8: {  	s4 =	sshll.u32 s28, $0x1;
	[dreg:$0x2] =	wrdreg s2  }
0xa9: {  	[dreg:$0x3] =	wrdreg s4  }
0xaa: {  	[dreg:$0x4] =	wrdreg $0xC0  }
0xab: {  	_ =	task [dreg:s6], $0x5FFFF  }
0xac: {  	[dreg:$0x1] =	wrdreg $0xFFFFFFFF  }
0xad: {  	[dreg:$0x0] =	wrdreg $0x60  }
0xae: {  	[dreg:$0x2] =	wrdreg s24  }
0xaf: {  	[dreg:$0x3] =	wrdreg $0xA8000  }
0xb0: {  	[dreg:$0x4] =	wrdreg $0x9  }
0xb1: {  	_ =	task.clear_ibuf [dreg:s6], $0x5FFFF;
	_ =	strace $0x9000004C  }
0xb2: {  	s29 =	simm.s32 $0x9;
	_ =	strace $0x8000004E  }
0xb3: {  	_ =	swait.ge [sflag:s29], $0x1  }
0xb4: {  	[sflag:s29] =	ssyncadd.s32 $0xFFFFFFFF  }
0xb5: {  	_ =	strace $0x9000004E  }
0xb6: {  	_ =	sfence  }
0xb7: {  	s30 =	sld [smem:$0x0];
	_ =	sdelay $0x2  }
0xb8: {  	s31 =	sshll.u32 s1, $0xD;
	s1 =	sshrl.u32 s1, $0x2  }
0xb9: {  	s3 =	sand.u32 $0x4000, s31;
	s1 =	sadd.s32 s1, s30  }
0xba: {  	s0 =	sor.u32 s3, s0;
	s1 =	sshll.u32 s1, $0x11  }
0xbb: {  	s0 =	sor.u32 s1, s0  }
0xbc: {  	s0 =	sadd.s32 $0x8F2B, s0  }
0xbd: {  	[sflag:s0] =	ssyncadd.remote.s32 $0x1  }
0xbe: {  	_ =	sfence.sel $0xFFFF  }
0xbf: {  	[dreg:$0x0] =	wrdreg $0xFFFFFFFF;
	(pc) =	sbr.abs _section_cstart, $3  }
0xc0: {  	[dreg:$0x1] =	wrdreg $0xFFFFFFFF  }
0xc1: {  	_ =	task.clear_ibuf [dreg:s6], $0x2FFFF;
	_ =	strace $0x9FFFFFFF  }
0xc2: {  	(tm) =	ssettm $0x7FFFFFFF  }
0xc3: {  	_ =	shalt  }
tec
execute0_lowered:
.L_overlay_start_1:
0x0: {  	(tag) =	ssettag $0x1  }
0x1: {  	s1 =	srdreg.scid;
	s8 =	rddreg [dreg:$0x0]  }
0x2: {  	s0 =	stileid.u32;
	s2 =	rddreg [dreg:$0x1]  }
0x3: {  	s3 =	simm.s32 $0x0;
	s17 =	simm.s32 $0x2800;
	s18 =	simm.s32 $0x2  }
0x4: {  	s19 =	simm.s32 $0x1;
	s21 =	simm.s32 $0x3;
	s22 =	simm.s32 $0x1400  }
0x5: {  	s23 =	simm.s32 $0x0;
	s5 =	sand.u32 $0x1, s1;
	s7 =	smul.u32 $0x14000, s0  }
0x6: {  	s26 =	sshll.u32 s0, $0x1;
	s1 =	rddreg [dreg:$0x2];
	s29 =	smul.u32 $0x50000, s0  }
0x7: {  	[smem:$0x7FF] =	sst s3;
	s13 =	sadd.s32 $0x16E00, s8;
	s14 =	smul.u32 $0x2800, s0  }
0x8: {  	s20 =	sshll.u32 s0, $0x6;
	s15 =	sor.u32 s5, s26;
	s6 =	smul.u32 $0x140000, s5  }
0x9: {  	_ =	strace $0x8000004D;
	s28 =	ssub.s32 $0x2, s5;
	p0 =	seq.s32 s5, $0x0  }
0xa: {  	s4 =	smul.u32 $0x2800, s15;
	s30 =	sshrl.u32 s28, $0x1;
	s31 =	sshrl.u32 s29, $0x2  }
0xb: {  	s6 =	sadd.s32 s7, s6;
	s12 =	ssub.s32 s28, s30;
	s16 =	sadd.s32 s31, s2  }
0xc: {  	s7 =	sadd.s32 $0xCF00, s8;
	s9 =	sshrl.u32 s4, $0x3;
	s4 =	sadd.s32 $0x3EE00, s8  }
0xd: {  	s6 =	sshrl.u32 s6, $0x3;
	s12 =	smax.u32 s12, $0x1;
	s10 =	sadd.s32 s9, s8  }
.Ltmp0:
0xe: {  	s11 =	sadd.s32 s6, s8;
	s8 =	sadd.s32 $0x16B80, s8;
	(pc) =	sbr.rel .LBB2_1-.Ltmp0, $4  }
0xf: {  	s13 =	smov.u32 @p0 s4;
	p0 =	seq.s32 s15, $0x1F;
	s15 =	sshrl.u32 s16, $0x3  }
0x10: {  	s16 =	simm.s32 $0x80;
	s5 =	sadd.s32 $0x3400, s10;
	s6 =	sadd.s32 $0xD080, s10  }
0x11: {  	s9 =	sadd.s32 $0x3680, s10;
	s10 =	sadd.s32 $0xD300, s10;
	s11 =	sadd.s32 $0x66E00, s11  }
0x12: {  	s13 =	sadd.s32 s13, s14;
	s14 =	sor.u32 $0x1C02, s20;
	s20 =	sor.u32 $0x1C03, s20  }
.LBB2_12:
0x13: {  	_ =	swait.ge [sflag:s18], $0x4000  }
0x14: {  	s23 =	sadd.s32 $0x1, s23;
	[sflag:s18] =	ssyncset.done $0x0  }
0x15: {  	p1 =	sne.s32 s23, s12;
	[sflag:s18] =	ssyncadd.s32 $0xFFFFC000  }
.Ltmp1:
0x16: {  	[bflag:$0x0] =	sbarrier.arrive $0xFFFF;
	(pc) =	sbr.rel @!p1 .LBB2_13-.Ltmp1, $4  }
0x17: {  	[hbm:s11], [sflag:s20] =	dma.local [spmem:s15], $0x2800  }
0x18: {  	_ =	swait.ge [sflag:s21], $0x2800  }
0x19: {  	[sflag:s21] =	ssyncset.done $0x0  }
0x1a: {  	[sflag:s21] =	ssyncadd.s32 $0xFFFFD800  }
.LBB2_1:
0x1b: {  	[spmem:s15], [sflag:s14] =	dma.local [hbm:s13], $0x2800  }
0x1c: {  	s24 =	simm.s32 @p0 $0x0;
	s25 =	simm.s32 @p0 $0x3  }
0x1d: {  	[tilespmem:s24], [sflag:$0x3] =	stream.linear.gather @p0 [hbm4b:s7+s24], $0xA00, $0x38;
	[tilespmem:$0x1E800] =	vst v63  }
0x1e: {  	_ =	swait.ge @p0 [sflag:s25], $0xA00  }
0x1f: {  	[sflag:s25] =	ssyncset.done @p0 $0x0  }
0x20: {  	s26 =	simm.s32 @p0 $0x1400;
	[sflag:s25] =	ssyncadd.s32 @p0 $0xFFFFF600  }
0x21: {  	[tilespmem:s26], [sflag:$0x3] =	stream.linear.gather @p0 [hbm4b:s8+s24], $0xA00, $0x38;
	[tilespmem:$0x1E800] =	vst v63  }
0x22: {  	_ =	swait.ge @p0 [sflag:s25], $0xA00  }
0x23: {  	[sflag:s25] =	ssyncset.done @p0 $0x0  }
0x24: {  	s24 =	simm.s32 @!p0 $0x0;
	[sflag:s25] =	ssyncadd.s32 @p0 $0xFFFFF600;
	s25 =	simm.s32 @!p0 $0x3  }
0x25: {  	[tilespmem:s24], [sflag:$0x3] =	stream.linear.gather @!p0 [hbm4b:s5+s24], $0x1400, $0x38;
	[tilespmem:$0x1E800] =	vst v63  }
0x26: {  	_ =	swait.ge @!p0 [sflag:s25], $0x1400  }
0x27: {  	[sflag:s25] =	ssyncset.done @!p0 $0x0  }
0x28: {  	s26 =	simm.s32 @!p0 $0x1400;
	[sflag:s25] =	ssyncadd.s32 @!p0 $0xFFFFEC00  }
0x29: {  	[tilespmem:s26], [sflag:$0x3] =	stream.linear.gather @!p0 [hbm4b:s6+s24], $0x1400, $0x38;
	[tilespmem:$0x1E800] =	vst v63  }
0x2a: {  	_ =	swait.ge @!p0 [sflag:s25], $0x1400  }
0x2b: {  	[sflag:s25] =	ssyncset.done @!p0 $0x0  }
0x2c: {  	[sflag:s25] =	ssyncadd.s32 @!p0 $0xFFFFEC00  }
0x2d: {  	[tilespmem:s17], [sflag:$0x1] =	stream.indirect.gather [hbm4b:s4+s16], $0x80, s3, s16, $0xb8;
	[tilespmem:$0x1E800] =	vst v63  }
.Ltmp2:
0x2e: {  	_ =	swait.ge [sflag:s18], $0x2800;
	(pc) =	sbr.rel @p0 .LBB2_9-.Ltmp2, $4  }
.Ltmp3:
0x2f: {  	[sflag:s18] =	ssyncset.done $0x0;
	(pc) =	sbr.rel @!p0 .LBB2_2-.Ltmp3, $4  }
0x30: {  	[sflag:s18] =	ssyncadd.s32 $0xFFFFD800  }
0x31: {  	[bflag:$0x0] =	sbarrier.arrive $0xFFFF  }
0x32: {  	s24 =	simm.s32 $0x0;
	s25 =	simm.s32 $0x0  }
0x33: {  	_ = 	snop  }
.LBB2_11:
0x34: {  	s26 =	sshll.u32 s25, $0xE;
	p1 =	slt.u32 s24, $0x14  }
.Ltmp4:
0x35: {  	_ =	swait.ge [sflag:s19], $0x4000;
	s31 =	sshll.u32 s25, $0x7;
	(pc) =	sbr.rel @!p1 .LBB2_12-.Ltmp4, $4  }
0x36: {  	s26 =	sand.u32 $0x4000, s26;
	[sflag:s19] =	ssyncset.done $0x0;
	s25 =	sand.u32 $0x3FFFFF80, s31  }
0x37: {  	s26 =	sor.u32 $0x2800, s26;
	[sflag:s19] =	ssyncadd.s32 $0xFFFFC000;
	s25 =	sadd.s32 $0x1400, s25  }
0x38: {  	[spmem:s2] =	stream.indirect.scatter.add.f32 [tilespmem:s26], [sflag:$0x2], $0x80, s25, s16, $0xb8;
	[tilespmem:$0x1E800] =	vst v63  }
0x39: {  	s25 =	smov.u32 s24  }
.LBB2_9:
0x3a: {  	p1 =	seq.s32 s25, $0x0  }
0x3b: {  	p2 =	seq.s32 @!p1 s25, $0x13  }
0x3c: {  	p2 =	por p1, !p2  }
.Ltmp5:
0x3d: {  	_ = 	snop;
	(pc) =	sbr.rel @!p2 .LBB2_11-.Ltmp5, $4  }
0x3e: {  	s24 =	simm.s32 @!p1 $0x2  }
0x3f: {  	_ =	swait.ge @!p1 [sflag:s24], $0x4000  }
0x40: {  	[sflag:s24] =	ssyncset.done @!p1 $0x0  }
0x41: {  	[sflag:s24] =	ssyncadd.s32 @!p1 $0xFFFFC000;
	s24 =	simm.s32 @!p1 $0x14  }
0x42: {  	s24 =	sadd.s32 @!p1 $0x1, s25  }
.Ltmp6:
0x43: {  	s24 =	simm.s32 @p1 $0x1;
	(pc) =	sbr.rel .LBB2_11-.Ltmp6, $4  }
0x44: {  	s26 =	sshll.u32 s24, $0xE  }
0x45: {  	s28 =	sshll.u32 s24, $0x7;
	s26 =	sand.u32 $0x4000, s26  }
0x46: {  	s28 =	sand.u32 $0x3FFFFF80, s28;
	s26 =	sor.u32 $0x2800, s26  }
0x47: {  	[tilespmem:s26], [sflag:$0x1] =	stream.indirect.gather [hbm4b:s4+s16], $0x80, s28, s16, $0xb8;
	[tilespmem:$0x1E800] =	vst v63  }
.LBB2_4:
0x48: {  	s26 =	sshll.u32 s24, $0xE;
	p1 =	slt.u32 s25, $0x28  }
.Ltmp7:
0x49: {  	_ =	swait.ge [sflag:s19], $0x4000;
	s31 =	sshll.u32 s24, $0x7;
	(pc) =	sbr.rel @!p1 .LBB2_5-.Ltmp7, $4  }
0x4a: {  	s26 =	sand.u32 $0x4000, s26;
	[sflag:s19] =	ssyncset.done $0x0;
	s24 =	sand.u32 $0x3FFFFF80, s31  }
0x4b: {  	s26 =	sor.u32 $0x2800, s26;
	[sflag:s19] =	ssyncadd.s32 $0xFFFFC000;
	s24 =	sadd.s32 $0x1400, s24  }
0x4c: {  	[spmem:s2] =	stream.indirect.scatter.add.f32 [tilespmem:s26], [sflag:$0x2], $0x80, s24, s16, $0xb8;
	[tilespmem:$0x1E800] =	vst v63  }
0x4d: {  	s24 =	smov.u32 s25  }
.LBB2_2:
0x4e: {  	p1 =	seq.s32 s24, $0x0  }
0x4f: {  	p2 =	seq.s32 @!p1 s24, $0x27  }
0x50: {  	p2 =	por p1, !p2  }
.Ltmp8:
0x51: {  	_ = 	snop;
	(pc) =	sbr.rel @!p2 .LBB2_4-.Ltmp8, $4  }
0x52: {  	s25 =	simm.s32 @!p1 $0x2  }
0x53: {  	_ =	swait.ge @!p1 [sflag:s25], $0x4000  }
0x54: {  	[sflag:s25] =	ssyncset.done @!p1 $0x0  }
0x55: {  	[sflag:s25] =	ssyncadd.s32 @!p1 $0xFFFFC000;
	s25 =	simm.s32 @!p1 $0x28  }
0x56: {  	s25 =	sadd.s32 @!p1 $0x1, s24  }
.Ltmp9:
0x57: {  	s25 =	simm.s32 @p1 $0x1;
	(pc) =	sbr.rel .LBB2_4-.Ltmp9, $4  }
0x58: {  	s26 =	sshll.u32 s25, $0xE  }
0x59: {  	s28 =	sshll.u32 s25, $0x7;
	s26 =	sand.u32 $0x4000, s26  }
0x5a: {  	s28 =	sand.u32 $0x3FFFFF80, s28;
	s26 =	sor.u32 $0x2800, s26  }
0x5b: {  	[tilespmem:s26], [sflag:$0x1] =	stream.indirect.gather [hbm4b:s4+s16], $0x80, s28, s16, $0xb8;
	[tilespmem:$0x1E800] =	vst v63  }
.LBB2_5:
0x5c: {  	_ =	swait.ge [sflag:s18], $0x4000  }
0x5d: {  	[sflag:s18] =	ssyncset.done $0x0  }
0x5e: {  	s24 =	simm.s32 $0x0;
	[sflag:s18] =	ssyncadd.s32 $0xFFFFC000  }
0x5f: {  	[tilespmem:s24], [sflag:$0x3] =	stream.linear.gather [hbm4b:s9+s24], $0x1400, $0x38;
	[tilespmem:$0x1E800] =	vst v63  }
0x60: {  	_ =	swait.ge [sflag:s21], $0x1400  }
0x61: {  	[sflag:s21] =	ssyncset.done $0x0  }
0x62: {  	[sflag:s21] =	ssyncadd.s32 $0xFFFFEC00  }
0x63: {  	[tilespmem:s22], [sflag:$0x3] =	stream.linear.gather [hbm4b:s10+s24], $0x1400, $0x38;
	[tilespmem:$0x1E800] =	vst v63  }
.Ltmp10:
0x64: {  	_ = 	snop;
	(pc) =	sbr.rel .LBB2_6-.Ltmp10, $4  }
0x65: {  	_ =	swait.ge [sflag:s21], $0x1400  }
0x66: {  	[sflag:s21] =	ssyncset.done $0x0  }
0x67: {  	[sflag:s21] =	ssyncadd.s32 $0xFFFFEC00  }
0x68: {  	[tilespmem:s17], [sflag:$0x1] =	stream.indirect.gather [hbm4b:s4+s16], $0x80, s24, s16, $0xb8;
	[tilespmem:$0x1E800] =	vst v63  }
.LBB2_8:
0x69: {  	s26 =	sshll.u32 s24, $0xE;
	p1 =	slt.u32 s25, $0x28  }
.Ltmp11:
0x6a: {  	_ =	swait.ge [sflag:s19], $0x4000;
	s31 =	sshll.u32 s24, $0x7;
	(pc) =	sbr.rel @!p1 .LBB2_12-.Ltmp11, $4  }
0x6b: {  	s26 =	sand.u32 $0x4000, s26;
	[sflag:s19] =	ssyncset.done $0x0;
	s24 =	sand.u32 $0x3FFFFF80, s31  }
0x6c: {  	s26 =	sor.u32 $0x2800, s26;
	[sflag:s19] =	ssyncadd.s32 $0xFFFFC000;
	s24 =	sadd.s32 $0x1400, s24  }
0x6d: {  	[spmem:s2] =	stream.indirect.scatter.add.f32 [tilespmem:s26], [sflag:$0x2], $0x80, s24, s16, $0xb8;
	[tilespmem:$0x1E800] =	vst v63  }
0x6e: {  	s24 =	smov.u32 s25  }
.LBB2_6:
0x6f: {  	p1 =	seq.s32 s24, $0x0  }
0x70: {  	p2 =	seq.s32 @!p1 s24, $0x27  }
0x71: {  	p2 =	por p1, !p2  }
.Ltmp12:
0x72: {  	_ = 	snop;
	(pc) =	sbr.rel @!p2 .LBB2_8-.Ltmp12, $4  }
0x73: {  	s25 =	simm.s32 @!p1 $0x2  }
0x74: {  	_ =	swait.ge @!p1 [sflag:s25], $0x4000  }
0x75: {  	[sflag:s25] =	ssyncset.done @!p1 $0x0  }
0x76: {  	[sflag:s25] =	ssyncadd.s32 @!p1 $0xFFFFC000;
	s25 =	simm.s32 @!p1 $0x28  }
0x77: {  	s25 =	sadd.s32 @!p1 $0x1, s24  }
.Ltmp13:
0x78: {  	s25 =	simm.s32 @p1 $0x1;
	(pc) =	sbr.rel .LBB2_8-.Ltmp13, $4  }
0x79: {  	s26 =	sshll.u32 s25, $0xE  }
0x7a: {  	s28 =	sshll.u32 s25, $0x7;
	s26 =	sand.u32 $0x4000, s26  }
0x7b: {  	s28 =	sand.u32 $0x3FFFFF80, s28;
	s26 =	sor.u32 $0x2800, s26  }
0x7c: {  	[tilespmem:s26], [sflag:$0x1] =	stream.indirect.gather [hbm4b:s4+s16], $0x80, s28, s16, $0xb8;
	[tilespmem:$0x1E800] =	vst v63  }
.LBB2_13:
0x7d: {  	_ =	sfence.sel $0x180000  }
0x7e: {  	[bflag:$0x0] =	sbarrier.arrive $0xFFFF  }
0x7f: {  	p0 =	sne.s32 s0, $0x0;
	_ =	strace $0x9000004D  }
0x80: {  	s0 =	sadd.s32 @!p0 $0x100000, s1;
	[bflag:$0x2] =	sbarrier.arrive $0xFFFF  }
0x81: {  	[sflag:s0] =	ssyncadd.tile.s32 @!p0 $0x1;
	_ =	shalt  }
.Lfunc_end2:
_tile_overlayer_lowered:
.L_overlay_start_2:
0x82: {  	(tag) =	ssettag $0x2  }
0x83: {  	s0 =	rddreg [dreg:$0x0];
	s2 =	stileid.u32  }
0x84: {  	s1 =	rddreg [dreg:$0x1];
	p0 =	sne.s32 s2, $0x0  }
0x85: {  	s3 =	rddreg [dreg:$0x2];
	[bflag:$0x3] =	sbarrier.arrive $0xFFFF;
	s2 =	simm.s32 @!p0 $0x1C03  }
0x86: {  	[timem:s3], [sflag:s2] =	dma.local @!p0 [hbm:s0], s1  }
0x87: {  	s0 =	simm.s32 @!p0 $0x3  }
0x88: {  	_ =	swait.ge @!p0 [sflag:s0], s1  }
0x89: {  	s1 =	ssub.s32 @!p0 $0x0, s1;
	[sflag:s0] =	ssyncset.done @!p0 $0x0  }
0x8a: {  	[sflag:s0] =	ssyncadd.s32 @!p0 s1  }
0x8b: {  	[bflag:$0x3] =	sbarrier.arrive $0xFFFF  }
0x8c: {  	_ =	shalt  }

// kernel: kernel.8.cloned.1.call-start
scs
__scs_entry_jumppad:
0x0: {  	(pc) =	sbr.rel $0x88, $3  }
0x1: {  	(tag) =	ssettag $0x0;
	lr =	simm.s32 $0x1  }
0x2: {  	[smem:$0x3F94] =	sst lr;
	_ =	strace $0xD0000000  }
0x3: {  	_ = 	snop  }
0x4: {  	_ = 	snop  }
0x5: {  	_ = 	snop  }
0x6: {  	_ = 	snop  }
0x7: {  	_ = 	snop  }
__scs_overlays_trampoline_lowered:
0x8: {  	[smem:$0x3FA3] =	sst s0  }
0x9: {  	[smem:$0x3FA4] =	sst s1  }
0xa: {  	[smem:$0x3FA5] =	sst s2  }
0xb: {  	[smem:$0x3FA6] =	sst s3  }
0xc: {  	[smem:$0x3FA7] =	sst s4  }
0xd: {  	[smem:$0x3FA8] =	sst s5  }
0xe: {  	[smem:$0x3FA9] =	sst s6  }
0xf: {  	[smem:$0x3FAA] =	sst s7  }
0x10: {  	[smem:$0x3FAB] =	sst s8  }
0x11: {  	[smem:$0x3FAC] =	sst s9;
	s0 =	simm.s32 @!p0 $0x0  }
0x12: {  	s1 =	sld [smem:$0x3F92];
	s0 =	simm.s32 @p0 $0x1  }
0x13: {  	[smem:$0x3FAD] =	sst s0;
	s0 =	simm.s32 @!p1 $0x0  }
0x14: {  	s2 =	sld [smem:$0x3F91];
	s0 =	simm.s32 @p1 $0x1  }
0x15: {  	[smem:$0x3FAE] =	sst s0;
	s0 =	simm.s32 @!p2 $0x0  }
0x16: {  	s3 =	sld [smem:$0x3FDB];
	s0 =	simm.s32 @p2 $0x1  }
0x17: {  	s4 =	simm.s32 $0x1BF5;
	[smem:$0x3FB0] =	sst s0  }
0x18: {  	s0 =	sld [smem:$0x3F93];
	_ =	swait.ge [sflag:s4], $0x0  }
0x19: {  	s7 =	sld [smem:$0x3F94]  }
0x1a: {  	s8 =	sadd.s32 $0xFFFFE003, lr  }
0x1b: {  	s9 =	sadd.s32 $0xFFFFFEF7, lr;
	s5 =	simm.s32 $0xFFFFFFFF;
	p2 =	slt.u32 s8, $0xFFFFF086  }
0x1c: {  	p1 =	slt.u32 s9, $0xF7A;
	s5 =	simm.s32 @!p2 $0x0  }
0x1d: {  	s5 =	simm.s32 @p1 $0x1;
	p0 =	seq.s32 s7, s2  }
0x1e: {  	s7 =	smul.u32 @!p0 $0xF7A, s2;
	p2 =	seq.s32 @!p0 s5, $0x0  }
0x1f: {  	s9 =	smul.u32 $0xF7A, s1;
	s8 =	simm.s32 @!p0 $0x1BF5;
	p2 =	por !p2, p0  }
0x20: {  	[sflag:s8] =	ssyncset.s32 @!p0 $0xFFFFF086;
	s6 =	sadd.s32 @!p0 s3, s7;
	s7 =	simm.s32 @!p0 $0x108  }
0x21: {  	s3 =	sadd.s32 s3, s9;
	s6 =	sadd.s32 @!p0 $0x88, s6;
	s7 =	simm.s32 @p2 $0x1082  }
0x22: {  	[simem:s7], [sflag:s8] =	dma.local @!p0 [hbm:s6], $0xF7A  }
0x23: {  	s9 =	sor.u32 $0xD0000000, s2;
	s6 =	simm.s32 $0x108;
	_ =	swait.ge @!p0 [sflag:s8], $0x0  }
0x24: {  	s3 =	sadd.s32 $0x88, s3;
	s6 =	simm.s32 @!p1 $0x1082;
	[sflag:s4] =	ssyncset.s32 $0xFFFFF086  }
0x25: {  	[simem:s6], [sflag:s4] =	dma.local [hbm:s3], $0xF7A  }
0x26: {  	[smem:$0x3F94] =	sst s1;
	(tag) =	ssettag s2;
	_ =	strace s9  }
0x27: {  	s1 =	sld [smem:$0x3FA4]  }
0x28: {  	s2 =	sld [smem:$0x3FA5]  }
0x29: {  	s4 =	sld [smem:$0x3FA7]  }
0x2a: {  	p0 =	seq.s32 s5, $0x0;
	s5 =	sld [smem:$0x3FA8]  }
0x2b: {  	s6 =	sld [smem:$0x3FA9]  }
0x2c: {  	s7 =	sld [smem:$0x3FAA]  }
0x2d: {  	s3 =	simm.s32 $0x108;
	s8 =	sld [smem:$0x3FAB]  }
0x2e: {  	s3 =	simm.s32 @!p0 $0x1082;
	s9 =	sld [smem:$0x3FAC]  }
0x2f: {  	lr =	sadd.s32 s0, s3;
	s0 =	sld [smem:$0x3FA3]  }
0x30: {  	s3 =	sld [smem:$0x3FA6]  }
0x31: {  	[smem:$0x3FAF] =	sst s10  }
0x32: {  	s10 =	sld [smem:$0x3FAD];
	_ =	sdelay $0x3  }
0x33: {  	p0 =	seq.s32 s10, $0x1;
	s10 =	sld [smem:$0x3FAF];
	_ =	sdelay $0x3  }
0x34: {  	[smem:$0x3FAF] =	sst s10  }
0x35: {  	s10 =	sld [smem:$0x3FAE];
	_ =	sdelay $0x3  }
0x36: {  	p1 =	seq.s32 s10, $0x1;
	s10 =	sld [smem:$0x3FAF];
	_ =	sdelay $0x3  }
0x37: {  	[smem:$0x3FAF] =	sst s10  }
0x38: {  	s10 =	sld [smem:$0x3FB0]  }
0x39: {  	_ = 	snop;
	(pc) =	sbr.ind lr, $3  }
0x3a: {  	_ = 	snop  }
0x3b: {  	_ = 	snop  }
0x3c: {  	p2 =	seq.s32 s10, $0x1;
	s10 =	sld [smem:$0x3FAF]  }
0x3d: {  	_ =	shalt  }
0x3e: {  	_ =	shalt  }
0x3f: {  	_ =	shalt  }
0x40: {  	_ =	shalt  }
0x41: {  	_ =	shalt  }
0x42: {  	_ =	shalt  }
0x43: {  	_ =	shalt  }
0x44: {  	_ =	shalt  }
0x45: {  	_ =	shalt  }
0x46: {  	_ =	shalt  }
0x47: {  	_ =	shalt  }
0x48: {  	_ =	shalt  }
0x49: {  	_ =	shalt  }
0x4a: {  	_ =	shalt  }
0x4b: {  	_ =	shalt  }
0x4c: {  	_ =	shalt  }
0x4d: {  	_ =	shalt  }
0x4e: {  	_ =	shalt  }
0x4f: {  	_ =	shalt  }
0x50: {  	_ =	shalt  }
0x51: {  	_ =	shalt  }
0x52: {  	_ =	shalt  }
0x53: {  	_ =	shalt  }
0x54: {  	_ =	shalt  }
0x55: {  	_ =	shalt  }
0x56: {  	_ =	shalt  }
0x57: {  	_ =	shalt  }
0x58: {  	_ =	shalt  }
0x59: {  	_ =	shalt  }
0x5a: {  	_ =	shalt  }
0x5b: {  	_ =	shalt  }
0x5c: {  	_ =	shalt  }
0x5d: {  	_ =	shalt  }
0x5e: {  	_ =	shalt  }
0x5f: {  	_ =	shalt  }
0x60: {  	_ =	shalt  }
0x61: {  	_ =	shalt  }
0x62: {  	_ =	shalt  }
0x63: {  	_ =	shalt  }
0x64: {  	_ =	shalt  }
0x65: {  	_ =	shalt  }
0x66: {  	_ =	shalt  }
0x67: {  	_ =	shalt  }
0x68: {  	_ =	shalt  }
0x69: {  	_ =	shalt  }
0x6a: {  	_ =	shalt  }
0x6b: {  	_ =	shalt  }
0x6c: {  	_ =	shalt  }
0x6d: {  	_ =	shalt  }
0x6e: {  	_ =	shalt  }
0x6f: {  	_ =	shalt  }
0x70: {  	_ =	shalt  }
0x71: {  	_ =	shalt  }
0x72: {  	_ =	shalt  }
0x73: {  	_ =	shalt  }
0x74: {  	_ =	shalt  }
0x75: {  	_ =	shalt  }
0x76: {  	_ =	shalt  }
0x77: {  	_ =	shalt  }
0x78: {  	_ =	shalt  }
0x79: {  	_ =	shalt  }
0x7a: {  	_ =	shalt  }
0x7b: {  	_ =	shalt  }
0x7c: {  	_ =	shalt  }
0x7d: {  	_ =	shalt  }
0x7e: {  	_ =	shalt  }
0x7f: {  	_ =	shalt  }
0x80: {  	_ =	shalt  }
0x81: {  	_ =	shalt  }
0x82: {  	_ =	shalt  }
0x83: {  	_ =	shalt  }
0x84: {  	_ =	shalt  }
0x85: {  	_ =	shalt  }
0x86: {  	_ =	shalt  }
0x87: {  	_ =	shalt  }
.Lfunc_end0:
.L_simem_size_0:
called_computation_lowered:
.L_overlay_start_0:
0x88: {  	s2 =	sld [smem:$0x3FD9]  }
0x89: {  	s3 =	sld [smem:$0x3FFE];
	_ =	sdelay $0x1  }
0x8a: {  	s1 =	srdreg.scid  }
0x8b: {  	s0 =	sand.u32 $0x1, s1  }
0x8c: {  	s17 =	sshll.u32 s0, $0xA;
	s2 =	sadd.s32 s3, s2  }
0x8d: {  	s2 =	sadd.s32 s2, s17  }
0x8e: {  	[smem:$0x3FBB] =	sst s2  }
0x8f: {  	_ = 	snop  }
0x90: {  	s2 =	sld [smem:$0x3FD0];
	(tm) =	ssettm $0x1  }
0x91: {  	s18 =	sld [smem:$0x3FFB];
	_ =	sdelay $0x3  }
0x92: {  	_ =	strace s18  }
0x93: {  	s3 =	sld [smem:$0x3FFC];
	_ =	sdelay $0x3  }
0x94: {  	_ =	strace s3  }
0x95: {  	s3 =	sld [smem:$0x3FFD];
	_ =	sdelay $0x3  }
0x96: {  	_ =	strace s3  }
0x97: {  	_ =	strace $0x8FFFFFFF  }
0x98: {  	s19 =	sld [smem:$0x3FDB];
	_ =	sdelay $0x1  }
0x99: {  	s4 =	simm.s32 $_scs_section_size  }
0x9a: {  	s5 =	simm.s32 $_size__tile_overlayer_lowered;
	s6 =	simm.s32 $_tile_overlayer_lowered  }
0x9b: {  	s22 =	simm.s32 $0x1BFF;
	s21 =	sshll.u32 s6, $0x1;
	s3 =	sadd.s32 s4, s19  }
0x9c: {  	s7 =	simm.s32 $0x0;
	s20 =	sshll.u32 s5, $0x1;
	s5 =	sadd.s32 s21, s3  }
0x9d: {  	[timem:s7], [sflag:s22] =	dma.local [hbm:s5], s20  }
0x9e: {  	_ =	swait.ge [sflag:s22], s20  }
0x9f: {  	s4 =	ssub.s32 $0x0, s20;
	[sflag:s22] =	ssyncset.done $0x0  }
0xa0: {  	[sflag:s22] =	ssyncadd.s32 s4;
	_ =	sdelay $0x1  }
0xa1: {  	s23 =	simm.s32 $0x1B8B  }
0xa2: {  	_ =	swait.ge [sflag:s23], $0x1  }
0xa3: {  	[sflag:s23] =	ssyncset.done $0x0  }
0xa4: {  	s25 =	simm.s32 $0x1B8E;
	s24 =	sld [smem:$0x3FFE];
	[sflag:s23] =	ssyncadd.s32 $0xFFFFFFFF  }
0xa5: {  	s26 =	simm.s32 $execute0_lowered;
	[smem:$0x3FD2] =	sst s25  }
0xa6: {  	s5 =	sshll.u32 s26, $0x1;
	_ =	strace $0x80000046;
	[dreg:$0x1] =	wrdreg $0xFFFFFFFF  }
0xa7: {  	s28 =	simm.s32 $_size_execute0_lowered;
	s3 =	sadd.s32 s3, s5;
	[dreg:$0x0] =	wrdreg $0x0  }
0xa8: {  	s5 =	sshll.u32 s28, $0x1;
	[dreg:$0x2] =	wrdreg s3  }
0xa9: {  	[dreg:$0x3] =	wrdreg s5  }
0xaa: {  	[dreg:$0x4] =	wrdreg $0xC0  }
0xab: {  	_ =	task [dreg:s7], $0x5FFFF  }
0xac: {  	[dreg:$0x1] =	wrdreg $0xFFFFFFFF  }
0xad: {  	[dreg:$0x0] =	wrdreg $0x60  }
0xae: {  	[dreg:$0x2] =	wrdreg s24  }
0xaf: {  	[dreg:$0x3] =	wrdreg s2  }
0xb0: {  	[dreg:$0x4] =	wrdreg $0x68000  }
0xb1: {  	[dreg:$0x5] =	wrdreg $0x9  }
0xb2: {  	_ =	task.clear_ibuf [dreg:s7], $0x6FFFF;
	_ =	strace $0x90000046  }
0xb3: {  	s29 =	simm.s32 $0x9;
	_ =	strace $0x80000048  }
0xb4: {  	_ =	swait.ge [sflag:s29], $0x1  }
0xb5: {  	[sflag:s29] =	ssyncadd.s32 $0xFFFFFFFF  }
0xb6: {  	_ =	strace $0x90000048  }
0xb7: {  	_ =	sfence  }
0xb8: {  	s30 =	sld [smem:$0x0];
	_ =	sdelay $0x2  }
0xb9: {  	s31 =	sshll.u32 s1, $0xD;
	s1 =	sshrl.u32 s1, $0x2  }
0xba: {  	s3 =	sand.u32 $0x4000, s31;
	s1 =	sadd.s32 s1, s30  }
0xbb: {  	s0 =	sor.u32 s3, s0;
	s1 =	sshll.u32 s1, $0x11  }
0xbc: {  	s0 =	sor.u32 s1, s0  }
0xbd: {  	s0 =	sadd.s32 $0x8F2B, s0  }
0xbe: {  	[sflag:s0] =	ssyncadd.remote.s32 $0x1  }
0xbf: {  	_ =	sfence.sel $0xFFFF  }
0xc0: {  	[dreg:$0x0] =	wrdreg $0xFFFFFFFF;
	(pc) =	sbr.abs _section_cstart, $3  }
0xc1: {  	[dreg:$0x1] =	wrdreg $0xFFFFFFFF  }
0xc2: {  	_ =	task.clear_ibuf [dreg:s7], $0x2FFFF;
	_ =	strace $0x9FFFFFFF  }
0xc3: {  	(tm) =	ssettm $0x7FFFFFFF  }
tec
execute0_lowered:
.L_overlay_start_1:
0x0: {  	(tag) =	ssettag $0x1  }
0x1: {  	s8 =	rddreg [dreg:$0x0]  }
0x2: {  	s2 =	rddreg [dreg:$0x1]  }
0x3: {  	s3 =	rddreg [dreg:$0x2]  }
0x4: {  	s0 =	rddreg [dreg:$0x3]  }
0x5: {  	s1 =	stileid.u32;
	s5 =	srdreg.scid;
	s4 =	simm.s32 $0x0  }
0x6: {  	s15 =	simm.s32 $0x80;
	s17 =	simm.s32 $0x0;
	s6 =	smul.u32 $0x14000, s1  }
0x7: {  	s5 =	sand.u32 $0x1, s5;
	[smem:$0x7FF] =	sst s4;
	s29 =	smul.u32 $0x50000, s1  }
0x8: {  	s28 =	sshll.u32 s1, $0x1;
	s16 =	sshll.u32 s1, $0x6;
	s7 =	smul.u32 $0x140000, s5  }
0x9: {  	_ =	strace $0x80000047;
	s10 =	ssub.s32 $0x2, s5;
	s11 =	sor.u32 s5, s28  }
0xa: {  	s9 =	sshrl.u32 s6, $0x3;
	s30 =	sshrl.u32 s10, $0x1;
	s12 =	smul.u32 $0x2800, s11  }
0xb: {  	s5 =	sshrl.u32 s29, $0x2;
	p0 =	seq.s32 s11, $0x1F;
	s9 =	sadd.s32 s9, s8  }
0xc: {  	s6 =	sadd.s32 s6, s7;
	s10 =	ssub.s32 s10, s30;
	s14 =	sadd.s32 s5, s3  }
0xd: {  	s6 =	sshrl.u32 s6, $0x3;
	s31 =	sshrl.u32 s12, $0x3;
	s5 =	sadd.s32 $0x16E00, s9  }
0xe: {  	s10 =	smax.u32 s10, $0x1;
	s11 =	sshrl.u32 s14, $0x3;
	s12 =	simm.s32 $0x2800  }
0xf: {  	s14 =	simm.s32 $0x1;
	s13 =	sadd.s32 s6, s8;
	s6 =	sor.u32 $0x1C01, s16  }
0x10: {  	s7 =	sadd.s32 s8, s31;
	s8 =	sadd.s32 $0x16B80, s8;
	s16 =	sor.u32 $0x1C02, s16  }
0x11: {  	s7 =	sadd.s32 $0xD080, s7;
	s9 =	sadd.s32 $0x3EE00, s13;
	s13 =	simm.s32 $0x2  }
.LBB2_1:
0x12: {  	[spmem:s11], [sflag:s6] =	dma.local [hbm:s5], $0x2800  }
0x13: {  	[tilespmem:s12], [sflag:$0x2] =	stream.linear.gather [hbm4b:s2+s4], $0x4000, $0x38;
	[tilespmem:$0x1A800] =	vst v63  }
0x14: {  	_ =	swait.ge [sflag:s13], $0x4000  }
0x15: {  	[sflag:s13] =	ssyncset.done $0x0  }
0x16: {  	s18 =	simm.s32 @p0 $0x0;
	[sflag:s13] =	ssyncadd.s32 $0xFFFFC000  }
0x17: {  	[tilespmem:s18], [sflag:$0x2] =	stream.linear.gather @p0 [hbm4b:s8+s18], $0xA00, $0x38;
	[tilespmem:$0x1A800] =	vst v63  }
0x18: {  	s18 =	simm.s32 @p0 $0x2  }
0x19: {  	_ =	swait.ge @p0 [sflag:s18], $0xA00  }
0x1a: {  	[sflag:s18] =	ssyncset.done @p0 $0x0  }
0x1b: {  	[sflag:s18] =	ssyncadd.s32 @p0 $0xFFFFF600;
	s18 =	simm.s32 @!p0 $0x0  }
0x1c: {  	[tilespmem:s18], [sflag:$0x2] =	stream.linear.gather @!p0 [hbm4b:s7+s18], $0x2800, $0x38;
	[tilespmem:$0x1A800] =	vst v63  }
0x1d: {  	s18 =	simm.s32 @!p0 $0x2  }
0x1e: {  	_ =	swait.ge @!p0 [sflag:s18], $0x2800  }
0x1f: {  	[sflag:s18] =	ssyncset.done @!p0 $0x0  }
0x20: {  	[sflag:s18] =	ssyncadd.s32 @!p0 $0xFFFFD800;
	s18 =	simm.s32 @!p0 $0x50  }
0x21: {  	_ =	swait.ge [sflag:s14], $0x2800;
	s18 =	simm.s32 @p0 $0x14  }
0x22: {  	[sflag:s14] =	ssyncset.done $0x0;
	p1 =	sne.s32 s18, $0x1  }
.Ltmp0:
0x23: {  	[sflag:s14] =	ssyncadd.s32 $0xFFFFD800;
	(pc) =	sbr.rel @!p1 .LBB2_3-.Ltmp0, $4  }
0x24: {  	[bflag:$0x0] =	sbarrier.arrive $0xFFFF  }
0x25: {  	[spmem:s3] =	stream.indirect.scatter.add.f32 [tilespmem:s12], [sflag:$0x2], $0x80, s4, s15, $0xb8;
	[tilespmem:$0x1A800] =	vst v63  }
0x26: {  	_ =	swait.ge [sflag:s13], $0x4000  }
0x27: {  	s19 =	simm.s32 $0x0;
	s18 =	sadd.s32 $0xFFFFFFFF, s18;
	[sflag:s13] =	ssyncset.done $0x0  }
.LBB2_2:
0x28: {  	p1 =	sne.s32 s18, $0x1;
	[sflag:s13] =	ssyncadd.s32 $0xFFFFC000;
	s19 =	sadd.s32 $0x80, s19  }
.Ltmp1:
0x29: {  	s18 =	sadd.s32 $0xFFFFFFFF, s18;
	(pc) =	sbr.rel @p1 .LBB2_2-.Ltmp1, $4  }
0x2a: {  	_ = 	snop  }
0x2b: {  	[spmem:s3] =	stream.indirect.scatter.add.f32 [tilespmem:s12], [sflag:$0x2], $0x80, s19, s15, $0xb8;
	[tilespmem:$0x1A800] =	vst v63  }
0x2c: {  	_ =	swait.ge [sflag:s13], $0x4000  }
0x2d: {  	[sflag:s13] =	ssyncset.done $0x0  }
.LBB2_3:
0x2e: {  	s17 =	sadd.s32 $0x1, s17  }
0x2f: {  	[sflag:s13] =	ssyncadd.s32 $0xFFFFC000;
	p1 =	sne.s32 s17, s10  }
.Ltmp2:
0x30: {  	[bflag:$0x0] =	sbarrier.arrive $0xFFFF;
	(pc) =	sbr.rel @p1 .LBB2_1-.Ltmp2, $4  }
0x31: {  	[hbm:s9], [sflag:s16] =	dma.local [spmem:s11], $0x2800  }
0x32: {  	_ =	swait.ge [sflag:s13], $0x2800  }
0x33: {  	[sflag:s13] =	ssyncset.done $0x0  }
0x34: {  	[sflag:s13] =	ssyncadd.s32 $0xFFFFD800  }
0x35: {  	_ =	sfence.sel $0x180000  }
0x36: {  	[bflag:$0x0] =	sbarrier.arrive $0xFFFF  }
0x37: {  	p0 =	sne.s32 s1, $0x0;
	_ =	strace $0x90000047  }
0x38: {  	s0 =	sadd.s32 @!p0 $0x100000, s0;
	[bflag:$0x2] =	sbarrier.arrive $0xFFFF  }
0x39: {  	[sflag:s0] =	ssyncadd.tile.s32 @!p0 $0x1;
	_ =	shalt  }
.Lfunc_end2:
_tile_overlayer_lowered:
.L_overlay_start_2:
0x3a: {  	(tag) =	ssettag $0x2  }
0x3b: {  	s0 =	rddreg [dreg:$0x0];
	s2 =	stileid.u32  }
0x3c: {  	s1 =	rddreg [dreg:$0x1];
	p0 =	sne.s32 s2, $0x0  }
0x3d: {  	s3 =	rddreg [dreg:$0x2];
	[bflag:$0x3] =	sbarrier.arrive $0xFFFF;
	s2 =	simm.s32 @!p0 $0x1C02  }
0x3e: {  	[timem:s3], [sflag:s2] =	dma.local @!p0 [hbm:s0], s1  }
0x3f: {  	s0 =	simm.s32 @!p0 $0x2  }
0x40: {  	_ =	swait.ge @!p0 [sflag:s0], s1  }
0x41: {  	s1 =	ssub.s32 @!p0 $0x0, s1;
	[sflag:s0] =	ssyncset.done @!p0 $0x0  }
0x42: {  	[sflag:s0] =	ssyncadd.s32 @!p0 s1  }
0x43: {  	[bflag:$0x3] =	sbarrier.arrive $0xFFFF  }
0x44: {  	_ =	shalt  }

</sc_bundles>
